<compile_context>
chip_gen: v7x
topology: tpu7x:2x2x1
jax: 0.10.2.dev20260603
libtpu: 0.0.44.dev20260713+nightly
codegen_flags: <defaults>
</compile_context>

<pallas_src>
import dataclasses

import jax
import jax.numpy as jnp
from jax import lax
from jax.experimental import pallas as pl
from jax.experimental.pallas import tpu as pltpu
from jax.experimental.pallas import tpu_sc as plsc

N = 10000
NP = 10240
D = 128
E = 320000
CHUNK = 128
NCHUNK = 2560
NCORE = 2
NSUB = 16
CPW = NCHUNK // (NCORE * NSUB)
RPT = NP // NSUB
JUNK = N
BLK = 2560
GRID = NP // BLK

_f32 = jnp.float32
_mesh = plsc.VectorSubcoreMesh(core_axis_name="c", subcore_axis_name="s")

_cp = pltpu.CompilerParams()
if "needs_layout_passes" in pltpu.CompilerParams.__dataclass_fields__:
    _cp = dataclasses.replace(_cp, needs_layout_passes=False)



BSH = 5
NBUK = NP >> BSH
EPT = CPW * CHUNK
NGRP = EPT // 16


def _deg_body(srcc_hbm, dstc_hbm, ones_hbm, zeros_hbm, dsrc_hbm, ddst_hbm,
              sidx_v, didx_v, ones_v, acc_s, acc_d):
    c = lax.axis_index("c")
    s = lax.axis_index("s")
    w = c * NSUB + s
    rows = pl.ds(s * RPT, RPT)
    chunks = pl.ds(w * CPW, CPW)
    pltpu.sync_copy(zeros_hbm, acc_s.at[rows])
    pltpu.sync_copy(zeros_hbm, acc_d.at[rows])
    pltpu.sync_copy(ones_hbm, ones_v)
    pltpu.sync_copy(srcc_hbm.at[chunks], sidx_v)
    pltpu.sync_copy(dstc_hbm.at[chunks], didx_v)
    plsc.subcore_barrier()

    @pl.loop(0, CPW)
    def _(r):
        pltpu.sync_copy(ones_v, acc_s.at[sidx_v.at[r]], add=True)
        pltpu.sync_copy(ones_v, acc_d.at[didx_v.at[r]], add=True)

    plsc.subcore_barrier()
    pltpu.sync_copy(acc_s.at[rows], dsrc_hbm.at[c, rows])
    pltpu.sync_copy(acc_d.at[rows], ddst_hbm.at[c, rows])


def _sort_body(srcc_hbm, dstc_hbm, ssrt_hbm, dsrt_hbm,
               sidx_v, didx_v, sbuf_v, dbuf_v, hist_v, offs_v,
               starts_v, carry_v):
    c = lax.axis_index("c")
    s = lax.axis_index("s")
    w = c * NSUB + s
    chunks = pl.ds(w * CPW, CPW)
    pltpu.sync_copy(srcc_hbm.at[chunks], sidx_v)
    pltpu.sync_copy(dstc_hbm.at[chunks], didx_v)

    lanes = lax.iota(jnp.int32, 16)
    ones_i = jnp.ones((16,), jnp.int32)

    for l in range(16):
        @pl.loop(0, NBUK // 16)
        def _(g, l=l):
            hist_v[l, pl.ds(g * 16, 16)] = jnp.zeros((16,), jnp.int32)

    @pl.loop(0, CPW)
    def _(r):
        @pl.loop(0, CHUNK // 16)
        def _(g):
            vec = sidx_v[r, pl.ds(g * 16, 16)]
            plsc.addupdate_scatter(hist_v, [lanes, vec >> BSH], ones_i)

    carry_v[...] = jnp.zeros((16,), jnp.int32)

    @pl.loop(0, NBUK // 16)
    def _(g):
        bs = pl.ds(g * 16, 16)
        tot = hist_v[0, bs]
        for l in range(1, 16):
            tot = tot + hist_v[l, bs]
        excl = plsc.cumsum(tot) - tot
        carry = carry_v[...]
        starts_v[bs] = excl + carry
        carry_v[...] = carry + lax.reduce_sum(tot, axes=(0,))

    @pl.loop(0, NBUK // 16)
    def _(g):
        bs = pl.ds(g * 16, 16)
        run = starts_v[bs]
        for l in range(16):
            offs_v[l, bs] = run
            run = run + hist_v[l, bs]

    @pl.loop(0, CPW)
    def _(r):
        @pl.loop(0, CHUNK // 16)
        def _(g):
            gs = pl.ds(g * 16, 16)
            sv = sidx_v[r, gs]
            dv = didx_v[r, gs]
            pos = plsc.load_gather(offs_v, [lanes, sv >> BSH])
            plsc.addupdate_scatter(offs_v, [lanes, sv >> BSH], ones_i)
            hi = lax.shift_right_logical(pos, 7)
            lo = lax.bitwise_and(pos, 127)
            plsc.store_scatter(sbuf_v, [hi, lo], sv)
            plsc.store_scatter(dbuf_v, [hi, lo], dv)

    pltpu.sync_copy(sbuf_v, ssrt_hbm.at[chunks])
    pltpu.sync_copy(dbuf_v, dsrt_hbm.at[chunks])


NIB = 8


def _agg_body(y_hbm, srcc_hbm, dstc_hbm, zeros_hbm, out_hbm,
              sidx_v, didx_v, rows_a, rows_b, acc, sem_a, sem_b):
    c = lax.axis_index("c")
    s = lax.axis_index("s")
    w = c * NSUB + s
    rows = pl.ds(s * RPT, RPT)
    pltpu.sync_copy(zeros_hbm, acc.at[rows])
    plsc.subcore_barrier()

    @pl.loop(0, CPW // NIB)
    def _(ob):
        base = w * CPW + ob * NIB
        pltpu.sync_copy(srcc_hbm.at[pl.ds(base, NIB)], sidx_v)
        pltpu.sync_copy(dstc_hbm.at[pl.ds(base, NIB)], didx_v)
        pltpu.async_copy(y_hbm.at[sidx_v.at[0]], rows_a, sem_a)

        @pl.loop(0, NIB // 2 - 1)
        def _(r):
            i0 = 2 * r
            pltpu.async_copy(y_hbm.at[sidx_v.at[i0 + 1]], rows_b, sem_b)
            pltpu.make_async_copy(
                y_hbm.at[sidx_v.at[i0]], rows_a, sem_a).wait()
            pltpu.sync_copy(rows_a, acc.at[didx_v.at[i0]], add=True)
            pltpu.async_copy(y_hbm.at[sidx_v.at[i0 + 2]], rows_a, sem_a)
            pltpu.make_async_copy(
                y_hbm.at[sidx_v.at[i0 + 1]], rows_b, sem_b).wait()
            pltpu.sync_copy(rows_b, acc.at[didx_v.at[i0 + 1]], add=True)

        pltpu.async_copy(y_hbm.at[sidx_v.at[NIB - 1]], rows_b, sem_b)
        pltpu.make_async_copy(
            y_hbm.at[sidx_v.at[NIB - 2]], rows_a, sem_a).wait()
        pltpu.sync_copy(rows_a, acc.at[didx_v.at[NIB - 2]], add=True)
        pltpu.make_async_copy(
            y_hbm.at[sidx_v.at[NIB - 1]], rows_b, sem_b).wait()
        pltpu.sync_copy(rows_b, acc.at[didx_v.at[NIB - 1]], add=True)

    plsc.subcore_barrier()
    pltpu.sync_copy(acc.at[rows], out_hbm.at[c, rows])


def _sc_degrees(srcc, dstc, ones16, zeros16):
    return pl.kernel(
        _deg_body,
        out_type=(jax.ShapeDtypeStruct((NCORE, NP, 16), _f32),
                  jax.ShapeDtypeStruct((NCORE, NP, 16), _f32)),
        mesh=_mesh,
        scratch_types=[
            pltpu.VMEM((CPW, CHUNK), jnp.int32),
            pltpu.VMEM((CPW, CHUNK), jnp.int32),
            pltpu.VMEM((CHUNK, 16), _f32),
            pltpu.VMEM_SHARED((NP, 16), _f32),
            pltpu.VMEM_SHARED((NP, 16), _f32),
        ],
    )(srcc, dstc, ones16, zeros16)


def _sc_sort(srcc, dstc):
    return pl.kernel(
        _sort_body,
        out_type=(jax.ShapeDtypeStruct((NCHUNK, CHUNK), jnp.int32),
                  jax.ShapeDtypeStruct((NCHUNK, CHUNK), jnp.int32)),
        mesh=_mesh,
        compiler_params=_cp,
        scratch_types=[
            pltpu.VMEM((CPW, CHUNK), jnp.int32),
            pltpu.VMEM((CPW, CHUNK), jnp.int32),
            pltpu.VMEM((CPW, CHUNK), jnp.int32),
            pltpu.VMEM((CPW, CHUNK), jnp.int32),
            pltpu.VMEM((16, NBUK), jnp.int32),
            pltpu.VMEM((16, NBUK), jnp.int32),
            pltpu.VMEM((NBUK,), jnp.int32),
            pltpu.VMEM((16,), jnp.int32),
        ],
    )(srcc, dstc)


def _sc_aggregate(y, srcc, dstc, zeros128):
    return pl.kernel(
        _agg_body,
        out_type=jax.ShapeDtypeStruct((NCORE, NP, D), _f32),
        mesh=_mesh,
        scratch_types=[
            pltpu.VMEM((NIB, CHUNK), jnp.int32),
            pltpu.VMEM((NIB, CHUNK), jnp.int32),
            pltpu.VMEM((CHUNK, D), _f32),
            pltpu.VMEM((CHUNK, D), _f32),
            pltpu.VMEM_SHARED((NP, D), _f32),
            pltpu.SemaphoreType.DMA,
            pltpu.SemaphoreType.DMA,
        ],
    )(y, srcc, dstc, zeros128)



def _mm_body(x_ref, w_ref, o_ref):
    o_ref[...] = jnp.dot(x_ref[...], w_ref[...],
                         preferred_element_type=jnp.float32)


def _scale_body(z_ref, ds_ref, o_ref):
    d = ds_ref[...]
    o_ref[...] = z_ref[...] * lax.rsqrt(d[0, :, 0:1] + d[1, :, 0:1] + 1.0)


def _mid_body(p_ref, y_ref, dd_ref, ds_ref, b_ref, w_ref, o_ref):
    p = p_ref[...]
    dd = dd_ref[...]
    ds_ = ds_ref[...]
    sd = lax.rsqrt(dd[0, :, 0:1] + dd[1, :, 0:1] + 1.0)
    ss = lax.rsqrt(ds_[0, :, 0:1] + ds_[1, :, 0:1] + 1.0)
    h = jnp.maximum((p[0] + p[1] + y_ref[...]) * sd + b_ref[...], 0.0)
    o_ref[...] = jnp.dot(h, w_ref[...],
                         preferred_element_type=jnp.float32) * ss


def _fin_body(p_ref, y_ref, dd_ref, b_ref, o_ref):
    p = p_ref[...]
    dd = dd_ref[...]
    sd = lax.rsqrt(dd[0, :, 0:1] + dd[1, :, 0:1] + 1.0)
    o_ref[...] = (p[0] + p[1] + y_ref[...]) * sd + b_ref[...]


def _row_spec(width=D):
    return pl.BlockSpec((BLK, width), lambda i: (i, 0))


def _deg_spec():
    return pl.BlockSpec((NCORE, BLK, 16), lambda i: (0, i, 0))


def _part_spec():
    return pl.BlockSpec((NCORE, BLK, D), lambda i: (0, i, 0))


def _full_spec(shape):
    return pl.BlockSpec(shape, lambda i: tuple(0 for _ in shape))


def _tc_matmul(x, w):
    return pl.pallas_call(
        _mm_body, grid=(GRID,),
        in_specs=[_row_spec(), _full_spec((D, D))],
        out_specs=_row_spec(),
        out_shape=jax.ShapeDtypeStruct((NP, D), _f32))(x, w)


def _tc_scale(z, dsrc):
    return pl.pallas_call(
        _scale_body, grid=(GRID,),
        in_specs=[_row_spec(), _deg_spec()],
        out_specs=_row_spec(),
        out_shape=jax.ShapeDtypeStruct((NP, D), _f32))(z, dsrc)


def _tc_mid(p, y, ddst, dsrc, b, w):
    return pl.pallas_call(
        _mid_body, grid=(GRID,),
        in_specs=[_part_spec(), _row_spec(), _deg_spec(), _deg_spec(),
                  _full_spec((1, D)), _full_spec((D, D))],
        out_specs=_row_spec(),
        out_shape=jax.ShapeDtypeStruct((NP, D), _f32))(p, y, ddst, dsrc, b, w)


def _tc_final(p, y, ddst, b):
    return pl.pallas_call(
        _fin_body, grid=(GRID,),
        in_specs=[_part_spec(), _row_spec(), _deg_spec(), _full_spec((1, D))],
        out_specs=_row_spec(),
        out_shape=jax.ShapeDtypeStruct((NP, D), _f32))(p, y, ddst, b)



def kernel(x, edge_index, W1, b1, W2, b2):
    x_pad = jnp.concatenate(
        [x, jnp.zeros((NP - N, D), _f32)], axis=0)
    pad = jnp.full((2, NCHUNK * CHUNK - E), JUNK, jnp.int32)
    e_pad = jnp.concatenate([edge_index, pad], axis=1)
    srcc = e_pad[0].reshape(NCHUNK, CHUNK)
    dstc = e_pad[1].reshape(NCHUNK, CHUNK)
    ones16 = jnp.ones((CHUNK, 16), _f32)
    zeros16 = jnp.zeros((RPT, 16), _f32)
    zeros128 = jnp.zeros((RPT, D), _f32)
    b1r = b1.reshape(1, D)
    b2r = b2.reshape(1, D)

    dsrc, ddst = _sc_degrees(srcc, dstc, ones16, zeros16)
    ssrt, dsrt = _sc_sort(srcc, dstc)

    z1 = _tc_matmul(x_pad, W1)
    y1 = _tc_scale(z1, dsrc)
    p1 = _sc_aggregate(y1, ssrt, dsrt, zeros128)

    y2 = _tc_mid(p1, y1, ddst, dsrc, b1r, W2)
    p2 = _sc_aggregate(y2, ssrt, dsrt, zeros128)
    out = _tc_final(p2, y2, ddst, b2r)

    return out[:N][None]

# --- scband reference (transcript-rebuilt; emitter-appended) ---
"""Pipeline reference for scband-simple-gcn-71339406787240 (READ-ONLY COPY).

The authoritative reference and input builder live on the scoring server;
editing this copy changes nothing except your own understanding.
"""

import jax, jax.numpy as jnp
import numpy as np

N = 10000
E = 320000
D_IN = 128
D_HID = 128
D_OUT = 128


def setup_inputs(seed: int = 0) -> dict:
    key = jax.random.key(seed)
    ks = jax.random.split(key, 7)
    x = jax.random.normal(ks[0], (N, D_IN), dtype=jnp.float32)
    edge_index = jax.random.randint(ks[1], (2, E), 0, N, dtype=jnp.int32)
    W1 = jax.random.normal(ks[2], (D_IN, D_HID), dtype=jnp.float32) * 0.05
    b1 = jnp.zeros((D_HID,), dtype=jnp.float32)
    W2 = jax.random.normal(ks[3], (D_HID, D_OUT), dtype=jnp.float32) * 0.05
    b2 = jnp.zeros((D_OUT,), dtype=jnp.float32)
    return {"x": x, "edge_index": edge_index, "W1": W1, "b1": b1, "W2": W2, "b2": b2}


def _gcn_conv(h, src, dst, W, b, n_nodes):
    # DGL GraphConv with norm='both': D^{-1/2} A D^{-1/2} X W + b
    deg_out = jnp.zeros((n_nodes,), jnp.float32).at[src].add(1.0)
    deg_in = jnp.zeros((n_nodes,), jnp.float32).at[dst].add(1.0)
    h = h * jax.lax.rsqrt(deg_out)[:, None]
    msg = jnp.take(h, src, axis=0)
    agg = jnp.zeros((n_nodes, h.shape[1]), jnp.float32).at[dst].add(msg)
    agg = agg * jax.lax.rsqrt(deg_in)[:, None]
    return agg @ W + b


def reference(x, edge_index, W1, b1, W2, b2):
    # g = dgl.add_self_loop(g)
    loop = jnp.arange(N, dtype=edge_index.dtype)
    src = jnp.concatenate([edge_index[0], loop])
    dst = jnp.concatenate([edge_index[1], loop])
    h = _gcn_conv(x, src, dst, W1, b1, N)
    h = jax.nn.relu(h)
    h = _gcn_conv(h, src, dst, W2, b2, N)
    return h[None]  # unsqueeze(0) -> [1, N, out_features]

if __name__ == "__main__":
    import jax
    _d = setup_inputs()
    print(jax.jit(kernel)(*tuple(_d.values())))

</pallas_src>

<mosaic_0001>
#map = affine_map<(d0, d1) -> (0, 0)>
#map1 = affine_map<(d0, d1) -> (0, 0, 0)>
module attributes {stable_mosaic.version = 14 : i64} {
  func.func @_agg_body(%arg0: i32, %arg1: i32, %arg2: memref<10240x128xf32, #tpu.memory_space<hbm>>, %arg3: memref<2560x128xi32, #tpu.memory_space<hbm>>, %arg4: memref<2560x128xi32, #tpu.memory_space<hbm>>, %arg5: memref<640x128xf32, #tpu.memory_space<hbm>>, %arg6: memref<2x10240x128xf32, #tpu.memory_space<hbm>>, %arg7: memref<8x128xi32, #tpu.memory_space<vmem>>, %arg8: memref<8x128xi32, #tpu.memory_space<vmem>>, %arg9: memref<128x128xf32, #tpu.memory_space<vmem>>, %arg10: memref<128x128xf32, #tpu.memory_space<vmem>>, %arg11: memref<10240x128xf32, #tpu.memory_space<vmem_shared>>, %arg12: memref<!tpu.dma_semaphore, #tpu.memory_space<semaphore_mem>>, %arg13: memref<!tpu.dma_semaphore, #tpu.memory_space<semaphore_mem>>) attributes {dimension_semantics = [#tpu.dimension_semantics<core_parallel>, #tpu.dimension_semantics<subcore_parallel>], iteration_bounds = array<i64: 2, 16>, scalar_prefetch = 0 : i64, scratch_operands = 7 : i64, tpu.core_type = #tpu.core_type<sc_vector_subcore>, window_params = [{transform_indices = #map}, {transform_indices = #map}, {transform_indices = #map}, {transform_indices = #map}, {transform_indices = #map1}]} {
    %mul3A = arith.constant 16 : i32
    %mul3A_0 = arith.muli %arg0, %mul3A : i32
    %add3A = arith.addi %mul3A_0, %arg1 : i32
    %mul3A_1 = arith.constant 640 : i32
    %mul3A_2 = arith.muli %arg1, %mul3A_1 : i32
    "tpu.region"() ({
      %run_scoped3A = tpu.sem_alloc : memref<!tpu.dma_semaphore, #tpu.memory_space<semaphore_mem>>
      %dma_start3A = arith.constant 0 : i32
      %dma_start3A_8 = tpu.memref_slice %arg11[%mul3A_2, %dma_start3A] : memref<10240x128xf32, #tpu.memory_space<vmem_shared>> -> memref<640x128xf32, #tpu.memory_space<vmem_shared>>
      tpu.enqueue_dma source(%arg5 : memref<640x128xf32, #tpu.memory_space<hbm>>) target(%dma_start3A_8 : memref<640x128xf32, #tpu.memory_space<vmem_shared>>) target_semaphore(%run_scoped3A : memref<!tpu.dma_semaphore, #tpu.memory_space<semaphore_mem>>)
      %dma_wait3A = arith.constant 0 : i32
      %dma_wait3A_9 = tpu.memref_slice %arg11[%mul3A_2, %dma_wait3A] : memref<10240x128xf32, #tpu.memory_space<vmem_shared>> -> memref<640x128xf32, #tpu.memory_space<vmem_shared>>
      tpu.wait_dma2 semaphore(%run_scoped3A : memref<!tpu.dma_semaphore, #tpu.memory_space<semaphore_mem>>) src(%arg5 : memref<640x128xf32, #tpu.memory_space<hbm>>) dst(%dma_wait3A_9 : memref<640x128xf32, #tpu.memory_space<vmem_shared>>)
      tpu.yield
    }) : () -> ()
    %barrier3A = arith.constant 0 : index
    tpu.barrier barrier_id(%barrier3A)
    %scan3A = arith.constant 0 : i32
    %scan3A_3 = arith.constant 10 : i32
    %scan3A_4 = arith.addi %scan3A, %scan3A_3 : i32
    %scan3A_5 = arith.constant 1 : i32
    scf.for %scan3A_8 = %scan3A to %scan3A_4 step %scan3A_5  : i32 {
      %mul3A_9 = arith.constant 1 : i32
      %mul3A_10 = arith.muli %scan3A_8, %mul3A_9 : i32
      %add3A_11 = arith.constant 0 : i32
      %add3A_12 = arith.addi %add3A_11, %mul3A_10 : i32
      %mul3A_13 = arith.constant 80 : i32
      %mul3A_14 = arith.muli %add3A, %mul3A_13 : i32
      %mul3A_15 = arith.constant 8 : i32
      %mul3A_16 = arith.muli %add3A_12, %mul3A_15 : i32
      %add3A_17 = arith.addi %mul3A_14, %mul3A_16 : i32
      "tpu.region"() ({
        %run_scoped3A_50 = tpu.sem_alloc : memref<!tpu.dma_semaphore, #tpu.memory_space<semaphore_mem>>
        %dma_start3A_51 = arith.constant 0 : i32
        %dma_start3A_52 = tpu.memref_slice %arg3[%add3A_17, %dma_start3A_51] : memref<2560x128xi32, #tpu.memory_space<hbm>> -> memref<8x128xi32, #tpu.memory_space<hbm>>
        %dma_start3A_53 = arith.constant 0 : i32
        %dma_start3A_54 = tpu.memref_slice %arg3[%add3A_17, %dma_start3A_53] : memref<2560x128xi32, #tpu.memory_space<hbm>> -> memref<8x128xi32, #tpu.memory_space<hbm>>
        tpu.enqueue_dma source(%dma_start3A_54 : memref<8x128xi32, #tpu.memory_space<hbm>>) target(%arg7 : memref<8x128xi32, #tpu.memory_space<vmem>>) target_semaphore(%run_scoped3A_50 : memref<!tpu.dma_semaphore, #tpu.memory_space<semaphore_mem>>)
        %dma_wait3A_55 = arith.constant 0 : i32
        %dma_wait3A_56 = tpu.memref_slice %arg3[%add3A_17, %dma_wait3A_55] : memref<2560x128xi32, #tpu.memory_space<hbm>> -> memref<8x128xi32, #tpu.memory_space<hbm>>
        %dma_wait3A_57 = arith.constant 0 : i32
        %dma_wait3A_58 = tpu.memref_slice %arg3[%add3A_17, %dma_wait3A_57] : memref<2560x128xi32, #tpu.memory_space<hbm>> -> memref<8x128xi32, #tpu.memory_space<hbm>>
        tpu.wait_dma2 semaphore(%run_scoped3A_50 : memref<!tpu.dma_semaphore, #tpu.memory_space<semaphore_mem>>) src(%dma_wait3A_58 : memref<8x128xi32, #tpu.memory_space<hbm>>) dst(%arg7 : memref<8x128xi32, #tpu.memory_space<vmem>>)
        tpu.yield
      }) : () -> ()
      "tpu.region"() ({
        %run_scoped3A_50 = tpu.sem_alloc : memref<!tpu.dma_semaphore, #tpu.memory_space<semaphore_mem>>
        %dma_start3A_51 = arith.constant 0 : i32
        %dma_start3A_52 = tpu.memref_slice %arg4[%add3A_17, %dma_start3A_51] : memref<2560x128xi32, #tpu.memory_space<hbm>> -> memref<8x128xi32, #tpu.memory_space<hbm>>
        %dma_start3A_53 = arith.constant 0 : i32
        %dma_start3A_54 = tpu.memref_slice %arg4[%add3A_17, %dma_start3A_53] : memref<2560x128xi32, #tpu.memory_space<hbm>> -> memref<8x128xi32, #tpu.memory_space<hbm>>
        tpu.enqueue_dma source(%dma_start3A_54 : memref<8x128xi32, #tpu.memory_space<hbm>>) target(%arg8 : memref<8x128xi32, #tpu.memory_space<vmem>>) target_semaphore(%run_scoped3A_50 : memref<!tpu.dma_semaphore, #tpu.memory_space<semaphore_mem>>)
        %dma_wait3A_55 = arith.constant 0 : i32
        %dma_wait3A_56 = tpu.memref_slice %arg4[%add3A_17, %dma_wait3A_55] : memref<2560x128xi32, #tpu.memory_space<hbm>> -> memref<8x128xi32, #tpu.memory_space<hbm>>
        %dma_wait3A_57 = arith.constant 0 : i32
        %dma_wait3A_58 = tpu.memref_slice %arg4[%add3A_17, %dma_wait3A_57] : memref<2560x128xi32, #tpu.memory_space<hbm>> -> memref<8x128xi32, #tpu.memory_space<hbm>>
        tpu.wait_dma2 semaphore(%run_scoped3A_50 : memref<!tpu.dma_semaphore, #tpu.memory_space<semaphore_mem>>) src(%dma_wait3A_58 : memref<8x128xi32, #tpu.memory_space<hbm>>) dst(%arg8 : memref<8x128xi32, #tpu.memory_space<vmem>>)
        tpu.yield
      }) : () -> ()
      %dma_start3A = arith.constant 0 : i32
      %dma_start3A_18 = arith.constant 0 : i32
      %dma_start3A_19 = tpu.memref_slice %arg7[%dma_start3A, %dma_start3A_18] : memref<8x128xi32, #tpu.memory_space<vmem>> -> memref<1x128xi32, #tpu.memory_space<vmem>>
      %dma_start3A_20 = tpu.memref_squeeze %dma_start3A_19 : memref<1x128xi32, #tpu.memory_space<vmem>> -> memref<128xi32, #tpu.memory_space<vmem>>
      %dma_start3A_21 = arith.constant 0 : i32
      %dma_start3A_22 = arith.constant 0 : i32
      %dma_start3A_23 = tpu.memref_slice %arg2[%dma_start3A_21, %dma_start3A_22] : memref<10240x128xf32, #tpu.memory_space<hbm>> -> memref<10240x128xf32, #tpu.memory_space<hbm>>
      tpu.enqueue_indirect_dma source(%dma_start3A_23 : memref<10240x128xf32, #tpu.memory_space<hbm>>) target(%arg9 : memref<128x128xf32, #tpu.memory_space<vmem>>) offsets(%dma_start3A_20 : memref<128xi32, #tpu.memory_space<vmem>>) semaphore(%arg12 : memref<!tpu.dma_semaphore, #tpu.memory_space<semaphore_mem>>)
      %scan3A_24 = arith.constant 0 : i32
      %scan3A_25 = arith.constant 3 : i32
      %scan3A_26 = arith.addi %scan3A_24, %scan3A_25 : i32
      %scan3A_27 = arith.constant 1 : i32
      scf.for %scan3A_50 = %scan3A_24 to %scan3A_26 step %scan3A_27  : i32 {
        %mul3A_51 = arith.constant 1 : i32
        %mul3A_52 = arith.muli %scan3A_50, %mul3A_51 : i32
        %add3A_53 = arith.constant 0 : i32
        %add3A_54 = arith.addi %add3A_53, %mul3A_52 : i32
        %mul3A_55 = arith.constant 2 : i32
        %mul3A_56 = arith.muli %mul3A_55, %add3A_54 : i32
        %add3A_57 = arith.constant 1 : i32
        %add3A_58 = arith.addi %mul3A_56, %add3A_57 : i32
        %dma_start3A_59 = arith.constant 0 : i32
        %dma_start3A_60 = tpu.memref_slice %arg7[%add3A_58, %dma_start3A_59] : memref<8x128xi32, #tpu.memory_space<vmem>> -> memref<1x128xi32, #tpu.memory_space<vmem>>
        %dma_start3A_61 = tpu.memref_squeeze %dma_start3A_60 : memref<1x128xi32, #tpu.memory_space<vmem>> -> memref<128xi32, #tpu.memory_space<vmem>>
        %dma_start3A_62 = arith.constant 0 : i32
        %dma_start3A_63 = arith.constant 0 : i32
        %dma_start3A_64 = tpu.memref_slice %arg2[%dma_start3A_62, %dma_start3A_63] : memref<10240x128xf32, #tpu.memory_space<hbm>> -> memref<10240x128xf32, #tpu.memory_space<hbm>>
        tpu.enqueue_indirect_dma source(%dma_start3A_64 : memref<10240x128xf32, #tpu.memory_space<hbm>>) target(%arg10 : memref<128x128xf32, #tpu.memory_space<vmem>>) offsets(%dma_start3A_61 : memref<128xi32, #tpu.memory_space<vmem>>) semaphore(%arg13 : memref<!tpu.dma_semaphore, #tpu.memory_space<semaphore_mem>>)
        %dma_wait3A_65 = arith.constant 0 : i32
        %dma_wait3A_66 = tpu.memref_slice %arg7[%mul3A_56, %dma_wait3A_65] : memref<8x128xi32, #tpu.memory_space<vmem>> -> memref<1x128xi32, #tpu.memory_space<vmem>>
        %dma_wait3A_67 = tpu.memref_squeeze %dma_wait3A_66 : memref<1x128xi32, #tpu.memory_space<vmem>> -> memref<128xi32, #tpu.memory_space<vmem>>
        %dma_wait3A_68 = arith.constant 0 : i32
        %dma_wait3A_69 = arith.constant 0 : i32
        %dma_wait3A_70 = tpu.memref_slice %arg2[%dma_wait3A_68, %dma_wait3A_69] : memref<10240x128xf32, #tpu.memory_space<hbm>> -> memref<10240x128xf32, #tpu.memory_space<hbm>>
        tpu.wait_indirect_dma semaphore(%arg12 : memref<!tpu.dma_semaphore, #tpu.memory_space<semaphore_mem>>) src(%dma_wait3A_70 : memref<10240x128xf32, #tpu.memory_space<hbm>>) dst(%arg9 : memref<128x128xf32, #tpu.memory_space<vmem>>)
        "tpu.region"() ({
          %run_scoped3A_89 = tpu.sem_alloc : memref<!tpu.dma_semaphore, #tpu.memory_space<semaphore_mem>>
          %dma_start3A_90 = arith.constant 0 : i32
          %dma_start3A_91 = tpu.memref_slice %arg8[%mul3A_56, %dma_start3A_90] : memref<8x128xi32, #tpu.memory_space<vmem>> -> memref<1x128xi32, #tpu.memory_space<vmem>>
          %dma_start3A_92 = tpu.memref_squeeze %dma_start3A_91 : memref<1x128xi32, #tpu.memory_space<vmem>> -> memref<128xi32, #tpu.memory_space<vmem>>
          %dma_start3A_93 = arith.constant 0 : i32
          %dma_start3A_94 = arith.constant 0 : i32
          %dma_start3A_95 = tpu.memref_slice %arg11[%dma_start3A_93, %dma_start3A_94] : memref<10240x128xf32, #tpu.memory_space<vmem_shared>> -> memref<10240x128xf32, #tpu.memory_space<vmem_shared>>
          tpu.enqueue_indirect_dma source(%arg9 : memref<128x128xf32, #tpu.memory_space<vmem>>) target(%dma_start3A_95 : memref<10240x128xf32, #tpu.memory_space<vmem_shared>>) offsets(%dma_start3A_92 : memref<128xi32, #tpu.memory_space<vmem>>) semaphore(%run_scoped3A_89 : memref<!tpu.dma_semaphore, #tpu.memory_space<semaphore_mem>>) {add = true}
          %dma_wait3A_96 = arith.constant 0 : i32
          %dma_wait3A_97 = tpu.memref_slice %arg8[%mul3A_56, %dma_wait3A_96] : memref<8x128xi32, #tpu.memory_space<vmem>> -> memref<1x128xi32, #tpu.memory_space<vmem>>
          %dma_wait3A_98 = tpu.memref_squeeze %dma_wait3A_97 : memref<1x128xi32, #tpu.memory_space<vmem>> -> memref<128xi32, #tpu.memory_space<vmem>>
          %dma_wait3A_99 = arith.constant 0 : i32
          %dma_wait3A_100 = arith.constant 0 : i32
          %dma_wait3A_101 = tpu.memref_slice %arg11[%dma_wait3A_99, %dma_wait3A_100] : memref<10240x128xf32, #tpu.memory_space<vmem_shared>> -> memref<10240x128xf32, #tpu.memory_space<vmem_shared>>
          tpu.wait_indirect_dma semaphore(%run_scoped3A_89 : memref<!tpu.dma_semaphore, #tpu.memory_space<semaphore_mem>>) src(%arg9 : memref<128x128xf32, #tpu.memory_space<vmem>>) dst(%dma_wait3A_101 : memref<10240x128xf32, #tpu.memory_space<vmem_shared>>)
          tpu.yield
        }) : () -> ()
        %add3A_71 = arith.constant 2 : i32
        %add3A_72 = arith.addi %mul3A_56, %add3A_71 : i32
        %dma_start3A_73 = arith.constant 0 : i32
        %dma_start3A_74 = tpu.memref_slice %arg7[%add3A_72, %dma_start3A_73] : memref<8x128xi32, #tpu.memory_space<vmem>> -> memref<1x128xi32, #tpu.memory_space<vmem>>
        %dma_start3A_75 = tpu.memref_squeeze %dma_start3A_74 : memref<1x128xi32, #tpu.memory_space<vmem>> -> memref<128xi32, #tpu.memory_space<vmem>>
        %dma_start3A_76 = arith.constant 0 : i32
        %dma_start3A_77 = arith.constant 0 : i32
        %dma_start3A_78 = tpu.memref_slice %arg2[%dma_start3A_76, %dma_start3A_77] : memref<10240x128xf32, #tpu.memory_space<hbm>> -> memref<10240x128xf32, #tpu.memory_space<hbm>>
        tpu.enqueue_indirect_dma source(%dma_start3A_78 : memref<10240x128xf32, #tpu.memory_space<hbm>>) target(%arg9 : memref<128x128xf32, #tpu.memory_space<vmem>>) offsets(%dma_start3A_75 : memref<128xi32, #tpu.memory_space<vmem>>) semaphore(%arg12 : memref<!tpu.dma_semaphore, #tpu.memory_space<semaphore_mem>>)
        %add3A_79 = arith.constant 1 : i32
        %add3A_80 = arith.addi %mul3A_56, %add3A_79 : i32
        %dma_wait3A_81 = arith.constant 0 : i32
        %dma_wait3A_82 = tpu.memref_slice %arg7[%add3A_80, %dma_wait3A_81] : memref<8x128xi32, #tpu.memory_space<vmem>> -> memref<1x128xi32, #tpu.memory_space<vmem>>
        %dma_wait3A_83 = tpu.memref_squeeze %dma_wait3A_82 : memref<1x128xi32, #tpu.memory_space<vmem>> -> memref<128xi32, #tpu.memory_space<vmem>>
        %dma_wait3A_84 = arith.constant 0 : i32
        %dma_wait3A_85 = arith.constant 0 : i32
        %dma_wait3A_86 = tpu.memref_slice %arg2[%dma_wait3A_84, %dma_wait3A_85] : memref<10240x128xf32, #tpu.memory_space<hbm>> -> memref<10240x128xf32, #tpu.memory_space<hbm>>
        tpu.wait_indirect_dma semaphore(%arg13 : memref<!tpu.dma_semaphore, #tpu.memory_space<semaphore_mem>>) src(%dma_wait3A_86 : memref<10240x128xf32, #tpu.memory_space<hbm>>) dst(%arg10 : memref<128x128xf32, #tpu.memory_space<vmem>>)
        %add3A_87 = arith.constant 1 : i32
        %add3A_88 = arith.addi %mul3A_56, %add3A_87 : i32
        "tpu.region"() ({
          %run_scoped3A_89 = tpu.sem_alloc : memref<!tpu.dma_semaphore, #tpu.memory_space<semaphore_mem>>
          %dma_start3A_90 = arith.constant 0 : i32
          %dma_start3A_91 = tpu.memref_slice %arg8[%add3A_88, %dma_start3A_90] : memref<8x128xi32, #tpu.memory_space<vmem>> -> memref<1x128xi32, #tpu.memory_space<vmem>>
          %dma_start3A_92 = tpu.memref_squeeze %dma_start3A_91 : memref<1x128xi32, #tpu.memory_space<vmem>> -> memref<128xi32, #tpu.memory_space<vmem>>
          %dma_start3A_93 = arith.constant 0 : i32
          %dma_start3A_94 = arith.constant 0 : i32
          %dma_start3A_95 = tpu.memref_slice %arg11[%dma_start3A_93, %dma_start3A_94] : memref<10240x128xf32, #tpu.memory_space<vmem_shared>> -> memref<10240x128xf32, #tpu.memory_space<vmem_shared>>
          tpu.enqueue_indirect_dma source(%arg10 : memref<128x128xf32, #tpu.memory_space<vmem>>) target(%dma_start3A_95 : memref<10240x128xf32, #tpu.memory_space<vmem_shared>>) offsets(%dma_start3A_92 : memref<128xi32, #tpu.memory_space<vmem>>) semaphore(%run_scoped3A_89 : memref<!tpu.dma_semaphore, #tpu.memory_space<semaphore_mem>>) {add = true}
          %dma_wait3A_96 = arith.constant 0 : i32
          %dma_wait3A_97 = tpu.memref_slice %arg8[%add3A_88, %dma_wait3A_96] : memref<8x128xi32, #tpu.memory_space<vmem>> -> memref<1x128xi32, #tpu.memory_space<vmem>>
          %dma_wait3A_98 = tpu.memref_squeeze %dma_wait3A_97 : memref<1x128xi32, #tpu.memory_space<vmem>> -> memref<128xi32, #tpu.memory_space<vmem>>
          %dma_wait3A_99 = arith.constant 0 : i32
          %dma_wait3A_100 = arith.constant 0 : i32
          %dma_wait3A_101 = tpu.memref_slice %arg11[%dma_wait3A_99, %dma_wait3A_100] : memref<10240x128xf32, #tpu.memory_space<vmem_shared>> -> memref<10240x128xf32, #tpu.memory_space<vmem_shared>>
          tpu.wait_indirect_dma semaphore(%run_scoped3A_89 : memref<!tpu.dma_semaphore, #tpu.memory_space<semaphore_mem>>) src(%arg10 : memref<128x128xf32, #tpu.memory_space<vmem>>) dst(%dma_wait3A_101 : memref<10240x128xf32, #tpu.memory_space<vmem_shared>>)
          tpu.yield
        }) : () -> ()
      }
      %scan3A_28 = arith.constant 3 : i32
      %dma_start3A_29 = arith.constant 7 : i32
      %dma_start3A_30 = arith.constant 0 : i32
      %dma_start3A_31 = tpu.memref_slice %arg7[%dma_start3A_29, %dma_start3A_30] : memref<8x128xi32, #tpu.memory_space<vmem>> -> memref<1x128xi32, #tpu.memory_space<vmem>>
      %dma_start3A_32 = tpu.memref_squeeze %dma_start3A_31 : memref<1x128xi32, #tpu.memory_space<vmem>> -> memref<128xi32, #tpu.memory_space<vmem>>
      %dma_start3A_33 = arith.constant 0 : i32
      %dma_start3A_34 = arith.constant 0 : i32
      %dma_start3A_35 = tpu.memref_slice %arg2[%dma_start3A_33, %dma_start3A_34] : memref<10240x128xf32, #tpu.memory_space<hbm>> -> memref<10240x128xf32, #tpu.memory_space<hbm>>
      tpu.enqueue_indirect_dma source(%dma_start3A_35 : memref<10240x128xf32, #tpu.memory_space<hbm>>) target(%arg10 : memref<128x128xf32, #tpu.memory_space<vmem>>) offsets(%dma_start3A_32 : memref<128xi32, #tpu.memory_space<vmem>>) semaphore(%arg13 : memref<!tpu.dma_semaphore, #tpu.memory_space<semaphore_mem>>)
      %dma_wait3A = arith.constant 6 : i32
      %dma_wait3A_36 = arith.constant 0 : i32
      %dma_wait3A_37 = tpu.memref_slice %arg7[%dma_wait3A, %dma_wait3A_36] : memref<8x128xi32, #tpu.memory_space<vmem>> -> memref<1x128xi32, #tpu.memory_space<vmem>>
      %dma_wait3A_38 = tpu.memref_squeeze %dma_wait3A_37 : memref<1x128xi32, #tpu.memory_space<vmem>> -> memref<128xi32, #tpu.memory_space<vmem>>
      %dma_wait3A_39 = arith.constant 0 : i32
      %dma_wait3A_40 = arith.constant 0 : i32
      %dma_wait3A_41 = tpu.memref_slice %arg2[%dma_wait3A_39, %dma_wait3A_40] : memref<10240x128xf32, #tpu.memory_space<hbm>> -> memref<10240x128xf32, #tpu.memory_space<hbm>>
      tpu.wait_indirect_dma semaphore(%arg12 : memref<!tpu.dma_semaphore, #tpu.memory_space<semaphore_mem>>) src(%dma_wait3A_41 : memref<10240x128xf32, #tpu.memory_space<hbm>>) dst(%arg9 : memref<128x128xf32, #tpu.memory_space<vmem>>)
      %run_scoped3A = arith.constant 6 : i32
      "tpu.region"() ({
        %run_scoped3A_50 = tpu.sem_alloc : memref<!tpu.dma_semaphore, #tpu.memory_space<semaphore_mem>>
        %dma_start3A_51 = arith.constant 0 : i32
        %dma_start3A_52 = tpu.memref_slice %arg8[%run_scoped3A, %dma_start3A_51] : memref<8x128xi32, #tpu.memory_space<vmem>> -> memref<1x128xi32, #tpu.memory_space<vmem>>
        %dma_start3A_53 = tpu.memref_squeeze %dma_start3A_52 : memref<1x128xi32, #tpu.memory_space<vmem>> -> memref<128xi32, #tpu.memory_space<vmem>>
        %dma_start3A_54 = arith.constant 0 : i32
        %dma_start3A_55 = arith.constant 0 : i32
        %dma_start3A_56 = tpu.memref_slice %arg11[%dma_start3A_54, %dma_start3A_55] : memref<10240x128xf32, #tpu.memory_space<vmem_shared>> -> memref<10240x128xf32, #tpu.memory_space<vmem_shared>>
        tpu.enqueue_indirect_dma source(%arg9 : memref<128x128xf32, #tpu.memory_space<vmem>>) target(%dma_start3A_56 : memref<10240x128xf32, #tpu.memory_space<vmem_shared>>) offsets(%dma_start3A_53 : memref<128xi32, #tpu.memory_space<vmem>>) semaphore(%run_scoped3A_50 : memref<!tpu.dma_semaphore, #tpu.memory_space<semaphore_mem>>) {add = true}
        %dma_wait3A_57 = arith.constant 0 : i32
        %dma_wait3A_58 = tpu.memref_slice %arg8[%run_scoped3A, %dma_wait3A_57] : memref<8x128xi32, #tpu.memory_space<vmem>> -> memref<1x128xi32, #tpu.memory_space<vmem>>
        %dma_wait3A_59 = tpu.memref_squeeze %dma_wait3A_58 : memref<1x128xi32, #tpu.memory_space<vmem>> -> memref<128xi32, #tpu.memory_space<vmem>>
        %dma_wait3A_60 = arith.constant 0 : i32
        %dma_wait3A_61 = arith.constant 0 : i32
        %dma_wait3A_62 = tpu.memref_slice %arg11[%dma_wait3A_60, %dma_wait3A_61] : memref<10240x128xf32, #tpu.memory_space<vmem_shared>> -> memref<10240x128xf32, #tpu.memory_space<vmem_shared>>
        tpu.wait_indirect_dma semaphore(%run_scoped3A_50 : memref<!tpu.dma_semaphore, #tpu.memory_space<semaphore_mem>>) src(%arg9 : memref<128x128xf32, #tpu.memory_space<vmem>>) dst(%dma_wait3A_62 : memref<10240x128xf32, #tpu.memory_space<vmem_shared>>)
        tpu.yield
      }) : () -> ()
      %dma_wait3A_42 = arith.constant 7 : i32
      %dma_wait3A_43 = arith.constant 0 : i32
      %dma_wait3A_44 = tpu.memref_slice %arg7[%dma_wait3A_42, %dma_wait3A_43] : memref<8x128xi32, #tpu.memory_space<vmem>> -> memref<1x128xi32, #tpu.memory_space<vmem>>
      %dma_wait3A_45 = tpu.memref_squeeze %dma_wait3A_44 : memref<1x128xi32, #tpu.memory_space<vmem>> -> memref<128xi32, #tpu.memory_space<vmem>>
      %dma_wait3A_46 = arith.constant 0 : i32
      %dma_wait3A_47 = arith.constant 0 : i32
      %dma_wait3A_48 = tpu.memref_slice %arg2[%dma_wait3A_46, %dma_wait3A_47] : memref<10240x128xf32, #tpu.memory_space<hbm>> -> memref<10240x128xf32, #tpu.memory_space<hbm>>
      tpu.wait_indirect_dma semaphore(%arg13 : memref<!tpu.dma_semaphore, #tpu.memory_space<semaphore_mem>>) src(%dma_wait3A_48 : memref<10240x128xf32, #tpu.memory_space<hbm>>) dst(%arg10 : memref<128x128xf32, #tpu.memory_space<vmem>>)
      %run_scoped3A_49 = arith.constant 7 : i32
      "tpu.region"() ({
        %run_scoped3A_50 = tpu.sem_alloc : memref<!tpu.dma_semaphore, #tpu.memory_space<semaphore_mem>>
        %dma_start3A_51 = arith.constant 0 : i32
        %dma_start3A_52 = tpu.memref_slice %arg8[%run_scoped3A_49, %dma_start3A_51] : memref<8x128xi32, #tpu.memory_space<vmem>> -> memref<1x128xi32, #tpu.memory_space<vmem>>
        %dma_start3A_53 = tpu.memref_squeeze %dma_start3A_52 : memref<1x128xi32, #tpu.memory_space<vmem>> -> memref<128xi32, #tpu.memory_space<vmem>>
        %dma_start3A_54 = arith.constant 0 : i32
        %dma_start3A_55 = arith.constant 0 : i32
        %dma_start3A_56 = tpu.memref_slice %arg11[%dma_start3A_54, %dma_start3A_55] : memref<10240x128xf32, #tpu.memory_space<vmem_shared>> -> memref<10240x128xf32, #tpu.memory_space<vmem_shared>>
        tpu.enqueue_indirect_dma source(%arg10 : memref<128x128xf32, #tpu.memory_space<vmem>>) target(%dma_start3A_56 : memref<10240x128xf32, #tpu.memory_space<vmem_shared>>) offsets(%dma_start3A_53 : memref<128xi32, #tpu.memory_space<vmem>>) semaphore(%run_scoped3A_50 : memref<!tpu.dma_semaphore, #tpu.memory_space<semaphore_mem>>) {add = true}
        %dma_wait3A_57 = arith.constant 0 : i32
        %dma_wait3A_58 = tpu.memref_slice %arg8[%run_scoped3A_49, %dma_wait3A_57] : memref<8x128xi32, #tpu.memory_space<vmem>> -> memref<1x128xi32, #tpu.memory_space<vmem>>
        %dma_wait3A_59 = tpu.memref_squeeze %dma_wait3A_58 : memref<1x128xi32, #tpu.memory_space<vmem>> -> memref<128xi32, #tpu.memory_space<vmem>>
        %dma_wait3A_60 = arith.constant 0 : i32
        %dma_wait3A_61 = arith.constant 0 : i32
        %dma_wait3A_62 = tpu.memref_slice %arg11[%dma_wait3A_60, %dma_wait3A_61] : memref<10240x128xf32, #tpu.memory_space<vmem_shared>> -> memref<10240x128xf32, #tpu.memory_space<vmem_shared>>
        tpu.wait_indirect_dma semaphore(%run_scoped3A_50 : memref<!tpu.dma_semaphore, #tpu.memory_space<semaphore_mem>>) src(%arg10 : memref<128x128xf32, #tpu.memory_space<vmem>>) dst(%dma_wait3A_62 : memref<10240x128xf32, #tpu.memory_space<vmem_shared>>)
        tpu.yield
      }) : () -> ()
    }
    %scan3A_6 = arith.constant 10 : i32
    %barrier3A_7 = arith.constant 0 : index
    tpu.barrier barrier_id(%barrier3A_7)
    "tpu.region"() ({
      %run_scoped3A = tpu.sem_alloc : memref<!tpu.dma_semaphore, #tpu.memory_space<semaphore_mem>>
      %dma_start3A = arith.constant 0 : i32
      %dma_start3A_8 = tpu.memref_slice %arg6[%arg0, %mul3A_2, %dma_start3A] : memref<2x10240x128xf32, #tpu.memory_space<hbm>> -> memref<1x640x128xf32, #tpu.memory_space<hbm>>
      %dma_start3A_9 = tpu.memref_squeeze %dma_start3A_8 : memref<1x640x128xf32, #tpu.memory_space<hbm>> -> memref<640x128xf32, #tpu.memory_space<hbm>>
      %dma_start3A_10 = arith.constant 0 : i32
      %dma_start3A_11 = tpu.memref_slice %arg11[%mul3A_2, %dma_start3A_10] : memref<10240x128xf32, #tpu.memory_space<vmem_shared>> -> memref<640x128xf32, #tpu.memory_space<vmem_shared>>
      tpu.enqueue_dma source(%dma_start3A_11 : memref<640x128xf32, #tpu.memory_space<vmem_shared>>) target(%dma_start3A_9 : memref<640x128xf32, #tpu.memory_space<hbm>>) target_semaphore(%run_scoped3A : memref<!tpu.dma_semaphore, #tpu.memory_space<semaphore_mem>>)
      %dma_wait3A = arith.constant 0 : i32
      %dma_wait3A_12 = tpu.memref_slice %arg6[%arg0, %mul3A_2, %dma_wait3A] : memref<2x10240x128xf32, #tpu.memory_space<hbm>> -> memref<1x640x128xf32, #tpu.memory_space<hbm>>
      %dma_wait3A_13 = tpu.memref_squeeze %dma_wait3A_12 : memref<1x640x128xf32, #tpu.memory_space<hbm>> -> memref<640x128xf32, #tpu.memory_space<hbm>>
      %dma_wait3A_14 = arith.constant 0 : i32
      %dma_wait3A_15 = tpu.memref_slice %arg11[%mul3A_2, %dma_wait3A_14] : memref<10240x128xf32, #tpu.memory_space<vmem_shared>> -> memref<640x128xf32, #tpu.memory_space<vmem_shared>>
      tpu.wait_dma2 semaphore(%run_scoped3A : memref<!tpu.dma_semaphore, #tpu.memory_space<semaphore_mem>>) src(%dma_wait3A_15 : memref<640x128xf32, #tpu.memory_space<vmem_shared>>) dst(%dma_wait3A_13 : memref<640x128xf32, #tpu.memory_space<hbm>>)
      tpu.yield
    }) : () -> ()
    return
  }
}

#map = affine_map<(d0, d1) -> (0, 0)>
module attributes {stable_mosaic.version = 14 : i64} {
  func.func @_sort_body(%arg0: i32, %arg1: i32, %arg2: memref<2560x128xi32, #tpu.memory_space<hbm>>, %arg3: memref<2560x128xi32, #tpu.memory_space<hbm>>, %arg4: memref<2560x128xi32, #tpu.memory_space<hbm>>, %arg5: memref<2560x128xi32, #tpu.memory_space<hbm>>, %arg6: memref<80x128xi32, #tpu.memory_space<vmem>>, %arg7: memref<80x128xi32, #tpu.memory_space<vmem>>, %arg8: memref<80x128xi32, #tpu.memory_space<vmem>>, %arg9: memref<80x128xi32, #tpu.memory_space<vmem>>, %arg10: memref<16x320xi32, #tpu.memory_space<vmem>>, %arg11: memref<16x320xi32, #tpu.memory_space<vmem>>, %arg12: memref<320xi32, #tpu.memory_space<vmem>>, %arg13: memref<16xi32, #tpu.memory_space<vmem>>) attributes {dimension_semantics = [#tpu.dimension_semantics<core_parallel>, #tpu.dimension_semantics<subcore_parallel>], iteration_bounds = array<i64: 2, 16>, scalar_prefetch = 0 : i64, scratch_operands = 8 : i64, tpu.core_type = #tpu.core_type<sc_vector_subcore>, window_params = [{transform_indices = #map}, {transform_indices = #map}, {transform_indices = #map}, {transform_indices = #map}]} {
    %mul3A = arith.constant 16 : i32
    %mul3A_0 = arith.muli %arg0, %mul3A : i32
    %add3A = arith.addi %mul3A_0, %arg1 : i32
    %mul3A_1 = arith.constant 80 : i32
    %mul3A_2 = arith.muli %add3A, %mul3A_1 : i32
    "tpu.region"() ({
      %run_scoped3A = tpu.sem_alloc : memref<!tpu.dma_semaphore, #tpu.memory_space<semaphore_mem>>
      %dma_start3A = arith.constant 0 : i32
      %dma_start3A_106 = tpu.memref_slice %arg2[%mul3A_2, %dma_start3A] : memref<2560x128xi32, #tpu.memory_space<hbm>> -> memref<80x128xi32, #tpu.memory_space<hbm>>
      %dma_start3A_107 = arith.constant 0 : i32
      %dma_start3A_108 = tpu.memref_slice %arg2[%mul3A_2, %dma_start3A_107] : memref<2560x128xi32, #tpu.memory_space<hbm>> -> memref<80x128xi32, #tpu.memory_space<hbm>>
      tpu.enqueue_dma source(%dma_start3A_108 : memref<80x128xi32, #tpu.memory_space<hbm>>) target(%arg6 : memref<80x128xi32, #tpu.memory_space<vmem>>) target_semaphore(%run_scoped3A : memref<!tpu.dma_semaphore, #tpu.memory_space<semaphore_mem>>)
      %dma_wait3A = arith.constant 0 : i32
      %dma_wait3A_109 = tpu.memref_slice %arg2[%mul3A_2, %dma_wait3A] : memref<2560x128xi32, #tpu.memory_space<hbm>> -> memref<80x128xi32, #tpu.memory_space<hbm>>
      %dma_wait3A_110 = arith.constant 0 : i32
      %dma_wait3A_111 = tpu.memref_slice %arg2[%mul3A_2, %dma_wait3A_110] : memref<2560x128xi32, #tpu.memory_space<hbm>> -> memref<80x128xi32, #tpu.memory_space<hbm>>
      tpu.wait_dma2 semaphore(%run_scoped3A : memref<!tpu.dma_semaphore, #tpu.memory_space<semaphore_mem>>) src(%dma_wait3A_111 : memref<80x128xi32, #tpu.memory_space<hbm>>) dst(%arg6 : memref<80x128xi32, #tpu.memory_space<vmem>>)
      tpu.yield
    }) : () -> ()
    "tpu.region"() ({
      %run_scoped3A = tpu.sem_alloc : memref<!tpu.dma_semaphore, #tpu.memory_space<semaphore_mem>>
      %dma_start3A = arith.constant 0 : i32
      %dma_start3A_106 = tpu.memref_slice %arg3[%mul3A_2, %dma_start3A] : memref<2560x128xi32, #tpu.memory_space<hbm>> -> memref<80x128xi32, #tpu.memory_space<hbm>>
      %dma_start3A_107 = arith.constant 0 : i32
      %dma_start3A_108 = tpu.memref_slice %arg3[%mul3A_2, %dma_start3A_107] : memref<2560x128xi32, #tpu.memory_space<hbm>> -> memref<80x128xi32, #tpu.memory_space<hbm>>
      tpu.enqueue_dma source(%dma_start3A_108 : memref<80x128xi32, #tpu.memory_space<hbm>>) target(%arg7 : memref<80x128xi32, #tpu.memory_space<vmem>>) target_semaphore(%run_scoped3A : memref<!tpu.dma_semaphore, #tpu.memory_space<semaphore_mem>>)
      %dma_wait3A = arith.constant 0 : i32
      %dma_wait3A_109 = tpu.memref_slice %arg3[%mul3A_2, %dma_wait3A] : memref<2560x128xi32, #tpu.memory_space<hbm>> -> memref<80x128xi32, #tpu.memory_space<hbm>>
      %dma_wait3A_110 = arith.constant 0 : i32
      %dma_wait3A_111 = tpu.memref_slice %arg3[%mul3A_2, %dma_wait3A_110] : memref<2560x128xi32, #tpu.memory_space<hbm>> -> memref<80x128xi32, #tpu.memory_space<hbm>>
      tpu.wait_dma2 semaphore(%run_scoped3A : memref<!tpu.dma_semaphore, #tpu.memory_space<semaphore_mem>>) src(%dma_wait3A_111 : memref<80x128xi32, #tpu.memory_space<hbm>>) dst(%arg7 : memref<80x128xi32, #tpu.memory_space<vmem>>)
      tpu.yield
    }) : () -> ()
    %iota3A = tpu.iota {dimensions = array<i32: 0>} : vector<16xi32>
    %broadcast_in_dim3A = arith.constant 1 : i32
    %broadcast_in_dim3A_3 = vector.broadcast %broadcast_in_dim3A : i32 to vector<16xi32>
    %scan3A = arith.constant 0 : i32
    %scan3A_4 = arith.constant 20 : i32
    %scan3A_5 = arith.addi %scan3A, %scan3A_4 : i32
    %scan3A_6 = arith.constant 1 : i32
    scf.for %scan3A_106 = %scan3A to %scan3A_5 step %scan3A_6  : i32 {
      %mul3A_107 = arith.constant 1 : i32
      %mul3A_108 = arith.muli %scan3A_106, %mul3A_107 : i32
      %add3A_109 = arith.constant 0 : i32
      %add3A_110 = arith.addi %add3A_109, %mul3A_108 : i32
      %broadcast_in_dim3A_111 = arith.constant 0 : i32
      %broadcast_in_dim3A_112 = vector.broadcast %broadcast_in_dim3A_111 : i32 to vector<16xi32>
      %mul3A_113 = arith.constant 16 : i32
      %mul3A_114 = arith.muli %add3A_110, %mul3A_113 : i32
      %swap3A_115 = arith.constant 0 : i32
      %swap3A_116 = arith.index_cast %swap3A_115 : i32 to index
      %swap3A_117 = arith.index_cast %mul3A_114 : i32 to index
      %swap3A_118 = tpu.vector_load %arg10[%swap3A_116, %swap3A_117] {strides = array<i32>} : memref<16x320xi32, #tpu.memory_space<vmem>>, vector<16xi32>,
      tpu.vector_store %arg10[%swap3A_116, %swap3A_117], %broadcast_in_dim3A_112 {strides = array<i32>} : memref<16x320xi32, #tpu.memory_space<vmem>>, vector<16xi32>,
    }
    %scan3A_7 = arith.constant 20 : i32
    %scan3A_8 = arith.constant 0 : i32
    %scan3A_9 = arith.constant 20 : i32
    %scan3A_10 = arith.addi %scan3A_8, %scan3A_9 : i32
    %scan3A_11 = arith.constant 1 : i32
    scf.for %scan3A_106 = %scan3A_8 to %scan3A_10 step %scan3A_11  : i32 {
      %mul3A_107 = arith.constant 1 : i32
      %mul3A_108 = arith.muli %scan3A_106, %mul3A_107 : i32
      %add3A_109 = arith.constant 0 : i32
      %add3A_110 = arith.addi %add3A_109, %mul3A_108 : i32
      %broadcast_in_dim3A_111 = arith.constant 0 : i32
      %broadcast_in_dim3A_112 = vector.broadcast %broadcast_in_dim3A_111 : i32 to vector<16xi32>
      %mul3A_113 = arith.constant 16 : i32
      %mul3A_114 = arith.muli %add3A_110, %mul3A_113 : i32
      %swap3A_115 = arith.constant 1 : i32
      %swap3A_116 = arith.index_cast %swap3A_115 : i32 to index
      %swap3A_117 = arith.index_cast %mul3A_114 : i32 to index
      %swap3A_118 = tpu.vector_load %arg10[%swap3A_116, %swap3A_117] {strides = array<i32>} : memref<16x320xi32, #tpu.memory_space<vmem>>, vector<16xi32>,
      tpu.vector_store %arg10[%swap3A_116, %swap3A_117], %broadcast_in_dim3A_112 {strides = array<i32>} : memref<16x320xi32, #tpu.memory_space<vmem>>, vector<16xi32>,
    }
    %scan3A_12 = arith.constant 20 : i32
    %scan3A_13 = arith.constant 0 : i32
    %scan3A_14 = arith.constant 20 : i32
    %scan3A_15 = arith.addi %scan3A_13, %scan3A_14 : i32
    %scan3A_16 = arith.constant 1 : i32
    scf.for %scan3A_106 = %scan3A_13 to %scan3A_15 step %scan3A_16  : i32 {
      %mul3A_107 = arith.constant 1 : i32
      %mul3A_108 = arith.muli %scan3A_106, %mul3A_107 : i32
      %add3A_109 = arith.constant 0 : i32
      %add3A_110 = arith.addi %add3A_109, %mul3A_108 : i32
      %broadcast_in_dim3A_111 = arith.constant 0 : i32
      %broadcast_in_dim3A_112 = vector.broadcast %broadcast_in_dim3A_111 : i32 to vector<16xi32>
      %mul3A_113 = arith.constant 16 : i32
      %mul3A_114 = arith.muli %add3A_110, %mul3A_113 : i32
      %swap3A_115 = arith.constant 2 : i32
      %swap3A_116 = arith.index_cast %swap3A_115 : i32 to index
      %swap3A_117 = arith.index_cast %mul3A_114 : i32 to index
      %swap3A_118 = tpu.vector_load %arg10[%swap3A_116, %swap3A_117] {strides = array<i32>} : memref<16x320xi32, #tpu.memory_space<vmem>>, vector<16xi32>,
      tpu.vector_store %arg10[%swap3A_116, %swap3A_117], %broadcast_in_dim3A_112 {strides = array<i32>} : memref<16x320xi32, #tpu.memory_space<vmem>>, vector<16xi32>,
    }
    %scan3A_17 = arith.constant 20 : i32
    %scan3A_18 = arith.constant 0 : i32
    %scan3A_19 = arith.constant 20 : i32
    %scan3A_20 = arith.addi %scan3A_18, %scan3A_19 : i32
    %scan3A_21 = arith.constant 1 : i32
    scf.for %scan3A_106 = %scan3A_18 to %scan3A_20 step %scan3A_21  : i32 {
      %mul3A_107 = arith.constant 1 : i32
      %mul3A_108 = arith.muli %scan3A_106, %mul3A_107 : i32
      %add3A_109 = arith.constant 0 : i32
      %add3A_110 = arith.addi %add3A_109, %mul3A_108 : i32
      %broadcast_in_dim3A_111 = arith.constant 0 : i32
      %broadcast_in_dim3A_112 = vector.broadcast %broadcast_in_dim3A_111 : i32 to vector<16xi32>
      %mul3A_113 = arith.constant 16 : i32
      %mul3A_114 = arith.muli %add3A_110, %mul3A_113 : i32
      %swap3A_115 = arith.constant 3 : i32
      %swap3A_116 = arith.index_cast %swap3A_115 : i32 to index
      %swap3A_117 = arith.index_cast %mul3A_114 : i32 to index
      %swap3A_118 = tpu.vector_load %arg10[%swap3A_116, %swap3A_117] {strides = array<i32>} : memref<16x320xi32, #tpu.memory_space<vmem>>, vector<16xi32>,
      tpu.vector_store %arg10[%swap3A_116, %swap3A_117], %broadcast_in_dim3A_112 {strides = array<i32>} : memref<16x320xi32, #tpu.memory_space<vmem>>, vector<16xi32>,
    }
    %scan3A_22 = arith.constant 20 : i32
    %scan3A_23 = arith.constant 0 : i32
    %scan3A_24 = arith.constant 20 : i32
    %scan3A_25 = arith.addi %scan3A_23, %scan3A_24 : i32
    %scan3A_26 = arith.constant 1 : i32
    scf.for %scan3A_106 = %scan3A_23 to %scan3A_25 step %scan3A_26  : i32 {
      %mul3A_107 = arith.constant 1 : i32
      %mul3A_108 = arith.muli %scan3A_106, %mul3A_107 : i32
      %add3A_109 = arith.constant 0 : i32
      %add3A_110 = arith.addi %add3A_109, %mul3A_108 : i32
      %broadcast_in_dim3A_111 = arith.constant 0 : i32
      %broadcast_in_dim3A_112 = vector.broadcast %broadcast_in_dim3A_111 : i32 to vector<16xi32>
      %mul3A_113 = arith.constant 16 : i32
      %mul3A_114 = arith.muli %add3A_110, %mul3A_113 : i32
      %swap3A_115 = arith.constant 4 : i32
      %swap3A_116 = arith.index_cast %swap3A_115 : i32 to index
      %swap3A_117 = arith.index_cast %mul3A_114 : i32 to index
      %swap3A_118 = tpu.vector_load %arg10[%swap3A_116, %swap3A_117] {strides = array<i32>} : memref<16x320xi32, #tpu.memory_space<vmem>>, vector<16xi32>,
      tpu.vector_store %arg10[%swap3A_116, %swap3A_117], %broadcast_in_dim3A_112 {strides = array<i32>} : memref<16x320xi32, #tpu.memory_space<vmem>>, vector<16xi32>,
    }
    %scan3A_27 = arith.constant 20 : i32
    %scan3A_28 = arith.constant 0 : i32
    %scan3A_29 = arith.constant 20 : i32
    %scan3A_30 = arith.addi %scan3A_28, %scan3A_29 : i32
    %scan3A_31 = arith.constant 1 : i32
    scf.for %scan3A_106 = %scan3A_28 to %scan3A_30 step %scan3A_31  : i32 {
      %mul3A_107 = arith.constant 1 : i32
      %mul3A_108 = arith.muli %scan3A_106, %mul3A_107 : i32
      %add3A_109 = arith.constant 0 : i32
      %add3A_110 = arith.addi %add3A_109, %mul3A_108 : i32
      %broadcast_in_dim3A_111 = arith.constant 0 : i32
      %broadcast_in_dim3A_112 = vector.broadcast %broadcast_in_dim3A_111 : i32 to vector<16xi32>
      %mul3A_113 = arith.constant 16 : i32
      %mul3A_114 = arith.muli %add3A_110, %mul3A_113 : i32
      %swap3A_115 = arith.constant 5 : i32
      %swap3A_116 = arith.index_cast %swap3A_115 : i32 to index
      %swap3A_117 = arith.index_cast %mul3A_114 : i32 to index
      %swap3A_118 = tpu.vector_load %arg10[%swap3A_116, %swap3A_117] {strides = array<i32>} : memref<16x320xi32, #tpu.memory_space<vmem>>, vector<16xi32>,
      tpu.vector_store %arg10[%swap3A_116, %swap3A_117], %broadcast_in_dim3A_112 {strides = array<i32>} : memref<16x320xi32, #tpu.memory_space<vmem>>, vector<16xi32>,
    }
    %scan3A_32 = arith.constant 20 : i32
    %scan3A_33 = arith.constant 0 : i32
    %scan3A_34 = arith.constant 20 : i32
    %scan3A_35 = arith.addi %scan3A_33, %scan3A_34 : i32
    %scan3A_36 = arith.constant 1 : i32
    scf.for %scan3A_106 = %scan3A_33 to %scan3A_35 step %scan3A_36  : i32 {
      %mul3A_107 = arith.constant 1 : i32
      %mul3A_108 = arith.muli %scan3A_106, %mul3A_107 : i32
      %add3A_109 = arith.constant 0 : i32
      %add3A_110 = arith.addi %add3A_109, %mul3A_108 : i32
      %broadcast_in_dim3A_111 = arith.constant 0 : i32
      %broadcast_in_dim3A_112 = vector.broadcast %broadcast_in_dim3A_111 : i32 to vector<16xi32>
      %mul3A_113 = arith.constant 16 : i32
      %mul3A_114 = arith.muli %add3A_110, %mul3A_113 : i32
      %swap3A_115 = arith.constant 6 : i32
      %swap3A_116 = arith.index_cast %swap3A_115 : i32 to index
      %swap3A_117 = arith.index_cast %mul3A_114 : i32 to index
      %swap3A_118 = tpu.vector_load %arg10[%swap3A_116, %swap3A_117] {strides = array<i32>} : memref<16x320xi32, #tpu.memory_space<vmem>>, vector<16xi32>,
      tpu.vector_store %arg10[%swap3A_116, %swap3A_117], %broadcast_in_dim3A_112 {strides = array<i32>} : memref<16x320xi32, #tpu.memory_space<vmem>>, vector<16xi32>,
    }
    %scan3A_37 = arith.constant 20 : i32
    %scan3A_38 = arith.constant 0 : i32
    %scan3A_39 = arith.constant 20 : i32
    %scan3A_40 = arith.addi %scan3A_38, %scan3A_39 : i32
    %scan3A_41 = arith.constant 1 : i32
    scf.for %scan3A_106 = %scan3A_38 to %scan3A_40 step %scan3A_41  : i32 {
      %mul3A_107 = arith.constant 1 : i32
      %mul3A_108 = arith.muli %scan3A_106, %mul3A_107 : i32
      %add3A_109 = arith.constant 0 : i32
      %add3A_110 = arith.addi %add3A_109, %mul3A_108 : i32
      %broadcast_in_dim3A_111 = arith.constant 0 : i32
      %broadcast_in_dim3A_112 = vector.broadcast %broadcast_in_dim3A_111 : i32 to vector<16xi32>
      %mul3A_113 = arith.constant 16 : i32
      %mul3A_114 = arith.muli %add3A_110, %mul3A_113 : i32
      %swap3A_115 = arith.constant 7 : i32
      %swap3A_116 = arith.index_cast %swap3A_115 : i32 to index
      %swap3A_117 = arith.index_cast %mul3A_114 : i32 to index
      %swap3A_118 = tpu.vector_load %arg10[%swap3A_116, %swap3A_117] {strides = array<i32>} : memref<16x320xi32, #tpu.memory_space<vmem>>, vector<16xi32>,
      tpu.vector_store %arg10[%swap3A_116, %swap3A_117], %broadcast_in_dim3A_112 {strides = array<i32>} : memref<16x320xi32, #tpu.memory_space<vmem>>, vector<16xi32>,
    }
    %scan3A_42 = arith.constant 20 : i32
    %scan3A_43 = arith.constant 0 : i32
    %scan3A_44 = arith.constant 20 : i32
    %scan3A_45 = arith.addi %scan3A_43, %scan3A_44 : i32
    %scan3A_46 = arith.constant 1 : i32
    scf.for %scan3A_106 = %scan3A_43 to %scan3A_45 step %scan3A_46  : i32 {
      %mul3A_107 = arith.constant 1 : i32
      %mul3A_108 = arith.muli %scan3A_106, %mul3A_107 : i32
      %add3A_109 = arith.constant 0 : i32
      %add3A_110 = arith.addi %add3A_109, %mul3A_108 : i32
      %broadcast_in_dim3A_111 = arith.constant 0 : i32
      %broadcast_in_dim3A_112 = vector.broadcast %broadcast_in_dim3A_111 : i32 to vector<16xi32>
      %mul3A_113 = arith.constant 16 : i32
      %mul3A_114 = arith.muli %add3A_110, %mul3A_113 : i32
      %swap3A_115 = arith.constant 8 : i32
      %swap3A_116 = arith.index_cast %swap3A_115 : i32 to index
      %swap3A_117 = arith.index_cast %mul3A_114 : i32 to index
      %swap3A_118 = tpu.vector_load %arg10[%swap3A_116, %swap3A_117] {strides = array<i32>} : memref<16x320xi32, #tpu.memory_space<vmem>>, vector<16xi32>,
      tpu.vector_store %arg10[%swap3A_116, %swap3A_117], %broadcast_in_dim3A_112 {strides = array<i32>} : memref<16x320xi32, #tpu.memory_space<vmem>>, vector<16xi32>,
    }
    %scan3A_47 = arith.constant 20 : i32
    %scan3A_48 = arith.constant 0 : i32
    %scan3A_49 = arith.constant 20 : i32
    %scan3A_50 = arith.addi %scan3A_48, %scan3A_49 : i32
    %scan3A_51 = arith.constant 1 : i32
    scf.for %scan3A_106 = %scan3A_48 to %scan3A_50 step %scan3A_51  : i32 {
      %mul3A_107 = arith.constant 1 : i32
      %mul3A_108 = arith.muli %scan3A_106, %mul3A_107 : i32
      %add3A_109 = arith.constant 0 : i32
      %add3A_110 = arith.addi %add3A_109, %mul3A_108 : i32
      %broadcast_in_dim3A_111 = arith.constant 0 : i32
      %broadcast_in_dim3A_112 = vector.broadcast %broadcast_in_dim3A_111 : i32 to vector<16xi32>
      %mul3A_113 = arith.constant 16 : i32
      %mul3A_114 = arith.muli %add3A_110, %mul3A_113 : i32
      %swap3A_115 = arith.constant 9 : i32
      %swap3A_116 = arith.index_cast %swap3A_115 : i32 to index
      %swap3A_117 = arith.index_cast %mul3A_114 : i32 to index
      %swap3A_118 = tpu.vector_load %arg10[%swap3A_116, %swap3A_117] {strides = array<i32>} : memref<16x320xi32, #tpu.memory_space<vmem>>, vector<16xi32>,
      tpu.vector_store %arg10[%swap3A_116, %swap3A_117], %broadcast_in_dim3A_112 {strides = array<i32>} : memref<16x320xi32, #tpu.memory_space<vmem>>, vector<16xi32>,
    }
    %scan3A_52 = arith.constant 20 : i32
    %scan3A_53 = arith.constant 0 : i32
    %scan3A_54 = arith.constant 20 : i32
    %scan3A_55 = arith.addi %scan3A_53, %scan3A_54 : i32
    %scan3A_56 = arith.constant 1 : i32
    scf.for %scan3A_106 = %scan3A_53 to %scan3A_55 step %scan3A_56  : i32 {
      %mul3A_107 = arith.constant 1 : i32
      %mul3A_108 = arith.muli %scan3A_106, %mul3A_107 : i32
      %add3A_109 = arith.constant 0 : i32
      %add3A_110 = arith.addi %add3A_109, %mul3A_108 : i32
      %broadcast_in_dim3A_111 = arith.constant 0 : i32
      %broadcast_in_dim3A_112 = vector.broadcast %broadcast_in_dim3A_111 : i32 to vector<16xi32>
      %mul3A_113 = arith.constant 16 : i32
      %mul3A_114 = arith.muli %add3A_110, %mul3A_113 : i32
      %swap3A_115 = arith.constant 10 : i32
      %swap3A_116 = arith.index_cast %swap3A_115 : i32 to index
      %swap3A_117 = arith.index_cast %mul3A_114 : i32 to index
      %swap3A_118 = tpu.vector_load %arg10[%swap3A_116, %swap3A_117] {strides = array<i32>} : memref<16x320xi32, #tpu.memory_space<vmem>>, vector<16xi32>,
      tpu.vector_store %arg10[%swap3A_116, %swap3A_117], %broadcast_in_dim3A_112 {strides = array<i32>} : memref<16x320xi32, #tpu.memory_space<vmem>>, vector<16xi32>,
    }
    %scan3A_57 = arith.constant 20 : i32
    %scan3A_58 = arith.constant 0 : i32
    %scan3A_59 = arith.constant 20 : i32
    %scan3A_60 = arith.addi %scan3A_58, %scan3A_59 : i32
    %scan3A_61 = arith.constant 1 : i32
    scf.for %scan3A_106 = %scan3A_58 to %scan3A_60 step %scan3A_61  : i32 {
      %mul3A_107 = arith.constant 1 : i32
      %mul3A_108 = arith.muli %scan3A_106, %mul3A_107 : i32
      %add3A_109 = arith.constant 0 : i32
      %add3A_110 = arith.addi %add3A_109, %mul3A_108 : i32
      %broadcast_in_dim3A_111 = arith.constant 0 : i32
      %broadcast_in_dim3A_112 = vector.broadcast %broadcast_in_dim3A_111 : i32 to vector<16xi32>
      %mul3A_113 = arith.constant 16 : i32
      %mul3A_114 = arith.muli %add3A_110, %mul3A_113 : i32
      %swap3A_115 = arith.constant 11 : i32
      %swap3A_116 = arith.index_cast %swap3A_115 : i32 to index
      %swap3A_117 = arith.index_cast %mul3A_114 : i32 to index
      %swap3A_118 = tpu.vector_load %arg10[%swap3A_116, %swap3A_117] {strides = array<i32>} : memref<16x320xi32, #tpu.memory_space<vmem>>, vector<16xi32>,
      tpu.vector_store %arg10[%swap3A_116, %swap3A_117], %broadcast_in_dim3A_112 {strides = array<i32>} : memref<16x320xi32, #tpu.memory_space<vmem>>, vector<16xi32>,
    }
    %scan3A_62 = arith.constant 20 : i32
    %scan3A_63 = arith.constant 0 : i32
    %scan3A_64 = arith.constant 20 : i32
    %scan3A_65 = arith.addi %scan3A_63, %scan3A_64 : i32
    %scan3A_66 = arith.constant 1 : i32
    scf.for %scan3A_106 = %scan3A_63 to %scan3A_65 step %scan3A_66  : i32 {
      %mul3A_107 = arith.constant 1 : i32
      %mul3A_108 = arith.muli %scan3A_106, %mul3A_107 : i32
      %add3A_109 = arith.constant 0 : i32
      %add3A_110 = arith.addi %add3A_109, %mul3A_108 : i32
      %broadcast_in_dim3A_111 = arith.constant 0 : i32
      %broadcast_in_dim3A_112 = vector.broadcast %broadcast_in_dim3A_111 : i32 to vector<16xi32>
      %mul3A_113 = arith.constant 16 : i32
      %mul3A_114 = arith.muli %add3A_110, %mul3A_113 : i32
      %swap3A_115 = arith.constant 12 : i32
      %swap3A_116 = arith.index_cast %swap3A_115 : i32 to index
      %swap3A_117 = arith.index_cast %mul3A_114 : i32 to index
      %swap3A_118 = tpu.vector_load %arg10[%swap3A_116, %swap3A_117] {strides = array<i32>} : memref<16x320xi32, #tpu.memory_space<vmem>>, vector<16xi32>,
      tpu.vector_store %arg10[%swap3A_116, %swap3A_117], %broadcast_in_dim3A_112 {strides = array<i32>} : memref<16x320xi32, #tpu.memory_space<vmem>>, vector<16xi32>,
    }
    %scan3A_67 = arith.constant 20 : i32
    %scan3A_68 = arith.constant 0 : i32
    %scan3A_69 = arith.constant 20 : i32
    %scan3A_70 = arith.addi %scan3A_68, %scan3A_69 : i32
    %scan3A_71 = arith.constant 1 : i32
    scf.for %scan3A_106 = %scan3A_68 to %scan3A_70 step %scan3A_71  : i32 {
      %mul3A_107 = arith.constant 1 : i32
      %mul3A_108 = arith.muli %scan3A_106, %mul3A_107 : i32
      %add3A_109 = arith.constant 0 : i32
      %add3A_110 = arith.addi %add3A_109, %mul3A_108 : i32
      %broadcast_in_dim3A_111 = arith.constant 0 : i32
      %broadcast_in_dim3A_112 = vector.broadcast %broadcast_in_dim3A_111 : i32 to vector<16xi32>
      %mul3A_113 = arith.constant 16 : i32
      %mul3A_114 = arith.muli %add3A_110, %mul3A_113 : i32
      %swap3A_115 = arith.constant 13 : i32
      %swap3A_116 = arith.index_cast %swap3A_115 : i32 to index
      %swap3A_117 = arith.index_cast %mul3A_114 : i32 to index
      %swap3A_118 = tpu.vector_load %arg10[%swap3A_116, %swap3A_117] {strides = array<i32>} : memref<16x320xi32, #tpu.memory_space<vmem>>, vector<16xi32>,
      tpu.vector_store %arg10[%swap3A_116, %swap3A_117], %broadcast_in_dim3A_112 {strides = array<i32>} : memref<16x320xi32, #tpu.memory_space<vmem>>, vector<16xi32>,
    }
    %scan3A_72 = arith.constant 20 : i32
    %scan3A_73 = arith.constant 0 : i32
    %scan3A_74 = arith.constant 20 : i32
    %scan3A_75 = arith.addi %scan3A_73, %scan3A_74 : i32
    %scan3A_76 = arith.constant 1 : i32
    scf.for %scan3A_106 = %scan3A_73 to %scan3A_75 step %scan3A_76  : i32 {
      %mul3A_107 = arith.constant 1 : i32
      %mul3A_108 = arith.muli %scan3A_106, %mul3A_107 : i32
      %add3A_109 = arith.constant 0 : i32
      %add3A_110 = arith.addi %add3A_109, %mul3A_108 : i32
      %broadcast_in_dim3A_111 = arith.constant 0 : i32
      %broadcast_in_dim3A_112 = vector.broadcast %broadcast_in_dim3A_111 : i32 to vector<16xi32>
      %mul3A_113 = arith.constant 16 : i32
      %mul3A_114 = arith.muli %add3A_110, %mul3A_113 : i32
      %swap3A_115 = arith.constant 14 : i32
      %swap3A_116 = arith.index_cast %swap3A_115 : i32 to index
      %swap3A_117 = arith.index_cast %mul3A_114 : i32 to index
      %swap3A_118 = tpu.vector_load %arg10[%swap3A_116, %swap3A_117] {strides = array<i32>} : memref<16x320xi32, #tpu.memory_space<vmem>>, vector<16xi32>,
      tpu.vector_store %arg10[%swap3A_116, %swap3A_117], %broadcast_in_dim3A_112 {strides = array<i32>} : memref<16x320xi32, #tpu.memory_space<vmem>>, vector<16xi32>,
    }
    %scan3A_77 = arith.constant 20 : i32
    %scan3A_78 = arith.constant 0 : i32
    %scan3A_79 = arith.constant 20 : i32
    %scan3A_80 = arith.addi %scan3A_78, %scan3A_79 : i32
    %scan3A_81 = arith.constant 1 : i32
    scf.for %scan3A_106 = %scan3A_78 to %scan3A_80 step %scan3A_81  : i32 {
      %mul3A_107 = arith.constant 1 : i32
      %mul3A_108 = arith.muli %scan3A_106, %mul3A_107 : i32
      %add3A_109 = arith.constant 0 : i32
      %add3A_110 = arith.addi %add3A_109, %mul3A_108 : i32
      %broadcast_in_dim3A_111 = arith.constant 0 : i32
      %broadcast_in_dim3A_112 = vector.broadcast %broadcast_in_dim3A_111 : i32 to vector<16xi32>
      %mul3A_113 = arith.constant 16 : i32
      %mul3A_114 = arith.muli %add3A_110, %mul3A_113 : i32
      %swap3A_115 = arith.constant 15 : i32
      %swap3A_116 = arith.index_cast %swap3A_115 : i32 to index
      %swap3A_117 = arith.index_cast %mul3A_114 : i32 to index
      %swap3A_118 = tpu.vector_load %arg10[%swap3A_116, %swap3A_117] {strides = array<i32>} : memref<16x320xi32, #tpu.memory_space<vmem>>, vector<16xi32>,
      tpu.vector_store %arg10[%swap3A_116, %swap3A_117], %broadcast_in_dim3A_112 {strides = array<i32>} : memref<16x320xi32, #tpu.memory_space<vmem>>, vector<16xi32>,
    }
    %scan3A_82 = arith.constant 20 : i32
    %scan3A_83 = arith.constant 0 : i32
    %scan3A_84 = arith.constant 80 : i32
    %scan3A_85 = arith.addi %scan3A_83, %scan3A_84 : i32
    %scan3A_86 = arith.constant 1 : i32
    scf.for %scan3A_106 = %scan3A_83 to %scan3A_85 step %scan3A_86  : i32 {
      %mul3A_107 = arith.constant 1 : i32
      %mul3A_108 = arith.muli %scan3A_106, %mul3A_107 : i32
      %add3A_109 = arith.constant 0 : i32
      %add3A_110 = arith.addi %add3A_109, %mul3A_108 : i32
      %scan3A_111 = arith.constant 0 : i32
      %scan3A_112 = arith.constant 8 : i32
      %scan3A_113 = arith.addi %scan3A_111, %scan3A_112 : i32
      %scan3A_114 = arith.constant 1 : i32
      scf.for %scan3A_116 = %scan3A_111 to %scan3A_113 step %scan3A_114  : i32 {
        %mul3A_117 = arith.constant 1 : i32
        %mul3A_118 = arith.muli %scan3A_116, %mul3A_117 : i32
        %add3A_119 = arith.constant 0 : i32
        %add3A_120 = arith.addi %add3A_119, %mul3A_118 : i32
        %mul3A_121 = arith.constant 16 : i32
        %mul3A_122 = arith.muli %add3A_120, %mul3A_121 : i32
        %get3A = arith.index_cast %add3A_110 : i32 to index
        %get3A_123 = arith.index_cast %mul3A_122 : i32 to index
        %get3A_124 = tpu.vector_load %arg6[%get3A, %get3A_123] {strides = array<i32>} : memref<80x128xi32, #tpu.memory_space<vmem>>, vector<16xi32>,
        %shift_right_arithmetic3A = arith.constant 5 : i32
        %shift_right_arithmetic3A_125 = vector.broadcast %shift_right_arithmetic3A : i32 to vector<16xi32>
        %shift_right_arithmetic3A_126 = arith.shrsi %get3A_124, %shift_right_arithmetic3A_125 : vector<16xi32>
        tpu.vector_store_idx %arg10[%iota3A, %shift_right_arithmetic3A_126], %broadcast_in_dim3A_3 {add = true} : memref<16x320xi32, #tpu.memory_space<vmem>>[vector<16xi32>, vector<16xi32>], vector<16xi32>,
      }
      %scan3A_115 = arith.constant 8 : i32
    }
    %scan3A_87 = arith.constant 80 : i32
    %broadcast_in_dim3A_88 = arith.constant 0 : i32
    %broadcast_in_dim3A_89 = vector.broadcast %broadcast_in_dim3A_88 : i32 to vector<16xi32>
    %swap3A = arith.constant 0 : index
    %swap3A_90 = tpu.vector_load %arg13[%swap3A] {strides = array<i32>} : memref<16xi32, #tpu.memory_space<vmem>>, vector<16xi32>,
    tpu.vector_store %arg13[%swap3A], %broadcast_in_dim3A_89 {strides = array<i32>} : memref<16xi32, #tpu.memory_space<vmem>>, vector<16xi32>,
    %scan3A_91 = arith.constant 0 : i32
    %scan3A_92 = arith.constant 20 : i32
    %scan3A_93 = arith.addi %scan3A_91, %scan3A_92 : i32
    %scan3A_94 = arith.constant 1 : i32
    scf.for %scan3A_106 = %scan3A_91 to %scan3A_93 step %scan3A_94  : i32 {
      %mul3A_107 = arith.constant 1 : i32
      %mul3A_108 = arith.muli %scan3A_106, %mul3A_107 : i32
      %add3A_109 = arith.constant 0 : i32
      %add3A_110 = arith.addi %add3A_109, %mul3A_108 : i32
      %mul3A_111 = arith.constant 16 : i32
      %mul3A_112 = arith.muli %add3A_110, %mul3A_111 : i32
      %get3A = arith.constant 0 : i32
      %get3A_113 = arith.index_cast %get3A : i32 to index
      %get3A_114 = arith.index_cast %mul3A_112 : i32 to index
      %get3A_115 = tpu.vector_load %arg10[%get3A_113, %get3A_114] {strides = array<i32>} : memref<16x320xi32, #tpu.memory_space<vmem>>, vector<16xi32>,
      %get3A_116 = arith.constant 1 : i32
      %get3A_117 = arith.index_cast %get3A_116 : i32 to index
      %get3A_118 = arith.index_cast %mul3A_112 : i32 to index
      %get3A_119 = tpu.vector_load %arg10[%get3A_117, %get3A_118] {strides = array<i32>} : memref<16x320xi32, #tpu.memory_space<vmem>>, vector<16xi32>,
      %add3A_120 = arith.addi %get3A_115, %get3A_119 : vector<16xi32>
      %get3A_121 = arith.constant 2 : i32
      %get3A_122 = arith.index_cast %get3A_121 : i32 to index
      %get3A_123 = arith.index_cast %mul3A_112 : i32 to index
      %get3A_124 = tpu.vector_load %arg10[%get3A_122, %get3A_123] {strides = array<i32>} : memref<16x320xi32, #tpu.memory_space<vmem>>, vector<16xi32>,
      %add3A_125 = arith.addi %add3A_120, %get3A_124 : vector<16xi32>
      %get3A_126 = arith.constant 3 : i32
      %get3A_127 = arith.index_cast %get3A_126 : i32 to index
      %get3A_128 = arith.index_cast %mul3A_112 : i32 to index
      %get3A_129 = tpu.vector_load %arg10[%get3A_127, %get3A_128] {strides = array<i32>} : memref<16x320xi32, #tpu.memory_space<vmem>>, vector<16xi32>,
      %add3A_130 = arith.addi %add3A_125, %get3A_129 : vector<16xi32>
      %get3A_131 = arith.constant 4 : i32
      %get3A_132 = arith.index_cast %get3A_131 : i32 to index
      %get3A_133 = arith.index_cast %mul3A_112 : i32 to index
      %get3A_134 = tpu.vector_load %arg10[%get3A_132, %get3A_133] {strides = array<i32>} : memref<16x320xi32, #tpu.memory_space<vmem>>, vector<16xi32>,
      %add3A_135 = arith.addi %add3A_130, %get3A_134 : vector<16xi32>
      %get3A_136 = arith.constant 5 : i32
      %get3A_137 = arith.index_cast %get3A_136 : i32 to index
      %get3A_138 = arith.index_cast %mul3A_112 : i32 to index
      %get3A_139 = tpu.vector_load %arg10[%get3A_137, %get3A_138] {strides = array<i32>} : memref<16x320xi32, #tpu.memory_space<vmem>>, vector<16xi32>,
      %add3A_140 = arith.addi %add3A_135, %get3A_139 : vector<16xi32>
      %get3A_141 = arith.constant 6 : i32
      %get3A_142 = arith.index_cast %get3A_141 : i32 to index
      %get3A_143 = arith.index_cast %mul3A_112 : i32 to index
      %get3A_144 = tpu.vector_load %arg10[%get3A_142, %get3A_143] {strides = array<i32>} : memref<16x320xi32, #tpu.memory_space<vmem>>, vector<16xi32>,
      %add3A_145 = arith.addi %add3A_140, %get3A_144 : vector<16xi32>
      %get3A_146 = arith.constant 7 : i32
      %get3A_147 = arith.index_cast %get3A_146 : i32 to index
      %get3A_148 = arith.index_cast %mul3A_112 : i32 to index
      %get3A_149 = tpu.vector_load %arg10[%get3A_147, %get3A_148] {strides = array<i32>} : memref<16x320xi32, #tpu.memory_space<vmem>>, vector<16xi32>,
      %add3A_150 = arith.addi %add3A_145, %get3A_149 : vector<16xi32>
      %get3A_151 = arith.constant 8 : i32
      %get3A_152 = arith.index_cast %get3A_151 : i32 to index
      %get3A_153 = arith.index_cast %mul3A_112 : i32 to index
      %get3A_154 = tpu.vector_load %arg10[%get3A_152, %get3A_153] {strides = array<i32>} : memref<16x320xi32, #tpu.memory_space<vmem>>, vector<16xi32>,
      %add3A_155 = arith.addi %add3A_150, %get3A_154 : vector<16xi32>
      %get3A_156 = arith.constant 9 : i32
      %get3A_157 = arith.index_cast %get3A_156 : i32 to index
      %get3A_158 = arith.index_cast %mul3A_112 : i32 to index
      %get3A_159 = tpu.vector_load %arg10[%get3A_157, %get3A_158] {strides = array<i32>} : memref<16x320xi32, #tpu.memory_space<vmem>>, vector<16xi32>,
      %add3A_160 = arith.addi %add3A_155, %get3A_159 : vector<16xi32>
      %get3A_161 = arith.constant 10 : i32
      %get3A_162 = arith.index_cast %get3A_161 : i32 to index
      %get3A_163 = arith.index_cast %mul3A_112 : i32 to index
      %get3A_164 = tpu.vector_load %arg10[%get3A_162, %get3A_163] {strides = array<i32>} : memref<16x320xi32, #tpu.memory_space<vmem>>, vector<16xi32>,
      %add3A_165 = arith.addi %add3A_160, %get3A_164 : vector<16xi32>
      %get3A_166 = arith.constant 11 : i32
      %get3A_167 = arith.index_cast %get3A_166 : i32 to index
      %get3A_168 = arith.index_cast %mul3A_112 : i32 to index
      %get3A_169 = tpu.vector_load %arg10[%get3A_167, %get3A_168] {strides = array<i32>} : memref<16x320xi32, #tpu.memory_space<vmem>>, vector<16xi32>,
      %add3A_170 = arith.addi %add3A_165, %get3A_169 : vector<16xi32>
      %get3A_171 = arith.constant 12 : i32
      %get3A_172 = arith.index_cast %get3A_171 : i32 to index
      %get3A_173 = arith.index_cast %mul3A_112 : i32 to index
      %get3A_174 = tpu.vector_load %arg10[%get3A_172, %get3A_173] {strides = array<i32>} : memref<16x320xi32, #tpu.memory_space<vmem>>, vector<16xi32>,
      %add3A_175 = arith.addi %add3A_170, %get3A_174 : vector<16xi32>
      %get3A_176 = arith.constant 13 : i32
      %get3A_177 = arith.index_cast %get3A_176 : i32 to index
      %get3A_178 = arith.index_cast %mul3A_112 : i32 to index
      %get3A_179 = tpu.vector_load %arg10[%get3A_177, %get3A_178] {strides = array<i32>} : memref<16x320xi32, #tpu.memory_space<vmem>>, vector<16xi32>,
      %add3A_180 = arith.addi %add3A_175, %get3A_179 : vector<16xi32>
      %get3A_181 = arith.constant 14 : i32
      %get3A_182 = arith.index_cast %get3A_181 : i32 to index
      %get3A_183 = arith.index_cast %mul3A_112 : i32 to index
      %get3A_184 = tpu.vector_load %arg10[%get3A_182, %get3A_183] {strides = array<i32>} : memref<16x320xi32, #tpu.memory_space<vmem>>, vector<16xi32>,
      %add3A_185 = arith.addi %add3A_180, %get3A_184 : vector<16xi32>
      %get3A_186 = arith.constant 15 : i32
      %get3A_187 = arith.index_cast %get3A_186 : i32 to index
      %get3A_188 = arith.index_cast %mul3A_112 : i32 to index
      %get3A_189 = tpu.vector_load %arg10[%get3A_187, %get3A_188] {strides = array<i32>} : memref<16x320xi32, #tpu.memory_space<vmem>>, vector<16xi32>,
      %add3A_190 = arith.addi %add3A_185, %get3A_189 : vector<16xi32>
      %broadcast_in_dim3A_191 = arith.constant true
      %broadcast_in_dim3A_192 = vector.broadcast %broadcast_in_dim3A_191 : i1 to vector<16xi1>
      %masked_cumsum3A = tpu.scan <sum>, %add3A_190 masked %broadcast_in_dim3A_192 : vector<16xi32>, vector<16xi1> -> vector<16xi32>
      %sub3A = arith.subi %masked_cumsum3A, %add3A_190 : vector<16xi32>
      %get3A_193 = arith.constant 0 : index
      %get3A_194 = tpu.vector_load %arg13[%get3A_193] {strides = array<i32>} : memref<16xi32, #tpu.memory_space<vmem>>, vector<16xi32>,
      %add3A_195 = arith.addi %sub3A, %get3A_194 : vector<16xi32>
      %swap3A_196 = arith.index_cast %mul3A_112 : i32 to index
      %swap3A_197 = tpu.vector_load %arg12[%swap3A_196] {strides = array<i32>} : memref<320xi32, #tpu.memory_space<vmem>>, vector<16xi32>,
      tpu.vector_store %arg12[%swap3A_196], %add3A_195 {strides = array<i32>} : memref<320xi32, #tpu.memory_space<vmem>>, vector<16xi32>,
      %reduce_sum3A = arith.constant true
      %reduce_sum3A_198 = vector.broadcast %reduce_sum3A : i1 to vector<16xi1>
      %reduce_sum3A_199 = tpu.scan <sum>, %add3A_190 masked %reduce_sum3A_198 : vector<16xi32>, vector<16xi1> -> vector<16xi32>
      %reduce_sum3A_200 = vector.extract %reduce_sum3A_199[15] : i32 from vector<16xi32>
      %add3A_201 = vector.broadcast %reduce_sum3A_200 : i32 to vector<16xi32>
      %add3A_202 = arith.addi %get3A_194, %add3A_201 : vector<16xi32>
      %swap3A_203 = arith.constant 0 : index
      %swap3A_204 = tpu.vector_load %arg13[%swap3A_203] {strides = array<i32>} : memref<16xi32, #tpu.memory_space<vmem>>, vector<16xi32>,
      tpu.vector_store %arg13[%swap3A_203], %add3A_202 {strides = array<i32>} : memref<16xi32, #tpu.memory_space<vmem>>, vector<16xi32>,
    }
    %scan3A_95 = arith.constant 20 : i32
    %scan3A_96 = arith.constant 0 : i32
    %scan3A_97 = arith.constant 20 : i32
    %scan3A_98 = arith.addi %scan3A_96, %scan3A_97 : i32
    %scan3A_99 = arith.constant 1 : i32
    scf.for %scan3A_106 = %scan3A_96 to %scan3A_98 step %scan3A_99  : i32 {
      %mul3A_107 = arith.constant 1 : i32
      %mul3A_108 = arith.muli %scan3A_106, %mul3A_107 : i32
      %add3A_109 = arith.constant 0 : i32
      %add3A_110 = arith.addi %add3A_109, %mul3A_108 : i32
      %mul3A_111 = arith.constant 16 : i32
      %mul3A_112 = arith.muli %add3A_110, %mul3A_111 : i32
      %get3A = arith.index_cast %mul3A_112 : i32 to index
      %get3A_113 = tpu.vector_load %arg12[%get3A] {strides = array<i32>} : memref<320xi32, #tpu.memory_space<vmem>>, vector<16xi32>,
      %swap3A_114 = arith.constant 0 : i32
      %swap3A_115 = arith.index_cast %swap3A_114 : i32 to index
      %swap3A_116 = arith.index_cast %mul3A_112 : i32 to index
      %swap3A_117 = tpu.vector_load %arg11[%swap3A_115, %swap3A_116] {strides = array<i32>} : memref<16x320xi32, #tpu.memory_space<vmem>>, vector<16xi32>,
      tpu.vector_store %arg11[%swap3A_115, %swap3A_116], %get3A_113 {strides = array<i32>} : memref<16x320xi32, #tpu.memory_space<vmem>>, vector<16xi32>,
      %get3A_118 = arith.constant 0 : i32
      %get3A_119 = arith.index_cast %get3A_118 : i32 to index
      %get3A_120 = arith.index_cast %mul3A_112 : i32 to index
      %get3A_121 = tpu.vector_load %arg10[%get3A_119, %get3A_120] {strides = array<i32>} : memref<16x320xi32, #tpu.memory_space<vmem>>, vector<16xi32>,
      %add3A_122 = arith.addi %get3A_113, %get3A_121 : vector<16xi32>
      %swap3A_123 = arith.constant 1 : i32
      %swap3A_124 = arith.index_cast %swap3A_123 : i32 to index
      %swap3A_125 = arith.index_cast %mul3A_112 : i32 to index
      %swap3A_126 = tpu.vector_load %arg11[%swap3A_124, %swap3A_125] {strides = array<i32>} : memref<16x320xi32, #tpu.memory_space<vmem>>, vector<16xi32>,
      tpu.vector_store %arg11[%swap3A_124, %swap3A_125], %add3A_122 {strides = array<i32>} : memref<16x320xi32, #tpu.memory_space<vmem>>, vector<16xi32>,
      %get3A_127 = arith.constant 1 : i32
      %get3A_128 = arith.index_cast %get3A_127 : i32 to index
      %get3A_129 = arith.index_cast %mul3A_112 : i32 to index
      %get3A_130 = tpu.vector_load %arg10[%get3A_128, %get3A_129] {strides = array<i32>} : memref<16x320xi32, #tpu.memory_space<vmem>>, vector<16xi32>,
      %add3A_131 = arith.addi %add3A_122, %get3A_130 : vector<16xi32>
      %swap3A_132 = arith.constant 2 : i32
      %swap3A_133 = arith.index_cast %swap3A_132 : i32 to index
      %swap3A_134 = arith.index_cast %mul3A_112 : i32 to index
      %swap3A_135 = tpu.vector_load %arg11[%swap3A_133, %swap3A_134] {strides = array<i32>} : memref<16x320xi32, #tpu.memory_space<vmem>>, vector<16xi32>,
      tpu.vector_store %arg11[%swap3A_133, %swap3A_134], %add3A_131 {strides = array<i32>} : memref<16x320xi32, #tpu.memory_space<vmem>>, vector<16xi32>,
      %get3A_136 = arith.constant 2 : i32
      %get3A_137 = arith.index_cast %get3A_136 : i32 to index
      %get3A_138 = arith.index_cast %mul3A_112 : i32 to index
      %get3A_139 = tpu.vector_load %arg10[%get3A_137, %get3A_138] {strides = array<i32>} : memref<16x320xi32, #tpu.memory_space<vmem>>, vector<16xi32>,
      %add3A_140 = arith.addi %add3A_131, %get3A_139 : vector<16xi32>
      %swap3A_141 = arith.constant 3 : i32
      %swap3A_142 = arith.index_cast %swap3A_141 : i32 to index
      %swap3A_143 = arith.index_cast %mul3A_112 : i32 to index
      %swap3A_144 = tpu.vector_load %arg11[%swap3A_142, %swap3A_143] {strides = array<i32>} : memref<16x320xi32, #tpu.memory_space<vmem>>, vector<16xi32>,
      tpu.vector_store %arg11[%swap3A_142, %swap3A_143], %add3A_140 {strides = array<i32>} : memref<16x320xi32, #tpu.memory_space<vmem>>, vector<16xi32>,
      %get3A_145 = arith.constant 3 : i32
      %get3A_146 = arith.index_cast %get3A_145 : i32 to index
      %get3A_147 = arith.index_cast %mul3A_112 : i32 to index
      %get3A_148 = tpu.vector_load %arg10[%get3A_146, %get3A_147] {strides = array<i32>} : memref<16x320xi32, #tpu.memory_space<vmem>>, vector<16xi32>,
      %add3A_149 = arith.addi %add3A_140, %get3A_148 : vector<16xi32>
      %swap3A_150 = arith.constant 4 : i32
      %swap3A_151 = arith.index_cast %swap3A_150 : i32 to index
      %swap3A_152 = arith.index_cast %mul3A_112 : i32 to index
      %swap3A_153 = tpu.vector_load %arg11[%swap3A_151, %swap3A_152] {strides = array<i32>} : memref<16x320xi32, #tpu.memory_space<vmem>>, vector<16xi32>,
      tpu.vector_store %arg11[%swap3A_151, %swap3A_152], %add3A_149 {strides = array<i32>} : memref<16x320xi32, #tpu.memory_space<vmem>>, vector<16xi32>,
      %get3A_154 = arith.constant 4 : i32
      %get3A_155 = arith.index_cast %get3A_154 : i32 to index
      %get3A_156 = arith.index_cast %mul3A_112 : i32 to index
      %get3A_157 = tpu.vector_load %arg10[%get3A_155, %get3A_156] {strides = array<i32>} : memref<16x320xi32, #tpu.memory_space<vmem>>, vector<16xi32>,
      %add3A_158 = arith.addi %add3A_149, %get3A_157 : vector<16xi32>
      %swap3A_159 = arith.constant 5 : i32
      %swap3A_160 = arith.index_cast %swap3A_159 : i32 to index
      %swap3A_161 = arith.index_cast %mul3A_112 : i32 to index
      %swap3A_162 = tpu.vector_load %arg11[%swap3A_160, %swap3A_161] {strides = array<i32>} : memref<16x320xi32, #tpu.memory_space<vmem>>, vector<16xi32>,
      tpu.vector_store %arg11[%swap3A_160, %swap3A_161], %add3A_158 {strides = array<i32>} : memref<16x320xi32, #tpu.memory_space<vmem>>, vector<16xi32>,
      %get3A_163 = arith.constant 5 : i32
      %get3A_164 = arith.index_cast %get3A_163 : i32 to index
      %get3A_165 = arith.index_cast %mul3A_112 : i32 to index
      %get3A_166 = tpu.vector_load %arg10[%get3A_164, %get3A_165] {strides = array<i32>} : memref<16x320xi32, #tpu.memory_space<vmem>>, vector<16xi32>,
      %add3A_167 = arith.addi %add3A_158, %get3A_166 : vector<16xi32>
      %swap3A_168 = arith.constant 6 : i32
      %swap3A_169 = arith.index_cast %swap3A_168 : i32 to index
      %swap3A_170 = arith.index_cast %mul3A_112 : i32 to index
      %swap3A_171 = tpu.vector_load %arg11[%swap3A_169, %swap3A_170] {strides = array<i32>} : memref<16x320xi32, #tpu.memory_space<vmem>>, vector<16xi32>,
      tpu.vector_store %arg11[%swap3A_169, %swap3A_170], %add3A_167 {strides = array<i32>} : memref<16x320xi32, #tpu.memory_space<vmem>>, vector<16xi32>,
      %get3A_172 = arith.constant 6 : i32
      %get3A_173 = arith.index_cast %get3A_172 : i32 to index
      %get3A_174 = arith.index_cast %mul3A_112 : i32 to index
      %get3A_175 = tpu.vector_load %arg10[%get3A_173, %get3A_174] {strides = array<i32>} : memref<16x320xi32, #tpu.memory_space<vmem>>, vector<16xi32>,
      %add3A_176 = arith.addi %add3A_167, %get3A_175 : vector<16xi32>
      %swap3A_177 = arith.constant 7 : i32
      %swap3A_178 = arith.index_cast %swap3A_177 : i32 to index
      %swap3A_179 = arith.index_cast %mul3A_112 : i32 to index
      %swap3A_180 = tpu.vector_load %arg11[%swap3A_178, %swap3A_179] {strides = array<i32>} : memref<16x320xi32, #tpu.memory_space<vmem>>, vector<16xi32>,
      tpu.vector_store %arg11[%swap3A_178, %swap3A_179], %add3A_176 {strides = array<i32>} : memref<16x320xi32, #tpu.memory_space<vmem>>, vector<16xi32>,
      %get3A_181 = arith.constant 7 : i32
      %get3A_182 = arith.index_cast %get3A_181 : i32 to index
      %get3A_183 = arith.index_cast %mul3A_112 : i32 to index
      %get3A_184 = tpu.vector_load %arg10[%get3A_182, %get3A_183] {strides = array<i32>} : memref<16x320xi32, #tpu.memory_space<vmem>>, vector<16xi32>,
      %add3A_185 = arith.addi %add3A_176, %get3A_184 : vector<16xi32>
      %swap3A_186 = arith.constant 8 : i32
      %swap3A_187 = arith.index_cast %swap3A_186 : i32 to index
      %swap3A_188 = arith.index_cast %mul3A_112 : i32 to index
      %swap3A_189 = tpu.vector_load %arg11[%swap3A_187, %swap3A_188] {strides = array<i32>} : memref<16x320xi32, #tpu.memory_space<vmem>>, vector<16xi32>,
      tpu.vector_store %arg11[%swap3A_187, %swap3A_188], %add3A_185 {strides = array<i32>} : memref<16x320xi32, #tpu.memory_space<vmem>>, vector<16xi32>,
      %get3A_190 = arith.constant 8 : i32
      %get3A_191 = arith.index_cast %get3A_190 : i32 to index
      %get3A_192 = arith.index_cast %mul3A_112 : i32 to index
      %get3A_193 = tpu.vector_load %arg10[%get3A_191, %get3A_192] {strides = array<i32>} : memref<16x320xi32, #tpu.memory_space<vmem>>, vector<16xi32>,
      %add3A_194 = arith.addi %add3A_185, %get3A_193 : vector<16xi32>
      %swap3A_195 = arith.constant 9 : i32
      %swap3A_196 = arith.index_cast %swap3A_195 : i32 to index
      %swap3A_197 = arith.index_cast %mul3A_112 : i32 to index
      %swap3A_198 = tpu.vector_load %arg11[%swap3A_196, %swap3A_197] {strides = array<i32>} : memref<16x320xi32, #tpu.memory_space<vmem>>, vector<16xi32>,
      tpu.vector_store %arg11[%swap3A_196, %swap3A_197], %add3A_194 {strides = array<i32>} : memref<16x320xi32, #tpu.memory_space<vmem>>, vector<16xi32>,
      %get3A_199 = arith.constant 9 : i32
      %get3A_200 = arith.index_cast %get3A_199 : i32 to index
      %get3A_201 = arith.index_cast %mul3A_112 : i32 to index
      %get3A_202 = tpu.vector_load %arg10[%get3A_200, %get3A_201] {strides = array<i32>} : memref<16x320xi32, #tpu.memory_space<vmem>>, vector<16xi32>,
      %add3A_203 = arith.addi %add3A_194, %get3A_202 : vector<16xi32>
      %swap3A_204 = arith.constant 10 : i32
      %swap3A_205 = arith.index_cast %swap3A_204 : i32 to index
      %swap3A_206 = arith.index_cast %mul3A_112 : i32 to index
      %swap3A_207 = tpu.vector_load %arg11[%swap3A_205, %swap3A_206] {strides = array<i32>} : memref<16x320xi32, #tpu.memory_space<vmem>>, vector<16xi32>,
      tpu.vector_store %arg11[%swap3A_205, %swap3A_206], %add3A_203 {strides = array<i32>} : memref<16x320xi32, #tpu.memory_space<vmem>>, vector<16xi32>,
      %get3A_208 = arith.constant 10 : i32
      %get3A_209 = arith.index_cast %get3A_208 : i32 to index
      %get3A_210 = arith.index_cast %mul3A_112 : i32 to index
      %get3A_211 = tpu.vector_load %arg10[%get3A_209, %get3A_210] {strides = array<i32>} : memref<16x320xi32, #tpu.memory_space<vmem>>, vector<16xi32>,
      %add3A_212 = arith.addi %add3A_203, %get3A_211 : vector<16xi32>
      %swap3A_213 = arith.constant 11 : i32
      %swap3A_214 = arith.index_cast %swap3A_213 : i32 to index
      %swap3A_215 = arith.index_cast %mul3A_112 : i32 to index
      %swap3A_216 = tpu.vector_load %arg11[%swap3A_214, %swap3A_215] {strides = array<i32>} : memref<16x320xi32, #tpu.memory_space<vmem>>, vector<16xi32>,
      tpu.vector_store %arg11[%swap3A_214, %swap3A_215], %add3A_212 {strides = array<i32>} : memref<16x320xi32, #tpu.memory_space<vmem>>, vector<16xi32>,
      %get3A_217 = arith.constant 11 : i32
      %get3A_218 = arith.index_cast %get3A_217 : i32 to index
      %get3A_219 = arith.index_cast %mul3A_112 : i32 to index
      %get3A_220 = tpu.vector_load %arg10[%get3A_218, %get3A_219] {strides = array<i32>} : memref<16x320xi32, #tpu.memory_space<vmem>>, vector<16xi32>,
      %add3A_221 = arith.addi %add3A_212, %get3A_220 : vector<16xi32>
      %swap3A_222 = arith.constant 12 : i32
      %swap3A_223 = arith.index_cast %swap3A_222 : i32 to index
      %swap3A_224 = arith.index_cast %mul3A_112 : i32 to index
      %swap3A_225 = tpu.vector_load %arg11[%swap3A_223, %swap3A_224] {strides = array<i32>} : memref<16x320xi32, #tpu.memory_space<vmem>>, vector<16xi32>,
      tpu.vector_store %arg11[%swap3A_223, %swap3A_224], %add3A_221 {strides = array<i32>} : memref<16x320xi32, #tpu.memory_space<vmem>>, vector<16xi32>,
      %get3A_226 = arith.constant 12 : i32
      %get3A_227 = arith.index_cast %get3A_226 : i32 to index
      %get3A_228 = arith.index_cast %mul3A_112 : i32 to index
      %get3A_229 = tpu.vector_load %arg10[%get3A_227, %get3A_228] {strides = array<i32>} : memref<16x320xi32, #tpu.memory_space<vmem>>, vector<16xi32>,
      %add3A_230 = arith.addi %add3A_221, %get3A_229 : vector<16xi32>
      %swap3A_231 = arith.constant 13 : i32
      %swap3A_232 = arith.index_cast %swap3A_231 : i32 to index
      %swap3A_233 = arith.index_cast %mul3A_112 : i32 to index
      %swap3A_234 = tpu.vector_load %arg11[%swap3A_232, %swap3A_233] {strides = array<i32>} : memref<16x320xi32, #tpu.memory_space<vmem>>, vector<16xi32>,
      tpu.vector_store %arg11[%swap3A_232, %swap3A_233], %add3A_230 {strides = array<i32>} : memref<16x320xi32, #tpu.memory_space<vmem>>, vector<16xi32>,
      %get3A_235 = arith.constant 13 : i32
      %get3A_236 = arith.index_cast %get3A_235 : i32 to index
      %get3A_237 = arith.index_cast %mul3A_112 : i32 to index
      %get3A_238 = tpu.vector_load %arg10[%get3A_236, %get3A_237] {strides = array<i32>} : memref<16x320xi32, #tpu.memory_space<vmem>>, vector<16xi32>,
      %add3A_239 = arith.addi %add3A_230, %get3A_238 : vector<16xi32>
      %swap3A_240 = arith.constant 14 : i32
      %swap3A_241 = arith.index_cast %swap3A_240 : i32 to index
      %swap3A_242 = arith.index_cast %mul3A_112 : i32 to index
      %swap3A_243 = tpu.vector_load %arg11[%swap3A_241, %swap3A_242] {strides = array<i32>} : memref<16x320xi32, #tpu.memory_space<vmem>>, vector<16xi32>,
      tpu.vector_store %arg11[%swap3A_241, %swap3A_242], %add3A_239 {strides = array<i32>} : memref<16x320xi32, #tpu.memory_space<vmem>>, vector<16xi32>,
      %get3A_244 = arith.constant 14 : i32
      %get3A_245 = arith.index_cast %get3A_244 : i32 to index
      %get3A_246 = arith.index_cast %mul3A_112 : i32 to index
      %get3A_247 = tpu.vector_load %arg10[%get3A_245, %get3A_246] {strides = array<i32>} : memref<16x320xi32, #tpu.memory_space<vmem>>, vector<16xi32>,
      %add3A_248 = arith.addi %add3A_239, %get3A_247 : vector<16xi32>
      %swap3A_249 = arith.constant 15 : i32
      %swap3A_250 = arith.index_cast %swap3A_249 : i32 to index
      %swap3A_251 = arith.index_cast %mul3A_112 : i32 to index
      %swap3A_252 = tpu.vector_load %arg11[%swap3A_250, %swap3A_251] {strides = array<i32>} : memref<16x320xi32, #tpu.memory_space<vmem>>, vector<16xi32>,
      tpu.vector_store %arg11[%swap3A_250, %swap3A_251], %add3A_248 {strides = array<i32>} : memref<16x320xi32, #tpu.memory_space<vmem>>, vector<16xi32>,
      %get3A_253 = arith.constant 15 : i32
      %get3A_254 = arith.index_cast %get3A_253 : i32 to index
      %get3A_255 = arith.index_cast %mul3A_112 : i32 to index
      %get3A_256 = tpu.vector_load %arg10[%get3A_254, %get3A_255] {strides = array<i32>} : memref<16x320xi32, #tpu.memory_space<vmem>>, vector<16xi32>,
      %add3A_257 = arith.addi %add3A_248, %get3A_256 : vector<16xi32>
    }
    %scan3A_100 = arith.constant 20 : i32
    %scan3A_101 = arith.constant 0 : i32
    %scan3A_102 = arith.constant 80 : i32
    %scan3A_103 = arith.addi %scan3A_101, %scan3A_102 : i32
    %scan3A_104 = arith.constant 1 : i32
    scf.for %scan3A_106 = %scan3A_101 to %scan3A_103 step %scan3A_104  : i32 {
      %mul3A_107 = arith.constant 1 : i32
      %mul3A_108 = arith.muli %scan3A_106, %mul3A_107 : i32
      %add3A_109 = arith.constant 0 : i32
      %add3A_110 = arith.addi %add3A_109, %mul3A_108 : i32
      %scan3A_111 = arith.constant 0 : i32
      %scan3A_112 = arith.constant 8 : i32
      %scan3A_113 = arith.addi %scan3A_111, %scan3A_112 : i32
      %scan3A_114 = arith.constant 1 : i32
      scf.for %scan3A_116 = %scan3A_111 to %scan3A_113 step %scan3A_114  : i32 {
        %mul3A_117 = arith.constant 1 : i32
        %mul3A_118 = arith.muli %scan3A_116, %mul3A_117 : i32
        %add3A_119 = arith.constant 0 : i32
        %add3A_120 = arith.addi %add3A_119, %mul3A_118 : i32
        %mul3A_121 = arith.constant 16 : i32
        %mul3A_122 = arith.muli %add3A_120, %mul3A_121 : i32
        %get3A = arith.index_cast %add3A_110 : i32 to index
        %get3A_123 = arith.index_cast %mul3A_122 : i32 to index
        %get3A_124 = tpu.vector_load %arg6[%get3A, %get3A_123] {strides = array<i32>} : memref<80x128xi32, #tpu.memory_space<vmem>>, vector<16xi32>,
        %get3A_125 = arith.index_cast %add3A_110 : i32 to index
        %get3A_126 = arith.index_cast %mul3A_122 : i32 to index
        %get3A_127 = tpu.vector_load %arg7[%get3A_125, %get3A_126] {strides = array<i32>} : memref<80x128xi32, #tpu.memory_space<vmem>>, vector<16xi32>,
        %shift_right_arithmetic3A = arith.constant 5 : i32
        %shift_right_arithmetic3A_128 = vector.broadcast %shift_right_arithmetic3A : i32 to vector<16xi32>
        %shift_right_arithmetic3A_129 = arith.shrsi %get3A_124, %shift_right_arithmetic3A_128 : vector<16xi32>
        %gather3A = tpu.vector_load_idx %arg11[%iota3A, %shift_right_arithmetic3A_129] : memref<16x320xi32, #tpu.memory_space<vmem>>[vector<16xi32>, vector<16xi32>], vector<16xi32>,
        %shift_right_arithmetic3A_130 = arith.constant 5 : i32
        %shift_right_arithmetic3A_131 = vector.broadcast %shift_right_arithmetic3A_130 : i32 to vector<16xi32>
        %shift_right_arithmetic3A_132 = arith.shrsi %get3A_124, %shift_right_arithmetic3A_131 : vector<16xi32>
        tpu.vector_store_idx %arg11[%iota3A, %shift_right_arithmetic3A_132], %broadcast_in_dim3A_3 {add = true} : memref<16x320xi32, #tpu.memory_space<vmem>>[vector<16xi32>, vector<16xi32>], vector<16xi32>,
        %shift_right_logical3A = arith.constant 7 : i32
        %shift_right_logical3A_133 = vector.broadcast %shift_right_logical3A : i32 to vector<16xi32>
        %shift_right_logical3A_134 = arith.shrui %gather3A, %shift_right_logical3A_133 : vector<16xi32>
        %and3A = arith.constant 127 : i32
        %and3A_135 = vector.broadcast %and3A : i32 to vector<16xi32>
        %and3A_136 = arith.andi %gather3A, %and3A_135 : vector<16xi32>
        tpu.vector_store_idx %arg8[%shift_right_logical3A_134, %and3A_136], %get3A_124 : memref<80x128xi32, #tpu.memory_space<vmem>>[vector<16xi32>, vector<16xi32>], vector<16xi32>,
        tpu.vector_store_idx %arg9[%shift_right_logical3A_134, %and3A_136], %get3A_127 : memref<80x128xi32, #tpu.memory_space<vmem>>[vector<16xi32>, vector<16xi32>], vector<16xi32>,
      }
      %scan3A_115 = arith.constant 8 : i32
    }
    %scan3A_105 = arith.constant 80 : i32
    "tpu.region"() ({
      %run_scoped3A = tpu.sem_alloc : memref<!tpu.dma_semaphore, #tpu.memory_space<semaphore_mem>>
      %dma_start3A = arith.constant 0 : i32
      %dma_start3A_106 = tpu.memref_slice %arg4[%mul3A_2, %dma_start3A] : memref<2560x128xi32, #tpu.memory_space<hbm>> -> memref<80x128xi32, #tpu.memory_space<hbm>>
      %dma_start3A_107 = arith.constant 0 : i32
      %dma_start3A_108 = tpu.memref_slice %arg4[%mul3A_2, %dma_start3A_107] : memref<2560x128xi32, #tpu.memory_space<hbm>> -> memref<80x128xi32, #tpu.memory_space<hbm>>
      tpu.enqueue_dma source(%arg8 : memref<80x128xi32, #tpu.memory_space<vmem>>) target(%dma_start3A_108 : memref<80x128xi32, #tpu.memory_space<hbm>>) target_semaphore(%run_scoped3A : memref<!tpu.dma_semaphore, #tpu.memory_space<semaphore_mem>>)
      %dma_wait3A = arith.constant 0 : i32
      %dma_wait3A_109 = tpu.memref_slice %arg4[%mul3A_2, %dma_wait3A] : memref<2560x128xi32, #tpu.memory_space<hbm>> -> memref<80x128xi32, #tpu.memory_space<hbm>>
      %dma_wait3A_110 = arith.constant 0 : i32
      %dma_wait3A_111 = tpu.memref_slice %arg4[%mul3A_2, %dma_wait3A_110] : memref<2560x128xi32, #tpu.memory_space<hbm>> -> memref<80x128xi32, #tpu.memory_space<hbm>>
      tpu.wait_dma2 semaphore(%run_scoped3A : memref<!tpu.dma_semaphore, #tpu.memory_space<semaphore_mem>>) src(%arg8 : memref<80x128xi32, #tpu.memory_space<vmem>>) dst(%dma_wait3A_111 : memref<80x128xi32, #tpu.memory_space<hbm>>)
      tpu.yield
    }) : () -> ()
    "tpu.region"() ({
      %run_scoped3A = tpu.sem_alloc : memref<!tpu.dma_semaphore, #tpu.memory_space<semaphore_mem>>
      %dma_start3A = arith.constant 0 : i32
      %dma_start3A_106 = tpu.memref_slice %arg5[%mul3A_2, %dma_start3A] : memref<2560x128xi32, #tpu.memory_space<hbm>> -> memref<80x128xi32, #tpu.memory_space<hbm>>
      %dma_start3A_107 = arith.constant 0 : i32
      %dma_start3A_108 = tpu.memref_slice %arg5[%mul3A_2, %dma_start3A_107] : memref<2560x128xi32, #tpu.memory_space<hbm>> -> memref<80x128xi32, #tpu.memory_space<hbm>>
      tpu.enqueue_dma source(%arg9 : memref<80x128xi32, #tpu.memory_space<vmem>>) target(%dma_start3A_108 : memref<80x128xi32, #tpu.memory_space<hbm>>) target_semaphore(%run_scoped3A : memref<!tpu.dma_semaphore, #tpu.memory_space<semaphore_mem>>)
      %dma_wait3A = arith.constant 0 : i32
      %dma_wait3A_109 = tpu.memref_slice %arg5[%mul3A_2, %dma_wait3A] : memref<2560x128xi32, #tpu.memory_space<hbm>> -> memref<80x128xi32, #tpu.memory_space<hbm>>
      %dma_wait3A_110 = arith.constant 0 : i32
      %dma_wait3A_111 = tpu.memref_slice %arg5[%mul3A_2, %dma_wait3A_110] : memref<2560x128xi32, #tpu.memory_space<hbm>> -> memref<80x128xi32, #tpu.memory_space<hbm>>
      tpu.wait_dma2 semaphore(%run_scoped3A : memref<!tpu.dma_semaphore, #tpu.memory_space<semaphore_mem>>) src(%arg9 : memref<80x128xi32, #tpu.memory_space<vmem>>) dst(%dma_wait3A_111 : memref<80x128xi32, #tpu.memory_space<hbm>>)
      tpu.yield
    }) : () -> ()
    return
  }
}

#map = affine_map<(d0, d1) -> (0, 0)>
#map1 = affine_map<(d0, d1) -> (0, 0, 0)>
module attributes {stable_mosaic.version = 14 : i64} {
  func.func @_deg_body(%arg0: i32, %arg1: i32, %arg2: memref<2560x128xi32, #tpu.memory_space<hbm>>, %arg3: memref<2560x128xi32, #tpu.memory_space<hbm>>, %arg4: memref<128x16xf32, #tpu.memory_space<hbm>>, %arg5: memref<640x16xf32, #tpu.memory_space<hbm>>, %arg6: memref<2x10240x16xf32, #tpu.memory_space<hbm>>, %arg7: memref<2x10240x16xf32, #tpu.memory_space<hbm>>, %arg8: memref<80x128xi32, #tpu.memory_space<vmem>>, %arg9: memref<80x128xi32, #tpu.memory_space<vmem>>, %arg10: memref<128x16xf32, #tpu.memory_space<vmem>>, %arg11: memref<10240x16xf32, #tpu.memory_space<vmem_shared>>, %arg12: memref<10240x16xf32, #tpu.memory_space<vmem_shared>>) attributes {dimension_semantics = [#tpu.dimension_semantics<core_parallel>, #tpu.dimension_semantics<subcore_parallel>], iteration_bounds = array<i64: 2, 16>, scalar_prefetch = 0 : i64, scratch_operands = 5 : i64, tpu.core_type = #tpu.core_type<sc_vector_subcore>, window_params = [{transform_indices = #map}, {transform_indices = #map}, {transform_indices = #map}, {transform_indices = #map}, {transform_indices = #map1}, {transform_indices = #map1}]} {
    %mul3A = arith.constant 16 : i32
    %mul3A_0 = arith.muli %arg0, %mul3A : i32
    %add3A = arith.addi %mul3A_0, %arg1 : i32
    %mul3A_1 = arith.constant 640 : i32
    %mul3A_2 = arith.muli %arg1, %mul3A_1 : i32
    %mul3A_3 = arith.constant 80 : i32
    %mul3A_4 = arith.muli %add3A, %mul3A_3 : i32
    "tpu.region"() ({
      %run_scoped3A = tpu.sem_alloc : memref<!tpu.dma_semaphore, #tpu.memory_space<semaphore_mem>>
      %dma_start3A = arith.constant 0 : i32
      %dma_start3A_10 = tpu.memref_slice %arg11[%mul3A_2, %dma_start3A] : memref<10240x16xf32, #tpu.memory_space<vmem_shared>> -> memref<640x16xf32, #tpu.memory_space<vmem_shared>>
      tpu.enqueue_dma source(%arg5 : memref<640x16xf32, #tpu.memory_space<hbm>>) target(%dma_start3A_10 : memref<640x16xf32, #tpu.memory_space<vmem_shared>>) target_semaphore(%run_scoped3A : memref<!tpu.dma_semaphore, #tpu.memory_space<semaphore_mem>>)
      %dma_wait3A = arith.constant 0 : i32
      %dma_wait3A_11 = tpu.memref_slice %arg11[%mul3A_2, %dma_wait3A] : memref<10240x16xf32, #tpu.memory_space<vmem_shared>> -> memref<640x16xf32, #tpu.memory_space<vmem_shared>>
      tpu.wait_dma2 semaphore(%run_scoped3A : memref<!tpu.dma_semaphore, #tpu.memory_space<semaphore_mem>>) src(%arg5 : memref<640x16xf32, #tpu.memory_space<hbm>>) dst(%dma_wait3A_11 : memref<640x16xf32, #tpu.memory_space<vmem_shared>>)
      tpu.yield
    }) : () -> ()
    "tpu.region"() ({
      %run_scoped3A = tpu.sem_alloc : memref<!tpu.dma_semaphore, #tpu.memory_space<semaphore_mem>>
      %dma_start3A = arith.constant 0 : i32
      %dma_start3A_10 = tpu.memref_slice %arg12[%mul3A_2, %dma_start3A] : memref<10240x16xf32, #tpu.memory_space<vmem_shared>> -> memref<640x16xf32, #tpu.memory_space<vmem_shared>>
      tpu.enqueue_dma source(%arg5 : memref<640x16xf32, #tpu.memory_space<hbm>>) target(%dma_start3A_10 : memref<640x16xf32, #tpu.memory_space<vmem_shared>>) target_semaphore(%run_scoped3A : memref<!tpu.dma_semaphore, #tpu.memory_space<semaphore_mem>>)
      %dma_wait3A = arith.constant 0 : i32
      %dma_wait3A_11 = tpu.memref_slice %arg12[%mul3A_2, %dma_wait3A] : memref<10240x16xf32, #tpu.memory_space<vmem_shared>> -> memref<640x16xf32, #tpu.memory_space<vmem_shared>>
      tpu.wait_dma2 semaphore(%run_scoped3A : memref<!tpu.dma_semaphore, #tpu.memory_space<semaphore_mem>>) src(%arg5 : memref<640x16xf32, #tpu.memory_space<hbm>>) dst(%dma_wait3A_11 : memref<640x16xf32, #tpu.memory_space<vmem_shared>>)
      tpu.yield
    }) : () -> ()
    "tpu.region"() ({
      %run_scoped3A = tpu.sem_alloc : memref<!tpu.dma_semaphore, #tpu.memory_space<semaphore_mem>>
      tpu.enqueue_dma source(%arg4 : memref<128x16xf32, #tpu.memory_space<hbm>>) target(%arg10 : memref<128x16xf32, #tpu.memory_space<vmem>>) target_semaphore(%run_scoped3A : memref<!tpu.dma_semaphore, #tpu.memory_space<semaphore_mem>>)
      tpu.wait_dma2 semaphore(%run_scoped3A : memref<!tpu.dma_semaphore, #tpu.memory_space<semaphore_mem>>) src(%arg4 : memref<128x16xf32, #tpu.memory_space<hbm>>) dst(%arg10 : memref<128x16xf32, #tpu.memory_space<vmem>>)
      tpu.yield
    }) : () -> ()
    "tpu.region"() ({
      %run_scoped3A = tpu.sem_alloc : memref<!tpu.dma_semaphore, #tpu.memory_space<semaphore_mem>>
      %dma_start3A = arith.constant 0 : i32
      %dma_start3A_10 = tpu.memref_slice %arg2[%mul3A_4, %dma_start3A] : memref<2560x128xi32, #tpu.memory_space<hbm>> -> memref<80x128xi32, #tpu.memory_space<hbm>>
      %dma_start3A_11 = arith.constant 0 : i32
      %dma_start3A_12 = tpu.memref_slice %arg2[%mul3A_4, %dma_start3A_11] : memref<2560x128xi32, #tpu.memory_space<hbm>> -> memref<80x128xi32, #tpu.memory_space<hbm>>
      tpu.enqueue_dma source(%dma_start3A_12 : memref<80x128xi32, #tpu.memory_space<hbm>>) target(%arg8 : memref<80x128xi32, #tpu.memory_space<vmem>>) target_semaphore(%run_scoped3A : memref<!tpu.dma_semaphore, #tpu.memory_space<semaphore_mem>>)
      %dma_wait3A = arith.constant 0 : i32
      %dma_wait3A_13 = tpu.memref_slice %arg2[%mul3A_4, %dma_wait3A] : memref<2560x128xi32, #tpu.memory_space<hbm>> -> memref<80x128xi32, #tpu.memory_space<hbm>>
      %dma_wait3A_14 = arith.constant 0 : i32
      %dma_wait3A_15 = tpu.memref_slice %arg2[%mul3A_4, %dma_wait3A_14] : memref<2560x128xi32, #tpu.memory_space<hbm>> -> memref<80x128xi32, #tpu.memory_space<hbm>>
      tpu.wait_dma2 semaphore(%run_scoped3A : memref<!tpu.dma_semaphore, #tpu.memory_space<semaphore_mem>>) src(%dma_wait3A_15 : memref<80x128xi32, #tpu.memory_space<hbm>>) dst(%arg8 : memref<80x128xi32, #tpu.memory_space<vmem>>)
      tpu.yield
    }) : () -> ()
    "tpu.region"() ({
      %run_scoped3A = tpu.sem_alloc : memref<!tpu.dma_semaphore, #tpu.memory_space<semaphore_mem>>
      %dma_start3A = arith.constant 0 : i32
      %dma_start3A_10 = tpu.memref_slice %arg3[%mul3A_4, %dma_start3A] : memref<2560x128xi32, #tpu.memory_space<hbm>> -> memref<80x128xi32, #tpu.memory_space<hbm>>
      %dma_start3A_11 = arith.constant 0 : i32
      %dma_start3A_12 = tpu.memref_slice %arg3[%mul3A_4, %dma_start3A_11] : memref<2560x128xi32, #tpu.memory_space<hbm>> -> memref<80x128xi32, #tpu.memory_space<hbm>>
      tpu.enqueue_dma source(%dma_start3A_12 : memref<80x128xi32, #tpu.memory_space<hbm>>) target(%arg9 : memref<80x128xi32, #tpu.memory_space<vmem>>) target_semaphore(%run_scoped3A : memref<!tpu.dma_semaphore, #tpu.memory_space<semaphore_mem>>)
      %dma_wait3A = arith.constant 0 : i32
      %dma_wait3A_13 = tpu.memref_slice %arg3[%mul3A_4, %dma_wait3A] : memref<2560x128xi32, #tpu.memory_space<hbm>> -> memref<80x128xi32, #tpu.memory_space<hbm>>
      %dma_wait3A_14 = arith.constant 0 : i32
      %dma_wait3A_15 = tpu.memref_slice %arg3[%mul3A_4, %dma_wait3A_14] : memref<2560x128xi32, #tpu.memory_space<hbm>> -> memref<80x128xi32, #tpu.memory_space<hbm>>
      tpu.wait_dma2 semaphore(%run_scoped3A : memref<!tpu.dma_semaphore, #tpu.memory_space<semaphore_mem>>) src(%dma_wait3A_15 : memref<80x128xi32, #tpu.memory_space<hbm>>) dst(%arg9 : memref<80x128xi32, #tpu.memory_space<vmem>>)
      tpu.yield
    }) : () -> ()
    %barrier3A = arith.constant 0 : index
    tpu.barrier barrier_id(%barrier3A)
    %scan3A = arith.constant 0 : i32
    %scan3A_5 = arith.constant 80 : i32
    %scan3A_6 = arith.addi %scan3A, %scan3A_5 : i32
    %scan3A_7 = arith.constant 1 : i32
    scf.for %scan3A_10 = %scan3A to %scan3A_6 step %scan3A_7  : i32 {
      %mul3A_11 = arith.constant 1 : i32
      %mul3A_12 = arith.muli %scan3A_10, %mul3A_11 : i32
      %add3A_13 = arith.constant 0 : i32
      %add3A_14 = arith.addi %add3A_13, %mul3A_12 : i32
      "tpu.region"() ({
        %run_scoped3A = tpu.sem_alloc : memref<!tpu.dma_semaphore, #tpu.memory_space<semaphore_mem>>
        %dma_start3A = arith.constant 0 : i32
        %dma_start3A_15 = tpu.memref_slice %arg8[%add3A_14, %dma_start3A] : memref<80x128xi32, #tpu.memory_space<vmem>> -> memref<1x128xi32, #tpu.memory_space<vmem>>
        %dma_start3A_16 = tpu.memref_squeeze %dma_start3A_15 : memref<1x128xi32, #tpu.memory_space<vmem>> -> memref<128xi32, #tpu.memory_space<vmem>>
        %dma_start3A_17 = arith.constant 0 : i32
        %dma_start3A_18 = arith.constant 0 : i32
        %dma_start3A_19 = tpu.memref_slice %arg11[%dma_start3A_17, %dma_start3A_18] : memref<10240x16xf32, #tpu.memory_space<vmem_shared>> -> memref<10240x16xf32, #tpu.memory_space<vmem_shared>>
        tpu.enqueue_indirect_dma source(%arg10 : memref<128x16xf32, #tpu.memory_space<vmem>>) target(%dma_start3A_19 : memref<10240x16xf32, #tpu.memory_space<vmem_shared>>) offsets(%dma_start3A_16 : memref<128xi32, #tpu.memory_space<vmem>>) semaphore(%run_scoped3A : memref<!tpu.dma_semaphore, #tpu.memory_space<semaphore_mem>>) {add = true}
        %dma_wait3A = arith.constant 0 : i32
        %dma_wait3A_20 = tpu.memref_slice %arg8[%add3A_14, %dma_wait3A] : memref<80x128xi32, #tpu.memory_space<vmem>> -> memref<1x128xi32, #tpu.memory_space<vmem>>
        %dma_wait3A_21 = tpu.memref_squeeze %dma_wait3A_20 : memref<1x128xi32, #tpu.memory_space<vmem>> -> memref<128xi32, #tpu.memory_space<vmem>>
        %dma_wait3A_22 = arith.constant 0 : i32
        %dma_wait3A_23 = arith.constant 0 : i32
        %dma_wait3A_24 = tpu.memref_slice %arg11[%dma_wait3A_22, %dma_wait3A_23] : memref<10240x16xf32, #tpu.memory_space<vmem_shared>> -> memref<10240x16xf32, #tpu.memory_space<vmem_shared>>
        tpu.wait_indirect_dma semaphore(%run_scoped3A : memref<!tpu.dma_semaphore, #tpu.memory_space<semaphore_mem>>) src(%arg10 : memref<128x16xf32, #tpu.memory_space<vmem>>) dst(%dma_wait3A_24 : memref<10240x16xf32, #tpu.memory_space<vmem_shared>>)
        tpu.yield
      }) : () -> ()
      "tpu.region"() ({
        %run_scoped3A = tpu.sem_alloc : memref<!tpu.dma_semaphore, #tpu.memory_space<semaphore_mem>>
        %dma_start3A = arith.constant 0 : i32
        %dma_start3A_15 = tpu.memref_slice %arg9[%add3A_14, %dma_start3A] : memref<80x128xi32, #tpu.memory_space<vmem>> -> memref<1x128xi32, #tpu.memory_space<vmem>>
        %dma_start3A_16 = tpu.memref_squeeze %dma_start3A_15 : memref<1x128xi32, #tpu.memory_space<vmem>> -> memref<128xi32, #tpu.memory_space<vmem>>
        %dma_start3A_17 = arith.constant 0 : i32
        %dma_start3A_18 = arith.constant 0 : i32
        %dma_start3A_19 = tpu.memref_slice %arg12[%dma_start3A_17, %dma_start3A_18] : memref<10240x16xf32, #tpu.memory_space<vmem_shared>> -> memref<10240x16xf32, #tpu.memory_space<vmem_shared>>
        tpu.enqueue_indirect_dma source(%arg10 : memref<128x16xf32, #tpu.memory_space<vmem>>) target(%dma_start3A_19 : memref<10240x16xf32, #tpu.memory_space<vmem_shared>>) offsets(%dma_start3A_16 : memref<128xi32, #tpu.memory_space<vmem>>) semaphore(%run_scoped3A : memref<!tpu.dma_semaphore, #tpu.memory_space<semaphore_mem>>) {add = true}
        %dma_wait3A = arith.constant 0 : i32
        %dma_wait3A_20 = tpu.memref_slice %arg9[%add3A_14, %dma_wait3A] : memref<80x128xi32, #tpu.memory_space<vmem>> -> memref<1x128xi32, #tpu.memory_space<vmem>>
        %dma_wait3A_21 = tpu.memref_squeeze %dma_wait3A_20 : memref<1x128xi32, #tpu.memory_space<vmem>> -> memref<128xi32, #tpu.memory_space<vmem>>
        %dma_wait3A_22 = arith.constant 0 : i32
        %dma_wait3A_23 = arith.constant 0 : i32
        %dma_wait3A_24 = tpu.memref_slice %arg12[%dma_wait3A_22, %dma_wait3A_23] : memref<10240x16xf32, #tpu.memory_space<vmem_shared>> -> memref<10240x16xf32, #tpu.memory_space<vmem_shared>>
        tpu.wait_indirect_dma semaphore(%run_scoped3A : memref<!tpu.dma_semaphore, #tpu.memory_space<semaphore_mem>>) src(%arg10 : memref<128x16xf32, #tpu.memory_space<vmem>>) dst(%dma_wait3A_24 : memref<10240x16xf32, #tpu.memory_space<vmem_shared>>)
        tpu.yield
      }) : () -> ()
    }
    %scan3A_8 = arith.constant 80 : i32
    %barrier3A_9 = arith.constant 0 : index
    tpu.barrier barrier_id(%barrier3A_9)
    "tpu.region"() ({
      %run_scoped3A = tpu.sem_alloc : memref<!tpu.dma_semaphore, #tpu.memory_space<semaphore_mem>>
      %dma_start3A = arith.constant 0 : i32
      %dma_start3A_10 = tpu.memref_slice %arg6[%arg0, %mul3A_2, %dma_start3A] : memref<2x10240x16xf32, #tpu.memory_space<hbm>> -> memref<1x640x16xf32, #tpu.memory_space<hbm>>
      %dma_start3A_11 = tpu.memref_squeeze %dma_start3A_10 : memref<1x640x16xf32, #tpu.memory_space<hbm>> -> memref<640x16xf32, #tpu.memory_space<hbm>>
      %dma_start3A_12 = arith.constant 0 : i32
      %dma_start3A_13 = tpu.memref_slice %arg11[%mul3A_2, %dma_start3A_12] : memref<10240x16xf32, #tpu.memory_space<vmem_shared>> -> memref<640x16xf32, #tpu.memory_space<vmem_shared>>
      tpu.enqueue_dma source(%dma_start3A_13 : memref<640x16xf32, #tpu.memory_space<vmem_shared>>) target(%dma_start3A_11 : memref<640x16xf32, #tpu.memory_space<hbm>>) target_semaphore(%run_scoped3A : memref<!tpu.dma_semaphore, #tpu.memory_space<semaphore_mem>>)
      %dma_wait3A = arith.constant 0 : i32
      %dma_wait3A_14 = tpu.memref_slice %arg6[%arg0, %mul3A_2, %dma_wait3A] : memref<2x10240x16xf32, #tpu.memory_space<hbm>> -> memref<1x640x16xf32, #tpu.memory_space<hbm>>
      %dma_wait3A_15 = tpu.memref_squeeze %dma_wait3A_14 : memref<1x640x16xf32, #tpu.memory_space<hbm>> -> memref<640x16xf32, #tpu.memory_space<hbm>>
      %dma_wait3A_16 = arith.constant 0 : i32
      %dma_wait3A_17 = tpu.memref_slice %arg11[%mul3A_2, %dma_wait3A_16] : memref<10240x16xf32, #tpu.memory_space<vmem_shared>> -> memref<640x16xf32, #tpu.memory_space<vmem_shared>>
      tpu.wait_dma2 semaphore(%run_scoped3A : memref<!tpu.dma_semaphore, #tpu.memory_space<semaphore_mem>>) src(%dma_wait3A_17 : memref<640x16xf32, #tpu.memory_space<vmem_shared>>) dst(%dma_wait3A_15 : memref<640x16xf32, #tpu.memory_space<hbm>>)
      tpu.yield
    }) : () -> ()
    "tpu.region"() ({
      %run_scoped3A = tpu.sem_alloc : memref<!tpu.dma_semaphore, #tpu.memory_space<semaphore_mem>>
      %dma_start3A = arith.constant 0 : i32
      %dma_start3A_10 = tpu.memref_slice %arg7[%arg0, %mul3A_2, %dma_start3A] : memref<2x10240x16xf32, #tpu.memory_space<hbm>> -> memref<1x640x16xf32, #tpu.memory_space<hbm>>
      %dma_start3A_11 = tpu.memref_squeeze %dma_start3A_10 : memref<1x640x16xf32, #tpu.memory_space<hbm>> -> memref<640x16xf32, #tpu.memory_space<hbm>>
      %dma_start3A_12 = arith.constant 0 : i32
      %dma_start3A_13 = tpu.memref_slice %arg12[%mul3A_2, %dma_start3A_12] : memref<10240x16xf32, #tpu.memory_space<vmem_shared>> -> memref<640x16xf32, #tpu.memory_space<vmem_shared>>
      tpu.enqueue_dma source(%dma_start3A_13 : memref<640x16xf32, #tpu.memory_space<vmem_shared>>) target(%dma_start3A_11 : memref<640x16xf32, #tpu.memory_space<hbm>>) target_semaphore(%run_scoped3A : memref<!tpu.dma_semaphore, #tpu.memory_space<semaphore_mem>>)
      %dma_wait3A = arith.constant 0 : i32
      %dma_wait3A_14 = tpu.memref_slice %arg7[%arg0, %mul3A_2, %dma_wait3A] : memref<2x10240x16xf32, #tpu.memory_space<hbm>> -> memref<1x640x16xf32, #tpu.memory_space<hbm>>
      %dma_wait3A_15 = tpu.memref_squeeze %dma_wait3A_14 : memref<1x640x16xf32, #tpu.memory_space<hbm>> -> memref<640x16xf32, #tpu.memory_space<hbm>>
      %dma_wait3A_16 = arith.constant 0 : i32
      %dma_wait3A_17 = tpu.memref_slice %arg12[%mul3A_2, %dma_wait3A_16] : memref<10240x16xf32, #tpu.memory_space<vmem_shared>> -> memref<640x16xf32, #tpu.memory_space<vmem_shared>>
      tpu.wait_dma2 semaphore(%run_scoped3A : memref<!tpu.dma_semaphore, #tpu.memory_space<semaphore_mem>>) src(%dma_wait3A_17 : memref<640x16xf32, #tpu.memory_space<vmem_shared>>) dst(%dma_wait3A_15 : memref<640x16xf32, #tpu.memory_space<hbm>>)
      tpu.yield
    }) : () -> ()
    return
  }
}

#map = affine_map<(d0, d1) -> (0, 0)>
#map1 = affine_map<(d0, d1) -> (0, 0, 0)>
module attributes {stable_mosaic.version = 14 : i64} {
  func.func @_agg_body(%arg0: i32, %arg1: i32, %arg2: memref<10240x128xf32, #tpu.memory_space<hbm>>, %arg3: memref<2560x128xi32, #tpu.memory_space<hbm>>, %arg4: memref<2560x128xi32, #tpu.memory_space<hbm>>, %arg5: memref<640x128xf32, #tpu.memory_space<hbm>>, %arg6: memref<2x10240x128xf32, #tpu.memory_space<hbm>>, %arg7: memref<8x128xi32, #tpu.memory_space<vmem>>, %arg8: memref<8x128xi32, #tpu.memory_space<vmem>>, %arg9: memref<128x128xf32, #tpu.memory_space<vmem>>, %arg10: memref<128x128xf32, #tpu.memory_space<vmem>>, %arg11: memref<10240x128xf32, #tpu.memory_space<vmem_shared>>, %arg12: memref<!tpu.dma_semaphore, #tpu.memory_space<semaphore_mem>>, %arg13: memref<!tpu.dma_semaphore, #tpu.memory_space<semaphore_mem>>) attributes {dimension_semantics = [#tpu.dimension_semantics<core_parallel>, #tpu.dimension_semantics<subcore_parallel>], iteration_bounds = array<i64: 2, 16>, scalar_prefetch = 0 : i64, scratch_operands = 7 : i64, tpu.core_type = #tpu.core_type<sc_vector_subcore>, window_params = [{transform_indices = #map}, {transform_indices = #map}, {transform_indices = #map}, {transform_indices = #map}, {transform_indices = #map1}]} {
    %mul3A = arith.constant 16 : i32
    %mul3A_0 = arith.muli %arg0, %mul3A : i32
    %add3A = arith.addi %mul3A_0, %arg1 : i32
    %mul3A_1 = arith.constant 640 : i32
    %mul3A_2 = arith.muli %arg1, %mul3A_1 : i32
    "tpu.region"() ({
      %run_scoped3A = tpu.sem_alloc : memref<!tpu.dma_semaphore, #tpu.memory_space<semaphore_mem>>
      %dma_start3A = arith.constant 0 : i32
      %dma_start3A_8 = tpu.memref_slice %arg11[%mul3A_2, %dma_start3A] : memref<10240x128xf32, #tpu.memory_space<vmem_shared>> -> memref<640x128xf32, #tpu.memory_space<vmem_shared>>
      tpu.enqueue_dma source(%arg5 : memref<640x128xf32, #tpu.memory_space<hbm>>) target(%dma_start3A_8 : memref<640x128xf32, #tpu.memory_space<vmem_shared>>) target_semaphore(%run_scoped3A : memref<!tpu.dma_semaphore, #tpu.memory_space<semaphore_mem>>)
      %dma_wait3A = arith.constant 0 : i32
      %dma_wait3A_9 = tpu.memref_slice %arg11[%mul3A_2, %dma_wait3A] : memref<10240x128xf32, #tpu.memory_space<vmem_shared>> -> memref<640x128xf32, #tpu.memory_space<vmem_shared>>
      tpu.wait_dma2 semaphore(%run_scoped3A : memref<!tpu.dma_semaphore, #tpu.memory_space<semaphore_mem>>) src(%arg5 : memref<640x128xf32, #tpu.memory_space<hbm>>) dst(%dma_wait3A_9 : memref<640x128xf32, #tpu.memory_space<vmem_shared>>)
      tpu.yield
    }) : () -> ()
    %barrier3A = arith.constant 0 : index
    tpu.barrier barrier_id(%barrier3A)
    %scan3A = arith.constant 0 : i32
    %scan3A_3 = arith.constant 10 : i32
    %scan3A_4 = arith.addi %scan3A, %scan3A_3 : i32
    %scan3A_5 = arith.constant 1 : i32
    scf.for %scan3A_8 = %scan3A to %scan3A_4 step %scan3A_5  : i32 {
      %mul3A_9 = arith.constant 1 : i32
      %mul3A_10 = arith.muli %scan3A_8, %mul3A_9 : i32
      %add3A_11 = arith.constant 0 : i32
      %add3A_12 = arith.addi %add3A_11, %mul3A_10 : i32
      %mul3A_13 = arith.constant 80 : i32
      %mul3A_14 = arith.muli %add3A, %mul3A_13 : i32
      %mul3A_15 = arith.constant 8 : i32
      %mul3A_16 = arith.muli %add3A_12, %mul3A_15 : i32
      %add3A_17 = arith.addi %mul3A_14, %mul3A_16 : i32
      "tpu.region"() ({
        %run_scoped3A_50 = tpu.sem_alloc : memref<!tpu.dma_semaphore, #tpu.memory_space<semaphore_mem>>
        %dma_start3A_51 = arith.constant 0 : i32
        %dma_start3A_52 = tpu.memref_slice %arg3[%add3A_17, %dma_start3A_51] : memref<2560x128xi32, #tpu.memory_space<hbm>> -> memref<8x128xi32, #tpu.memory_space<hbm>>
        %dma_start3A_53 = arith.constant 0 : i32
        %dma_start3A_54 = tpu.memref_slice %arg3[%add3A_17, %dma_start3A_53] : memref<2560x128xi32, #tpu.memory_space<hbm>> -> memref<8x128xi32, #tpu.memory_space<hbm>>
        tpu.enqueue_dma source(%dma_start3A_54 : memref<8x128xi32, #tpu.memory_space<hbm>>) target(%arg7 : memref<8x128xi32, #tpu.memory_space<vmem>>) target_semaphore(%run_scoped3A_50 : memref<!tpu.dma_semaphore, #tpu.memory_space<semaphore_mem>>)
        %dma_wait3A_55 = arith.constant 0 : i32
        %dma_wait3A_56 = tpu.memref_slice %arg3[%add3A_17, %dma_wait3A_55] : memref<2560x128xi32, #tpu.memory_space<hbm>> -> memref<8x128xi32, #tpu.memory_space<hbm>>
        %dma_wait3A_57 = arith.constant 0 : i32
        %dma_wait3A_58 = tpu.memref_slice %arg3[%add3A_17, %dma_wait3A_57] : memref<2560x128xi32, #tpu.memory_space<hbm>> -> memref<8x128xi32, #tpu.memory_space<hbm>>
        tpu.wait_dma2 semaphore(%run_scoped3A_50 : memref<!tpu.dma_semaphore, #tpu.memory_space<semaphore_mem>>) src(%dma_wait3A_58 : memref<8x128xi32, #tpu.memory_space<hbm>>) dst(%arg7 : memref<8x128xi32, #tpu.memory_space<vmem>>)
        tpu.yield
      }) : () -> ()
      "tpu.region"() ({
        %run_scoped3A_50 = tpu.sem_alloc : memref<!tpu.dma_semaphore, #tpu.memory_space<semaphore_mem>>
        %dma_start3A_51 = arith.constant 0 : i32
        %dma_start3A_52 = tpu.memref_slice %arg4[%add3A_17, %dma_start3A_51] : memref<2560x128xi32, #tpu.memory_space<hbm>> -> memref<8x128xi32, #tpu.memory_space<hbm>>
        %dma_start3A_53 = arith.constant 0 : i32
        %dma_start3A_54 = tpu.memref_slice %arg4[%add3A_17, %dma_start3A_53] : memref<2560x128xi32, #tpu.memory_space<hbm>> -> memref<8x128xi32, #tpu.memory_space<hbm>>
        tpu.enqueue_dma source(%dma_start3A_54 : memref<8x128xi32, #tpu.memory_space<hbm>>) target(%arg8 : memref<8x128xi32, #tpu.memory_space<vmem>>) target_semaphore(%run_scoped3A_50 : memref<!tpu.dma_semaphore, #tpu.memory_space<semaphore_mem>>)
        %dma_wait3A_55 = arith.constant 0 : i32
        %dma_wait3A_56 = tpu.memref_slice %arg4[%add3A_17, %dma_wait3A_55] : memref<2560x128xi32, #tpu.memory_space<hbm>> -> memref<8x128xi32, #tpu.memory_space<hbm>>
        %dma_wait3A_57 = arith.constant 0 : i32
        %dma_wait3A_58 = tpu.memref_slice %arg4[%add3A_17, %dma_wait3A_57] : memref<2560x128xi32, #tpu.memory_space<hbm>> -> memref<8x128xi32, #tpu.memory_space<hbm>>
        tpu.wait_dma2 semaphore(%run_scoped3A_50 : memref<!tpu.dma_semaphore, #tpu.memory_space<semaphore_mem>>) src(%dma_wait3A_58 : memref<8x128xi32, #tpu.memory_space<hbm>>) dst(%arg8 : memref<8x128xi32, #tpu.memory_space<vmem>>)
        tpu.yield
      }) : () -> ()
      %dma_start3A = arith.constant 0 : i32
      %dma_start3A_18 = arith.constant 0 : i32
      %dma_start3A_19 = tpu.memref_slice %arg7[%dma_start3A, %dma_start3A_18] : memref<8x128xi32, #tpu.memory_space<vmem>> -> memref<1x128xi32, #tpu.memory_space<vmem>>
      %dma_start3A_20 = tpu.memref_squeeze %dma_start3A_19 : memref<1x128xi32, #tpu.memory_space<vmem>> -> memref<128xi32, #tpu.memory_space<vmem>>
      %dma_start3A_21 = arith.constant 0 : i32
      %dma_start3A_22 = arith.constant 0 : i32
      %dma_start3A_23 = tpu.memref_slice %arg2[%dma_start3A_21, %dma_start3A_22] : memref<10240x128xf32, #tpu.memory_space<hbm>> -> memref<10240x128xf32, #tpu.memory_space<hbm>>
      tpu.enqueue_indirect_dma source(%dma_start3A_23 : memref<10240x128xf32, #tpu.memory_space<hbm>>) target(%arg9 : memref<128x128xf32, #tpu.memory_space<vmem>>) offsets(%dma_start3A_20 : memref<128xi32, #tpu.memory_space<vmem>>) semaphore(%arg12 : memref<!tpu.dma_semaphore, #tpu.memory_space<semaphore_mem>>)
      %scan3A_24 = arith.constant 0 : i32
      %scan3A_25 = arith.constant 3 : i32
      %scan3A_26 = arith.addi %scan3A_24, %scan3A_25 : i32
      %scan3A_27 = arith.constant 1 : i32
      scf.for %scan3A_50 = %scan3A_24 to %scan3A_26 step %scan3A_27  : i32 {
        %mul3A_51 = arith.constant 1 : i32
        %mul3A_52 = arith.muli %scan3A_50, %mul3A_51 : i32
        %add3A_53 = arith.constant 0 : i32
        %add3A_54 = arith.addi %add3A_53, %mul3A_52 : i32
        %mul3A_55 = arith.constant 2 : i32
        %mul3A_56 = arith.muli %mul3A_55, %add3A_54 : i32
        %add3A_57 = arith.constant 1 : i32
        %add3A_58 = arith.addi %mul3A_56, %add3A_57 : i32
        %dma_start3A_59 = arith.constant 0 : i32
        %dma_start3A_60 = tpu.memref_slice %arg7[%add3A_58, %dma_start3A_59] : memref<8x128xi32, #tpu.memory_space<vmem>> -> memref<1x128xi32, #tpu.memory_space<vmem>>
        %dma_start3A_61 = tpu.memref_squeeze %dma_start3A_60 : memref<1x128xi32, #tpu.memory_space<vmem>> -> memref<128xi32, #tpu.memory_space<vmem>>
        %dma_start3A_62 = arith.constant 0 : i32
        %dma_start3A_63 = arith.constant 0 : i32
        %dma_start3A_64 = tpu.memref_slice %arg2[%dma_start3A_62, %dma_start3A_63] : memref<10240x128xf32, #tpu.memory_space<hbm>> -> memref<10240x128xf32, #tpu.memory_space<hbm>>
        tpu.enqueue_indirect_dma source(%dma_start3A_64 : memref<10240x128xf32, #tpu.memory_space<hbm>>) target(%arg10 : memref<128x128xf32, #tpu.memory_space<vmem>>) offsets(%dma_start3A_61 : memref<128xi32, #tpu.memory_space<vmem>>) semaphore(%arg13 : memref<!tpu.dma_semaphore, #tpu.memory_space<semaphore_mem>>)
        %dma_wait3A_65 = arith.constant 0 : i32
        %dma_wait3A_66 = tpu.memref_slice %arg7[%mul3A_56, %dma_wait3A_65] : memref<8x128xi32, #tpu.memory_space<vmem>> -> memref<1x128xi32, #tpu.memory_space<vmem>>
        %dma_wait3A_67 = tpu.memref_squeeze %dma_wait3A_66 : memref<1x128xi32, #tpu.memory_space<vmem>> -> memref<128xi32, #tpu.memory_space<vmem>>
        %dma_wait3A_68 = arith.constant 0 : i32
        %dma_wait3A_69 = arith.constant 0 : i32
        %dma_wait3A_70 = tpu.memref_slice %arg2[%dma_wait3A_68, %dma_wait3A_69] : memref<10240x128xf32, #tpu.memory_space<hbm>> -> memref<10240x128xf32, #tpu.memory_space<hbm>>
        tpu.wait_indirect_dma semaphore(%arg12 : memref<!tpu.dma_semaphore, #tpu.memory_space<semaphore_mem>>) src(%dma_wait3A_70 : memref<10240x128xf32, #tpu.memory_space<hbm>>) dst(%arg9 : memref<128x128xf32, #tpu.memory_space<vmem>>)
        "tpu.region"() ({
          %run_scoped3A_89 = tpu.sem_alloc : memref<!tpu.dma_semaphore, #tpu.memory_space<semaphore_mem>>
          %dma_start3A_90 = arith.constant 0 : i32
          %dma_start3A_91 = tpu.memref_slice %arg8[%mul3A_56, %dma_start3A_90] : memref<8x128xi32, #tpu.memory_space<vmem>> -> memref<1x128xi32, #tpu.memory_space<vmem>>
          %dma_start3A_92 = tpu.memref_squeeze %dma_start3A_91 : memref<1x128xi32, #tpu.memory_space<vmem>> -> memref<128xi32, #tpu.memory_space<vmem>>
          %dma_start3A_93 = arith.constant 0 : i32
          %dma_start3A_94 = arith.constant 0 : i32
          %dma_start3A_95 = tpu.memref_slice %arg11[%dma_start3A_93, %dma_start3A_94] : memref<10240x128xf32, #tpu.memory_space<vmem_shared>> -> memref<10240x128xf32, #tpu.memory_space<vmem_shared>>
          tpu.enqueue_indirect_dma source(%arg9 : memref<128x128xf32, #tpu.memory_space<vmem>>) target(%dma_start3A_95 : memref<10240x128xf32, #tpu.memory_space<vmem_shared>>) offsets(%dma_start3A_92 : memref<128xi32, #tpu.memory_space<vmem>>) semaphore(%run_scoped3A_89 : memref<!tpu.dma_semaphore, #tpu.memory_space<semaphore_mem>>) {add = true}
          %dma_wait3A_96 = arith.constant 0 : i32
          %dma_wait3A_97 = tpu.memref_slice %arg8[%mul3A_56, %dma_wait3A_96] : memref<8x128xi32, #tpu.memory_space<vmem>> -> memref<1x128xi32, #tpu.memory_space<vmem>>
          %dma_wait3A_98 = tpu.memref_squeeze %dma_wait3A_97 : memref<1x128xi32, #tpu.memory_space<vmem>> -> memref<128xi32, #tpu.memory_space<vmem>>
          %dma_wait3A_99 = arith.constant 0 : i32
          %dma_wait3A_100 = arith.constant 0 : i32
          %dma_wait3A_101 = tpu.memref_slice %arg11[%dma_wait3A_99, %dma_wait3A_100] : memref<10240x128xf32, #tpu.memory_space<vmem_shared>> -> memref<10240x128xf32, #tpu.memory_space<vmem_shared>>
          tpu.wait_indirect_dma semaphore(%run_scoped3A_89 : memref<!tpu.dma_semaphore, #tpu.memory_space<semaphore_mem>>) src(%arg9 : memref<128x128xf32, #tpu.memory_space<vmem>>) dst(%dma_wait3A_101 : memref<10240x128xf32, #tpu.memory_space<vmem_shared>>)
          tpu.yield
        }) : () -> ()
        %add3A_71 = arith.constant 2 : i32
        %add3A_72 = arith.addi %mul3A_56, %add3A_71 : i32
        %dma_start3A_73 = arith.constant 0 : i32
        %dma_start3A_74 = tpu.memref_slice %arg7[%add3A_72, %dma_start3A_73] : memref<8x128xi32, #tpu.memory_space<vmem>> -> memref<1x128xi32, #tpu.memory_space<vmem>>
        %dma_start3A_75 = tpu.memref_squeeze %dma_start3A_74 : memref<1x128xi32, #tpu.memory_space<vmem>> -> memref<128xi32, #tpu.memory_space<vmem>>
        %dma_start3A_76 = arith.constant 0 : i32
        %dma_start3A_77 = arith.constant 0 : i32
        %dma_start3A_78 = tpu.memref_slice %arg2[%dma_start3A_76, %dma_start3A_77] : memref<10240x128xf32, #tpu.memory_space<hbm>> -> memref<10240x128xf32, #tpu.memory_space<hbm>>
        tpu.enqueue_indirect_dma source(%dma_start3A_78 : memref<10240x128xf32, #tpu.memory_space<hbm>>) target(%arg9 : memref<128x128xf32, #tpu.memory_space<vmem>>) offsets(%dma_start3A_75 : memref<128xi32, #tpu.memory_space<vmem>>) semaphore(%arg12 : memref<!tpu.dma_semaphore, #tpu.memory_space<semaphore_mem>>)
        %add3A_79 = arith.constant 1 : i32
        %add3A_80 = arith.addi %mul3A_56, %add3A_79 : i32
        %dma_wait3A_81 = arith.constant 0 : i32
        %dma_wait3A_82 = tpu.memref_slice %arg7[%add3A_80, %dma_wait3A_81] : memref<8x128xi32, #tpu.memory_space<vmem>> -> memref<1x128xi32, #tpu.memory_space<vmem>>
        %dma_wait3A_83 = tpu.memref_squeeze %dma_wait3A_82 : memref<1x128xi32, #tpu.memory_space<vmem>> -> memref<128xi32, #tpu.memory_space<vmem>>
        %dma_wait3A_84 = arith.constant 0 : i32
        %dma_wait3A_85 = arith.constant 0 : i32
        %dma_wait3A_86 = tpu.memref_slice %arg2[%dma_wait3A_84, %dma_wait3A_85] : memref<10240x128xf32, #tpu.memory_space<hbm>> -> memref<10240x128xf32, #tpu.memory_space<hbm>>
        tpu.wait_indirect_dma semaphore(%arg13 : memref<!tpu.dma_semaphore, #tpu.memory_space<semaphore_mem>>) src(%dma_wait3A_86 : memref<10240x128xf32, #tpu.memory_space<hbm>>) dst(%arg10 : memref<128x128xf32, #tpu.memory_space<vmem>>)
        %add3A_87 = arith.constant 1 : i32
        %add3A_88 = arith.addi %mul3A_56, %add3A_87 : i32
        "tpu.region"() ({
          %run_scoped3A_89 = tpu.sem_alloc : memref<!tpu.dma_semaphore, #tpu.memory_space<semaphore_mem>>
          %dma_start3A_90 = arith.constant 0 : i32
          %dma_start3A_91 = tpu.memref_slice %arg8[%add3A_88, %dma_start3A_90] : memref<8x128xi32, #tpu.memory_space<vmem>> -> memref<1x128xi32, #tpu.memory_space<vmem>>
          %dma_start3A_92 = tpu.memref_squeeze %dma_start3A_91 : memref<1x128xi32, #tpu.memory_space<vmem>> -> memref<128xi32, #tpu.memory_space<vmem>>
          %dma_start3A_93 = arith.constant 0 : i32
          %dma_start3A_94 = arith.constant 0 : i32
          %dma_start3A_95 = tpu.memref_slice %arg11[%dma_start3A_93, %dma_start3A_94] : memref<10240x128xf32, #tpu.memory_space<vmem_shared>> -> memref<10240x128xf32, #tpu.memory_space<vmem_shared>>
          tpu.enqueue_indirect_dma source(%arg10 : memref<128x128xf32, #tpu.memory_space<vmem>>) target(%dma_start3A_95 : memref<10240x128xf32, #tpu.memory_space<vmem_shared>>) offsets(%dma_start3A_92 : memref<128xi32, #tpu.memory_space<vmem>>) semaphore(%run_scoped3A_89 : memref<!tpu.dma_semaphore, #tpu.memory_space<semaphore_mem>>) {add = true}
          %dma_wait3A_96 = arith.constant 0 : i32
          %dma_wait3A_97 = tpu.memref_slice %arg8[%add3A_88, %dma_wait3A_96] : memref<8x128xi32, #tpu.memory_space<vmem>> -> memref<1x128xi32, #tpu.memory_space<vmem>>
          %dma_wait3A_98 = tpu.memref_squeeze %dma_wait3A_97 : memref<1x128xi32, #tpu.memory_space<vmem>> -> memref<128xi32, #tpu.memory_space<vmem>>
          %dma_wait3A_99 = arith.constant 0 : i32
          %dma_wait3A_100 = arith.constant 0 : i32
          %dma_wait3A_101 = tpu.memref_slice %arg11[%dma_wait3A_99, %dma_wait3A_100] : memref<10240x128xf32, #tpu.memory_space<vmem_shared>> -> memref<10240x128xf32, #tpu.memory_space<vmem_shared>>
          tpu.wait_indirect_dma semaphore(%run_scoped3A_89 : memref<!tpu.dma_semaphore, #tpu.memory_space<semaphore_mem>>) src(%arg10 : memref<128x128xf32, #tpu.memory_space<vmem>>) dst(%dma_wait3A_101 : memref<10240x128xf32, #tpu.memory_space<vmem_shared>>)
          tpu.yield
        }) : () -> ()
      }
      %scan3A_28 = arith.constant 3 : i32
      %dma_start3A_29 = arith.constant 7 : i32
      %dma_start3A_30 = arith.constant 0 : i32
      %dma_start3A_31 = tpu.memref_slice %arg7[%dma_start3A_29, %dma_start3A_30] : memref<8x128xi32, #tpu.memory_space<vmem>> -> memref<1x128xi32, #tpu.memory_space<vmem>>
      %dma_start3A_32 = tpu.memref_squeeze %dma_start3A_31 : memref<1x128xi32, #tpu.memory_space<vmem>> -> memref<128xi32, #tpu.memory_space<vmem>>
      %dma_start3A_33 = arith.constant 0 : i32
      %dma_start3A_34 = arith.constant 0 : i32
      %dma_start3A_35 = tpu.memref_slice %arg2[%dma_start3A_33, %dma_start3A_34] : memref<10240x128xf32, #tpu.memory_space<hbm>> -> memref<10240x128xf32, #tpu.memory_space<hbm>>
      tpu.enqueue_indirect_dma source(%dma_start3A_35 : memref<10240x128xf32, #tpu.memory_space<hbm>>) target(%arg10 : memref<128x128xf32, #tpu.memory_space<vmem>>) offsets(%dma_start3A_32 : memref<128xi32, #tpu.memory_space<vmem>>) semaphore(%arg13 : memref<!tpu.dma_semaphore, #tpu.memory_space<semaphore_mem>>)
      %dma_wait3A = arith.constant 6 : i32
      %dma_wait3A_36 = arith.constant 0 : i32
      %dma_wait3A_37 = tpu.memref_slice %arg7[%dma_wait3A, %dma_wait3A_36] : memref<8x128xi32, #tpu.memory_space<vmem>> -> memref<1x128xi32, #tpu.memory_space<vmem>>
      %dma_wait3A_38 = tpu.memref_squeeze %dma_wait3A_37 : memref<1x128xi32, #tpu.memory_space<vmem>> -> memref<128xi32, #tpu.memory_space<vmem>>
      %dma_wait3A_39 = arith.constant 0 : i32
      %dma_wait3A_40 = arith.constant 0 : i32
      %dma_wait3A_41 = tpu.memref_slice %arg2[%dma_wait3A_39, %dma_wait3A_40] : memref<10240x128xf32, #tpu.memory_space<hbm>> -> memref<10240x128xf32, #tpu.memory_space<hbm>>
      tpu.wait_indirect_dma semaphore(%arg12 : memref<!tpu.dma_semaphore, #tpu.memory_space<semaphore_mem>>) src(%dma_wait3A_41 : memref<10240x128xf32, #tpu.memory_space<hbm>>) dst(%arg9 : memref<128x128xf32, #tpu.memory_space<vmem>>)
      %run_scoped3A = arith.constant 6 : i32
      "tpu.region"() ({
        %run_scoped3A_50 = tpu.sem_alloc : memref<!tpu.dma_semaphore, #tpu.memory_space<semaphore_mem>>
        %dma_start3A_51 = arith.constant 0 : i32
        %dma_start3A_52 = tpu.memref_slice %arg8[%run_scoped3A, %dma_start3A_51] : memref<8x128xi32, #tpu.memory_space<vmem>> -> memref<1x128xi32, #tpu.memory_space<vmem>>
        %dma_start3A_53 = tpu.memref_squeeze %dma_start3A_52 : memref<1x128xi32, #tpu.memory_space<vmem>> -> memref<128xi32, #tpu.memory_space<vmem>>
        %dma_start3A_54 = arith.constant 0 : i32
        %dma_start3A_55 = arith.constant 0 : i32
        %dma_start3A_56 = tpu.memref_slice %arg11[%dma_start3A_54, %dma_start3A_55] : memref<10240x128xf32, #tpu.memory_space<vmem_shared>> -> memref<10240x128xf32, #tpu.memory_space<vmem_shared>>
        tpu.enqueue_indirect_dma source(%arg9 : memref<128x128xf32, #tpu.memory_space<vmem>>) target(%dma_start3A_56 : memref<10240x128xf32, #tpu.memory_space<vmem_shared>>) offsets(%dma_start3A_53 : memref<128xi32, #tpu.memory_space<vmem>>) semaphore(%run_scoped3A_50 : memref<!tpu.dma_semaphore, #tpu.memory_space<semaphore_mem>>) {add = true}
        %dma_wait3A_57 = arith.constant 0 : i32
        %dma_wait3A_58 = tpu.memref_slice %arg8[%run_scoped3A, %dma_wait3A_57] : memref<8x128xi32, #tpu.memory_space<vmem>> -> memref<1x128xi32, #tpu.memory_space<vmem>>
        %dma_wait3A_59 = tpu.memref_squeeze %dma_wait3A_58 : memref<1x128xi32, #tpu.memory_space<vmem>> -> memref<128xi32, #tpu.memory_space<vmem>>
        %dma_wait3A_60 = arith.constant 0 : i32
        %dma_wait3A_61 = arith.constant 0 : i32
        %dma_wait3A_62 = tpu.memref_slice %arg11[%dma_wait3A_60, %dma_wait3A_61] : memref<10240x128xf32, #tpu.memory_space<vmem_shared>> -> memref<10240x128xf32, #tpu.memory_space<vmem_shared>>
        tpu.wait_indirect_dma semaphore(%run_scoped3A_50 : memref<!tpu.dma_semaphore, #tpu.memory_space<semaphore_mem>>) src(%arg9 : memref<128x128xf32, #tpu.memory_space<vmem>>) dst(%dma_wait3A_62 : memref<10240x128xf32, #tpu.memory_space<vmem_shared>>)
        tpu.yield
      }) : () -> ()
      %dma_wait3A_42 = arith.constant 7 : i32
      %dma_wait3A_43 = arith.constant 0 : i32
      %dma_wait3A_44 = tpu.memref_slice %arg7[%dma_wait3A_42, %dma_wait3A_43] : memref<8x128xi32, #tpu.memory_space<vmem>> -> memref<1x128xi32, #tpu.memory_space<vmem>>
      %dma_wait3A_45 = tpu.memref_squeeze %dma_wait3A_44 : memref<1x128xi32, #tpu.memory_space<vmem>> -> memref<128xi32, #tpu.memory_space<vmem>>
      %dma_wait3A_46 = arith.constant 0 : i32
      %dma_wait3A_47 = arith.constant 0 : i32
      %dma_wait3A_48 = tpu.memref_slice %arg2[%dma_wait3A_46, %dma_wait3A_47] : memref<10240x128xf32, #tpu.memory_space<hbm>> -> memref<10240x128xf32, #tpu.memory_space<hbm>>
      tpu.wait_indirect_dma semaphore(%arg13 : memref<!tpu.dma_semaphore, #tpu.memory_space<semaphore_mem>>) src(%dma_wait3A_48 : memref<10240x128xf32, #tpu.memory_space<hbm>>) dst(%arg10 : memref<128x128xf32, #tpu.memory_space<vmem>>)
      %run_scoped3A_49 = arith.constant 7 : i32
      "tpu.region"() ({
        %run_scoped3A_50 = tpu.sem_alloc : memref<!tpu.dma_semaphore, #tpu.memory_space<semaphore_mem>>
        %dma_start3A_51 = arith.constant 0 : i32
        %dma_start3A_52 = tpu.memref_slice %arg8[%run_scoped3A_49, %dma_start3A_51] : memref<8x128xi32, #tpu.memory_space<vmem>> -> memref<1x128xi32, #tpu.memory_space<vmem>>
        %dma_start3A_53 = tpu.memref_squeeze %dma_start3A_52 : memref<1x128xi32, #tpu.memory_space<vmem>> -> memref<128xi32, #tpu.memory_space<vmem>>
        %dma_start3A_54 = arith.constant 0 : i32
        %dma_start3A_55 = arith.constant 0 : i32
        %dma_start3A_56 = tpu.memref_slice %arg11[%dma_start3A_54, %dma_start3A_55] : memref<10240x128xf32, #tpu.memory_space<vmem_shared>> -> memref<10240x128xf32, #tpu.memory_space<vmem_shared>>
        tpu.enqueue_indirect_dma source(%arg10 : memref<128x128xf32, #tpu.memory_space<vmem>>) target(%dma_start3A_56 : memref<10240x128xf32, #tpu.memory_space<vmem_shared>>) offsets(%dma_start3A_53 : memref<128xi32, #tpu.memory_space<vmem>>) semaphore(%run_scoped3A_50 : memref<!tpu.dma_semaphore, #tpu.memory_space<semaphore_mem>>) {add = true}
        %dma_wait3A_57 = arith.constant 0 : i32
        %dma_wait3A_58 = tpu.memref_slice %arg8[%run_scoped3A_49, %dma_wait3A_57] : memref<8x128xi32, #tpu.memory_space<vmem>> -> memref<1x128xi32, #tpu.memory_space<vmem>>
        %dma_wait3A_59 = tpu.memref_squeeze %dma_wait3A_58 : memref<1x128xi32, #tpu.memory_space<vmem>> -> memref<128xi32, #tpu.memory_space<vmem>>
        %dma_wait3A_60 = arith.constant 0 : i32
        %dma_wait3A_61 = arith.constant 0 : i32
        %dma_wait3A_62 = tpu.memref_slice %arg11[%dma_wait3A_60, %dma_wait3A_61] : memref<10240x128xf32, #tpu.memory_space<vmem_shared>> -> memref<10240x128xf32, #tpu.memory_space<vmem_shared>>
        tpu.wait_indirect_dma semaphore(%run_scoped3A_50 : memref<!tpu.dma_semaphore, #tpu.memory_space<semaphore_mem>>) src(%arg10 : memref<128x128xf32, #tpu.memory_space<vmem>>) dst(%dma_wait3A_62 : memref<10240x128xf32, #tpu.memory_space<vmem_shared>>)
        tpu.yield
      }) : () -> ()
    }
    %scan3A_6 = arith.constant 10 : i32
    %barrier3A_7 = arith.constant 0 : index
    tpu.barrier barrier_id(%barrier3A_7)
    "tpu.region"() ({
      %run_scoped3A = tpu.sem_alloc : memref<!tpu.dma_semaphore, #tpu.memory_space<semaphore_mem>>
      %dma_start3A = arith.constant 0 : i32
      %dma_start3A_8 = tpu.memref_slice %arg6[%arg0, %mul3A_2, %dma_start3A] : memref<2x10240x128xf32, #tpu.memory_space<hbm>> -> memref<1x640x128xf32, #tpu.memory_space<hbm>>
      %dma_start3A_9 = tpu.memref_squeeze %dma_start3A_8 : memref<1x640x128xf32, #tpu.memory_space<hbm>> -> memref<640x128xf32, #tpu.memory_space<hbm>>
      %dma_start3A_10 = arith.constant 0 : i32
      %dma_start3A_11 = tpu.memref_slice %arg11[%mul3A_2, %dma_start3A_10] : memref<10240x128xf32, #tpu.memory_space<vmem_shared>> -> memref<640x128xf32, #tpu.memory_space<vmem_shared>>
      tpu.enqueue_dma source(%dma_start3A_11 : memref<640x128xf32, #tpu.memory_space<vmem_shared>>) target(%dma_start3A_9 : memref<640x128xf32, #tpu.memory_space<hbm>>) target_semaphore(%run_scoped3A : memref<!tpu.dma_semaphore, #tpu.memory_space<semaphore_mem>>)
      %dma_wait3A = arith.constant 0 : i32
      %dma_wait3A_12 = tpu.memref_slice %arg6[%arg0, %mul3A_2, %dma_wait3A] : memref<2x10240x128xf32, #tpu.memory_space<hbm>> -> memref<1x640x128xf32, #tpu.memory_space<hbm>>
      %dma_wait3A_13 = tpu.memref_squeeze %dma_wait3A_12 : memref<1x640x128xf32, #tpu.memory_space<hbm>> -> memref<640x128xf32, #tpu.memory_space<hbm>>
      %dma_wait3A_14 = arith.constant 0 : i32
      %dma_wait3A_15 = tpu.memref_slice %arg11[%mul3A_2, %dma_wait3A_14] : memref<10240x128xf32, #tpu.memory_space<vmem_shared>> -> memref<640x128xf32, #tpu.memory_space<vmem_shared>>
      tpu.wait_dma2 semaphore(%run_scoped3A : memref<!tpu.dma_semaphore, #tpu.memory_space<semaphore_mem>>) src(%dma_wait3A_15 : memref<640x128xf32, #tpu.memory_space<vmem_shared>>) dst(%dma_wait3A_13 : memref<640x128xf32, #tpu.memory_space<hbm>>)
      tpu.yield
    }) : () -> ()
    return
  }
}

module attributes {stable_mosaic.version = 14 : i64} {
  func.func @_mm_body(%arg0: i32, %arg1: memref<2560x128xf32, #tpu.memory_space<vmem>>, %arg2: memref<128x128xf32, #tpu.memory_space<vmem>>, %arg3: memref<2560x128xf32, #tpu.memory_space<vmem>>) attributes {dimension_semantics = [#tpu.dimension_semantics<arbitrary>], iteration_bounds = array<i64: 4>, scalar_prefetch = 0 : i64, scratch_operands = 0 : i64, tpu.core_type = #tpu.core_type<tc>, window_params = [{transform_indices = @transform_0, window_bounds = array<i64: 2560, 128>}, {pipeline_mode = #tpu.pipeline_mode<synchronous>, transform_indices = @transform_1, window_bounds = array<i64: 128, 128>}, {transform_indices = @transform_2, window_bounds = array<i64: 2560, 128>}]} {
    %get3A = arith.constant 0 : index
    %get3A_0 = arith.constant 0 : index
    %get3A_1 = vector.load %arg1[%get3A, %get3A_0] : memref<2560x128xf32, #tpu.memory_space<vmem>>, vector<2560x128xf32>
    %get3A_2 = arith.constant 0 : index
    %get3A_3 = arith.constant 0 : index
    %get3A_4 = vector.load %arg2[%get3A_2, %get3A_3] : memref<128x128xf32, #tpu.memory_space<vmem>>, vector<128x128xf32>
    %dot_general3A = arith.constant dense<0.000000e+00> : vector<2560x128xf32>
    %dot_general3A_5 = tpu.matmul %get3A_1, %get3A_4, %dot_general3A {dimension_numbers = #tpu.dot_dimension_numbers<[1], [0], [0], [1], [0, 0, 1, 1], [], []>, transpose_lhs_hint = false} : vector<2560x128xf32>, vector<128x128xf32>, vector<2560x128xf32> -> vector<2560x128xf32>
    %swap3A = arith.constant 0 : index
    %swap3A_6 = arith.constant 0 : index
    %swap3A_7 = vector.load %arg3[%swap3A, %swap3A_6] : memref<2560x128xf32, #tpu.memory_space<vmem>>, vector<2560x128xf32>
    tpu.vector_store %arg3[%swap3A, %swap3A_6], %dot_general3A_5 {strides = array<i32>} : memref<2560x128xf32, #tpu.memory_space<vmem>>, vector<2560x128xf32>,
    return
  }
  func.func @transform_0(%arg0: i32) -> (i32, i32) {
    %c0_i32 = arith.constant 0 : i32
    %c0_i32_0 = arith.constant 0 : i32
    return %arg0, %c0_i32 : i32, i32
  }
  func.func @transform_1(%arg0: i32) -> (i32, i32) {
    %c0_i32 = arith.constant 0 : i32
    %c0_i32_0 = arith.constant 0 : i32
    %c0_i32_1 = arith.constant 0 : i32
    return %c0_i32, %c0_i32_0 : i32, i32
  }
  func.func @transform_2(%arg0: i32) -> (i32, i32) {
    %c0_i32 = arith.constant 0 : i32
    %c0_i32_0 = arith.constant 0 : i32
    return %arg0, %c0_i32 : i32, i32
  }
}

module attributes {stable_mosaic.version = 14 : i64} {
  func.func @_scale_body(%arg0: i32, %arg1: memref<2560x128xf32, #tpu.memory_space<vmem>>, %arg2: memref<2x2560x16xf32, #tpu.memory_space<vmem>>, %arg3: memref<2560x128xf32, #tpu.memory_space<vmem>>) attributes {dimension_semantics = [#tpu.dimension_semantics<arbitrary>], iteration_bounds = array<i64: 4>, scalar_prefetch = 0 : i64, scratch_operands = 0 : i64, tpu.core_type = #tpu.core_type<tc>, window_params = [{transform_indices = @transform_0, window_bounds = array<i64: 2560, 128>}, {transform_indices = @transform_1, window_bounds = array<i64: 2, 2560, 16>}, {transform_indices = @transform_2, window_bounds = array<i64: 2560, 128>}]} {
    %get3A = arith.constant 0 : index
    %get3A_0 = arith.constant 0 : index
    %get3A_1 = arith.constant 0 : index
    %get3A_2 = vector.load %arg2[%get3A, %get3A_0, %get3A_1] : memref<2x2560x16xf32, #tpu.memory_space<vmem>>, vector<2x2560x16xf32>
    %get3A_3 = arith.constant 0 : index
    %get3A_4 = arith.constant 0 : index
    %get3A_5 = vector.load %arg1[%get3A_3, %get3A_4] : memref<2560x128xf32, #tpu.memory_space<vmem>>, vector<2560x128xf32>
    %slice3A = vector.extract_strided_slice %get3A_2 {offsets = [0, 0, 0], sizes = [1, 2560, 1], strides = [1, 1, 1]} : vector<2x2560x16xf32> to vector<1x2560x1xf32>
    %squeeze3A = vector.shape_cast %slice3A : vector<1x2560x1xf32> to vector<2560x1xf32>
    %slice3A_6 = vector.extract_strided_slice %get3A_2 {offsets = [1, 0, 0], sizes = [1, 2560, 1], strides = [1, 1, 1]} : vector<2x2560x16xf32> to vector<1x2560x1xf32>
    %squeeze3A_7 = vector.shape_cast %slice3A_6 : vector<1x2560x1xf32> to vector<2560x1xf32>
    %add3A = arith.addf %squeeze3A, %squeeze3A_7 : vector<2560x1xf32>
    %add3A_8 = arith.constant 1.000000e+00 : f32
    %add3A_9 = vector.broadcast %add3A_8 : f32 to vector<2560x1xf32>
    %add3A_10 = arith.addf %add3A, %add3A_9 : vector<2560x1xf32>
    %rsqrt3A = math.rsqrt %add3A_10 : vector<2560x1xf32>
    %mul3A = vector.broadcast %rsqrt3A : vector<2560x1xf32> to vector<2560x128xf32>
    %mul3A_11 = arith.mulf %get3A_5, %mul3A : vector<2560x128xf32>
    %swap3A = arith.constant 0 : index
    %swap3A_12 = arith.constant 0 : index
    %swap3A_13 = vector.load %arg3[%swap3A, %swap3A_12] : memref<2560x128xf32, #tpu.memory_space<vmem>>, vector<2560x128xf32>
    tpu.vector_store %arg3[%swap3A, %swap3A_12], %mul3A_11 {strides = array<i32>} : memref<2560x128xf32, #tpu.memory_space<vmem>>, vector<2560x128xf32>,
    return
  }
  func.func @transform_0(%arg0: i32) -> (i32, i32) {
    %c0_i32 = arith.constant 0 : i32
    %c0_i32_0 = arith.constant 0 : i32
    return %arg0, %c0_i32 : i32, i32
  }
  func.func @transform_1(%arg0: i32) -> (i32, i32, i32) {
    %c0_i32 = arith.constant 0 : i32
    %c0_i32_0 = arith.constant 0 : i32
    %c0_i32_1 = arith.constant 0 : i32
    return %c0_i32, %arg0, %c0_i32_0 : i32, i32, i32
  }
  func.func @transform_2(%arg0: i32) -> (i32, i32) {
    %c0_i32 = arith.constant 0 : i32
    %c0_i32_0 = arith.constant 0 : i32
    return %arg0, %c0_i32 : i32, i32
  }
}

module attributes {stable_mosaic.version = 14 : i64} {
  func.func @_mid_body(%arg0: i32, %arg1: memref<2x2560x128xf32, #tpu.memory_space<vmem>>, %arg2: memref<2560x128xf32, #tpu.memory_space<vmem>>, %arg3: memref<2x2560x16xf32, #tpu.memory_space<vmem>>, %arg4: memref<2x2560x16xf32, #tpu.memory_space<vmem>>, %arg5: memref<1x128xf32, #tpu.memory_space<vmem>>, %arg6: memref<128x128xf32, #tpu.memory_space<vmem>>, %arg7: memref<2560x128xf32, #tpu.memory_space<vmem>>) attributes {dimension_semantics = [#tpu.dimension_semantics<arbitrary>], iteration_bounds = array<i64: 4>, scalar_prefetch = 0 : i64, scratch_operands = 0 : i64, tpu.core_type = #tpu.core_type<tc>, window_params = [{transform_indices = @transform_0, window_bounds = array<i64: 2, 2560, 128>}, {transform_indices = @transform_1, window_bounds = array<i64: 2560, 128>}, {transform_indices = @transform_2, window_bounds = array<i64: 2, 2560, 16>}, {transform_indices = @transform_3, window_bounds = array<i64: 2, 2560, 16>}, {pipeline_mode = #tpu.pipeline_mode<synchronous>, transform_indices = @transform_4, window_bounds = array<i64: 1, 128>}, {pipeline_mode = #tpu.pipeline_mode<synchronous>, transform_indices = @transform_5, window_bounds = array<i64: 128, 128>}, {transform_indices = @transform_6, window_bounds = array<i64: 2560, 128>}]} {
    %get3A = arith.constant 0 : index
    %get3A_0 = arith.constant 0 : index
    %get3A_1 = arith.constant 0 : index
    %get3A_2 = vector.load %arg1[%get3A, %get3A_0, %get3A_1] : memref<2x2560x128xf32, #tpu.memory_space<vmem>>, vector<2x2560x128xf32>
    %get3A_3 = arith.constant 0 : index
    %get3A_4 = arith.constant 0 : index
    %get3A_5 = arith.constant 0 : index
    %get3A_6 = vector.load %arg3[%get3A_3, %get3A_4, %get3A_5] : memref<2x2560x16xf32, #tpu.memory_space<vmem>>, vector<2x2560x16xf32>
    %get3A_7 = arith.constant 0 : index
    %get3A_8 = arith.constant 0 : index
    %get3A_9 = arith.constant 0 : index
    %get3A_10 = vector.load %arg4[%get3A_7, %get3A_8, %get3A_9] : memref<2x2560x16xf32, #tpu.memory_space<vmem>>, vector<2x2560x16xf32>
    %slice3A = vector.extract_strided_slice %get3A_6 {offsets = [0, 0, 0], sizes = [1, 2560, 1], strides = [1, 1, 1]} : vector<2x2560x16xf32> to vector<1x2560x1xf32>
    %squeeze3A = vector.shape_cast %slice3A : vector<1x2560x1xf32> to vector<2560x1xf32>
    %slice3A_11 = vector.extract_strided_slice %get3A_6 {offsets = [1, 0, 0], sizes = [1, 2560, 1], strides = [1, 1, 1]} : vector<2x2560x16xf32> to vector<1x2560x1xf32>
    %squeeze3A_12 = vector.shape_cast %slice3A_11 : vector<1x2560x1xf32> to vector<2560x1xf32>
    %add3A = arith.addf %squeeze3A, %squeeze3A_12 : vector<2560x1xf32>
    %add3A_13 = arith.constant 1.000000e+00 : f32
    %add3A_14 = vector.broadcast %add3A_13 : f32 to vector<2560x1xf32>
    %add3A_15 = arith.addf %add3A, %add3A_14 : vector<2560x1xf32>
    %rsqrt3A = math.rsqrt %add3A_15 : vector<2560x1xf32>
    %slice3A_16 = vector.extract_strided_slice %get3A_10 {offsets = [0, 0, 0], sizes = [1, 2560, 1], strides = [1, 1, 1]} : vector<2x2560x16xf32> to vector<1x2560x1xf32>
    %squeeze3A_17 = vector.shape_cast %slice3A_16 : vector<1x2560x1xf32> to vector<2560x1xf32>
    %slice3A_18 = vector.extract_strided_slice %get3A_10 {offsets = [1, 0, 0], sizes = [1, 2560, 1], strides = [1, 1, 1]} : vector<2x2560x16xf32> to vector<1x2560x1xf32>
    %squeeze3A_19 = vector.shape_cast %slice3A_18 : vector<1x2560x1xf32> to vector<2560x1xf32>
    %add3A_20 = arith.addf %squeeze3A_17, %squeeze3A_19 : vector<2560x1xf32>
    %add3A_21 = arith.constant 1.000000e+00 : f32
    %add3A_22 = vector.broadcast %add3A_21 : f32 to vector<2560x1xf32>
    %add3A_23 = arith.addf %add3A_20, %add3A_22 : vector<2560x1xf32>
    %rsqrt3A_24 = math.rsqrt %add3A_23 : vector<2560x1xf32>
    %slice3A_25 = vector.extract_strided_slice %get3A_2 {offsets = [0, 0, 0], sizes = [1, 2560, 128], strides = [1, 1, 1]} : vector<2x2560x128xf32> to vector<1x2560x128xf32>
    %squeeze3A_26 = vector.shape_cast %slice3A_25 : vector<1x2560x128xf32> to vector<2560x128xf32>
    %slice3A_27 = vector.extract_strided_slice %get3A_2 {offsets = [1, 0, 0], sizes = [1, 2560, 128], strides = [1, 1, 1]} : vector<2x2560x128xf32> to vector<1x2560x128xf32>
    %squeeze3A_28 = vector.shape_cast %slice3A_27 : vector<1x2560x128xf32> to vector<2560x128xf32>
    %add3A_29 = arith.addf %squeeze3A_26, %squeeze3A_28 : vector<2560x128xf32>
    %get3A_30 = arith.constant 0 : index
    %get3A_31 = arith.constant 0 : index
    %get3A_32 = vector.load %arg2[%get3A_30, %get3A_31] : memref<2560x128xf32, #tpu.memory_space<vmem>>, vector<2560x128xf32>
    %add3A_33 = arith.addf %add3A_29, %get3A_32 : vector<2560x128xf32>
    %mul3A = vector.broadcast %rsqrt3A : vector<2560x1xf32> to vector<2560x128xf32>
    %mul3A_34 = arith.mulf %add3A_33, %mul3A : vector<2560x128xf32>
    %get3A_35 = arith.constant 0 : index
    %get3A_36 = arith.constant 0 : index
    %get3A_37 = vector.load %arg5[%get3A_35, %get3A_36] : memref<1x128xf32, #tpu.memory_space<vmem>>, vector<1x128xf32>
    %add3A_38 = vector.broadcast %get3A_37 : vector<1x128xf32> to vector<2560x128xf32>
    %add3A_39 = arith.addf %mul3A_34, %add3A_38 : vector<2560x128xf32>
    %max3A = arith.constant 0.000000e+00 : f32
    %max3A_40 = vector.broadcast %max3A : f32 to vector<2560x128xf32>
    %max3A_41 = arith.maximumf %add3A_39, %max3A_40 : vector<2560x128xf32>
    %get3A_42 = arith.constant 0 : index
    %get3A_43 = arith.constant 0 : index
    %get3A_44 = vector.load %arg6[%get3A_42, %get3A_43] : memref<128x128xf32, #tpu.memory_space<vmem>>, vector<128x128xf32>
    %dot_general3A = arith.constant dense<0.000000e+00> : vector<2560x128xf32>
    %dot_general3A_45 = tpu.matmul %max3A_41, %get3A_44, %dot_general3A {dimension_numbers = #tpu.dot_dimension_numbers<[1], [0], [0], [1], [0, 0, 1, 1], [], []>, transpose_lhs_hint = false} : vector<2560x128xf32>, vector<128x128xf32>, vector<2560x128xf32> -> vector<2560x128xf32>
    %mul3A_46 = vector.broadcast %rsqrt3A_24 : vector<2560x1xf32> to vector<2560x128xf32>
    %mul3A_47 = arith.mulf %dot_general3A_45, %mul3A_46 : vector<2560x128xf32>
    %swap3A = arith.constant 0 : index
    %swap3A_48 = arith.constant 0 : index
    %swap3A_49 = vector.load %arg7[%swap3A, %swap3A_48] : memref<2560x128xf32, #tpu.memory_space<vmem>>, vector<2560x128xf32>
    tpu.vector_store %arg7[%swap3A, %swap3A_48], %mul3A_47 {strides = array<i32>} : memref<2560x128xf32, #tpu.memory_space<vmem>>, vector<2560x128xf32>,
    return
  }
  func.func @transform_0(%arg0: i32) -> (i32, i32, i32) {
    %c0_i32 = arith.constant 0 : i32
    %c0_i32_0 = arith.constant 0 : i32
    %c0_i32_1 = arith.constant 0 : i32
    return %c0_i32, %arg0, %c0_i32_0 : i32, i32, i32
  }
  func.func @transform_1(%arg0: i32) -> (i32, i32) {
    %c0_i32 = arith.constant 0 : i32
    %c0_i32_0 = arith.constant 0 : i32
    return %arg0, %c0_i32 : i32, i32
  }
  func.func @transform_2(%arg0: i32) -> (i32, i32, i32) {
    %c0_i32 = arith.constant 0 : i32
    %c0_i32_0 = arith.constant 0 : i32
    %c0_i32_1 = arith.constant 0 : i32
    return %c0_i32, %arg0, %c0_i32_0 : i32, i32, i32
  }
  func.func @transform_3(%arg0: i32) -> (i32, i32, i32) {
    %c0_i32 = arith.constant 0 : i32
    %c0_i32_0 = arith.constant 0 : i32
    %c0_i32_1 = arith.constant 0 : i32
    return %c0_i32, %arg0, %c0_i32_0 : i32, i32, i32
  }
  func.func @transform_4(%arg0: i32) -> (i32, i32) {
    %c0_i32 = arith.constant 0 : i32
    %c0_i32_0 = arith.constant 0 : i32
    %c0_i32_1 = arith.constant 0 : i32
    return %c0_i32, %c0_i32_0 : i32, i32
  }
  func.func @transform_5(%arg0: i32) -> (i32, i32) {
    %c0_i32 = arith.constant 0 : i32
    %c0_i32_0 = arith.constant 0 : i32
    %c0_i32_1 = arith.constant 0 : i32
    return %c0_i32, %c0_i32_0 : i32, i32
  }
  func.func @transform_6(%arg0: i32) -> (i32, i32) {
    %c0_i32 = arith.constant 0 : i32
    %c0_i32_0 = arith.constant 0 : i32
    return %arg0, %c0_i32 : i32, i32
  }
}

module attributes {stable_mosaic.version = 14 : i64} {
  func.func @_fin_body(%arg0: i32, %arg1: memref<2x2560x128xf32, #tpu.memory_space<vmem>>, %arg2: memref<2560x128xf32, #tpu.memory_space<vmem>>, %arg3: memref<2x2560x16xf32, #tpu.memory_space<vmem>>, %arg4: memref<1x128xf32, #tpu.memory_space<vmem>>, %arg5: memref<2560x128xf32, #tpu.memory_space<vmem>>) attributes {dimension_semantics = [#tpu.dimension_semantics<arbitrary>], iteration_bounds = array<i64: 4>, scalar_prefetch = 0 : i64, scratch_operands = 0 : i64, tpu.core_type = #tpu.core_type<tc>, window_params = [{transform_indices = @transform_0, window_bounds = array<i64: 2, 2560, 128>}, {transform_indices = @transform_1, window_bounds = array<i64: 2560, 128>}, {transform_indices = @transform_2, window_bounds = array<i64: 2, 2560, 16>}, {pipeline_mode = #tpu.pipeline_mode<synchronous>, transform_indices = @transform_3, window_bounds = array<i64: 1, 128>}, {transform_indices = @transform_4, window_bounds = array<i64: 2560, 128>}]} {
    %get3A = arith.constant 0 : index
    %get3A_0 = arith.constant 0 : index
    %get3A_1 = arith.constant 0 : index
    %get3A_2 = vector.load %arg1[%get3A, %get3A_0, %get3A_1] : memref<2x2560x128xf32, #tpu.memory_space<vmem>>, vector<2x2560x128xf32>
    %get3A_3 = arith.constant 0 : index
    %get3A_4 = arith.constant 0 : index
    %get3A_5 = arith.constant 0 : index
    %get3A_6 = vector.load %arg3[%get3A_3, %get3A_4, %get3A_5] : memref<2x2560x16xf32, #tpu.memory_space<vmem>>, vector<2x2560x16xf32>
    %slice3A = vector.extract_strided_slice %get3A_6 {offsets = [0, 0, 0], sizes = [1, 2560, 1], strides = [1, 1, 1]} : vector<2x2560x16xf32> to vector<1x2560x1xf32>
    %squeeze3A = vector.shape_cast %slice3A : vector<1x2560x1xf32> to vector<2560x1xf32>
    %slice3A_7 = vector.extract_strided_slice %get3A_6 {offsets = [1, 0, 0], sizes = [1, 2560, 1], strides = [1, 1, 1]} : vector<2x2560x16xf32> to vector<1x2560x1xf32>
    %squeeze3A_8 = vector.shape_cast %slice3A_7 : vector<1x2560x1xf32> to vector<2560x1xf32>
    %add3A = arith.addf %squeeze3A, %squeeze3A_8 : vector<2560x1xf32>
    %add3A_9 = arith.constant 1.000000e+00 : f32
    %add3A_10 = vector.broadcast %add3A_9 : f32 to vector<2560x1xf32>
    %add3A_11 = arith.addf %add3A, %add3A_10 : vector<2560x1xf32>
    %rsqrt3A = math.rsqrt %add3A_11 : vector<2560x1xf32>
    %slice3A_12 = vector.extract_strided_slice %get3A_2 {offsets = [0, 0, 0], sizes = [1, 2560, 128], strides = [1, 1, 1]} : vector<2x2560x128xf32> to vector<1x2560x128xf32>
    %squeeze3A_13 = vector.shape_cast %slice3A_12 : vector<1x2560x128xf32> to vector<2560x128xf32>
    %slice3A_14 = vector.extract_strided_slice %get3A_2 {offsets = [1, 0, 0], sizes = [1, 2560, 128], strides = [1, 1, 1]} : vector<2x2560x128xf32> to vector<1x2560x128xf32>
    %squeeze3A_15 = vector.shape_cast %slice3A_14 : vector<1x2560x128xf32> to vector<2560x128xf32>
    %add3A_16 = arith.addf %squeeze3A_13, %squeeze3A_15 : vector<2560x128xf32>
    %get3A_17 = arith.constant 0 : index
    %get3A_18 = arith.constant 0 : index
    %get3A_19 = vector.load %arg2[%get3A_17, %get3A_18] : memref<2560x128xf32, #tpu.memory_space<vmem>>, vector<2560x128xf32>
    %add3A_20 = arith.addf %add3A_16, %get3A_19 : vector<2560x128xf32>
    %mul3A = vector.broadcast %rsqrt3A : vector<2560x1xf32> to vector<2560x128xf32>
    %mul3A_21 = arith.mulf %add3A_20, %mul3A : vector<2560x128xf32>
    %get3A_22 = arith.constant 0 : index
    %get3A_23 = arith.constant 0 : index
    %get3A_24 = vector.load %arg4[%get3A_22, %get3A_23] : memref<1x128xf32, #tpu.memory_space<vmem>>, vector<1x128xf32>
    %add3A_25 = vector.broadcast %get3A_24 : vector<1x128xf32> to vector<2560x128xf32>
    %add3A_26 = arith.addf %mul3A_21, %add3A_25 : vector<2560x128xf32>
    %swap3A = arith.constant 0 : index
    %swap3A_27 = arith.constant 0 : index
    %swap3A_28 = vector.load %arg5[%swap3A, %swap3A_27] : memref<2560x128xf32, #tpu.memory_space<vmem>>, vector<2560x128xf32>
    tpu.vector_store %arg5[%swap3A, %swap3A_27], %add3A_26 {strides = array<i32>} : memref<2560x128xf32, #tpu.memory_space<vmem>>, vector<2560x128xf32>,
    return
  }
  func.func @transform_0(%arg0: i32) -> (i32, i32, i32) {
    %c0_i32 = arith.constant 0 : i32
    %c0_i32_0 = arith.constant 0 : i32
    %c0_i32_1 = arith.constant 0 : i32
    return %c0_i32, %arg0, %c0_i32_0 : i32, i32, i32
  }
  func.func @transform_1(%arg0: i32) -> (i32, i32) {
    %c0_i32 = arith.constant 0 : i32
    %c0_i32_0 = arith.constant 0 : i32
    return %arg0, %c0_i32 : i32, i32
  }
  func.func @transform_2(%arg0: i32) -> (i32, i32, i32) {
    %c0_i32 = arith.constant 0 : i32
    %c0_i32_0 = arith.constant 0 : i32
    %c0_i32_1 = arith.constant 0 : i32
    return %c0_i32, %arg0, %c0_i32_0 : i32, i32, i32
  }
  func.func @transform_3(%arg0: i32) -> (i32, i32) {
    %c0_i32 = arith.constant 0 : i32
    %c0_i32_0 = arith.constant 0 : i32
    %c0_i32_1 = arith.constant 0 : i32
    return %c0_i32, %c0_i32_0 : i32, i32
  }
  func.func @transform_4(%arg0: i32) -> (i32, i32) {
    %c0_i32 = arith.constant 0 : i32
    %c0_i32_0 = arith.constant 0 : i32
    return %arg0, %c0_i32 : i32, i32
  }
}

</mosaic_0001>

<sc_bundles>
// kernel: kernel.10.cloned.1.call-start
scs
__scs_entry_jumppad:
0x0: {  	(pc) =	sbr.rel $0x88, $3  }
0x1: {  	(tag) =	ssettag $0x0;
	lr =	simm.s32 $0x1  }
0x2: {  	[smem:$0x3F9B] =	sst lr;
	_ =	strace $0xD0000000  }
0x3: {  	_ = 	snop  }
0x4: {  	_ = 	snop  }
0x5: {  	_ = 	snop  }
0x6: {  	_ = 	snop  }
0x7: {  	_ = 	snop  }
__scs_overlays_trampoline_lowered:
0x8: {  	[smem:$0x3FAA] =	sst s0  }
0x9: {  	[smem:$0x3FAB] =	sst s1  }
0xa: {  	[smem:$0x3FAC] =	sst s2  }
0xb: {  	[smem:$0x3FAD] =	sst s3  }
0xc: {  	[smem:$0x3FAE] =	sst s4  }
0xd: {  	[smem:$0x3FAF] =	sst s5  }
0xe: {  	[smem:$0x3FB0] =	sst s6  }
0xf: {  	[smem:$0x3FB1] =	sst s7  }
0x10: {  	[smem:$0x3FB2] =	sst s8  }
0x11: {  	[smem:$0x3FB3] =	sst s9;
	s0 =	simm.s32 @!p0 $0x0  }
0x12: {  	s1 =	sld [smem:$0x3F99];
	s0 =	simm.s32 @p0 $0x1  }
0x13: {  	[smem:$0x3FB4] =	sst s0;
	s0 =	simm.s32 @!p1 $0x0  }
0x14: {  	s2 =	sld [smem:$0x3F98];
	s0 =	simm.s32 @p1 $0x1  }
0x15: {  	[smem:$0x3FB5] =	sst s0;
	s0 =	simm.s32 @!p2 $0x0  }
0x16: {  	s3 =	sld [smem:$0x3FDB];
	s0 =	simm.s32 @p2 $0x1  }
0x17: {  	s4 =	simm.s32 $0x1BF5;
	[smem:$0x3FB7] =	sst s0  }
0x18: {  	s0 =	sld [smem:$0x3F9A];
	_ =	swait.ge [sflag:s4], $0x0  }
0x19: {  	s7 =	sld [smem:$0x3F9B]  }
0x1a: {  	s8 =	sadd.s32 $0xFFFFE003, lr  }
0x1b: {  	s9 =	sadd.s32 $0xFFFFFEF7, lr;
	s5 =	simm.s32 $0xFFFFFFFF;
	p2 =	slt.u32 s8, $0xFFFFF086  }
0x1c: {  	p1 =	slt.u32 s9, $0xF7A;
	s5 =	simm.s32 @!p2 $0x0  }
0x1d: {  	s5 =	simm.s32 @p1 $0x1;
	p0 =	seq.s32 s7, s2  }
0x1e: {  	s7 =	smul.u32 @!p0 $0xF7A, s2;
	p2 =	seq.s32 @!p0 s5, $0x0  }
0x1f: {  	s9 =	smul.u32 $0xF7A, s1;
	s8 =	simm.s32 @!p0 $0x1BF5;
	p2 =	por !p2, p0  }
0x20: {  	[sflag:s8] =	ssyncset.s32 @!p0 $0xFFFFF086;
	s6 =	sadd.s32 @!p0 s3, s7;
	s7 =	simm.s32 @!p0 $0x108  }
0x21: {  	s3 =	sadd.s32 s3, s9;
	s6 =	sadd.s32 @!p0 $0x88, s6;
	s7 =	simm.s32 @p2 $0x1082  }
0x22: {  	[simem:s7], [sflag:s8] =	dma.local @!p0 [hbm:s6], $0xF7A  }
0x23: {  	s9 =	sor.u32 $0xD0000000, s2;
	s6 =	simm.s32 $0x108;
	_ =	swait.ge @!p0 [sflag:s8], $0x0  }
0x24: {  	s3 =	sadd.s32 $0x88, s3;
	s6 =	simm.s32 @!p1 $0x1082;
	[sflag:s4] =	ssyncset.s32 $0xFFFFF086  }
0x25: {  	[simem:s6], [sflag:s4] =	dma.local [hbm:s3], $0xF7A  }
0x26: {  	[smem:$0x3F9B] =	sst s1;
	(tag) =	ssettag s2;
	_ =	strace s9  }
0x27: {  	s1 =	sld [smem:$0x3FAB]  }
0x28: {  	s2 =	sld [smem:$0x3FAC]  }
0x29: {  	s4 =	sld [smem:$0x3FAE]  }
0x2a: {  	p0 =	seq.s32 s5, $0x0;
	s5 =	sld [smem:$0x3FAF]  }
0x2b: {  	s6 =	sld [smem:$0x3FB0]  }
0x2c: {  	s7 =	sld [smem:$0x3FB1]  }
0x2d: {  	s3 =	simm.s32 $0x108;
	s8 =	sld [smem:$0x3FB2]  }
0x2e: {  	s3 =	simm.s32 @!p0 $0x1082;
	s9 =	sld [smem:$0x3FB3]  }
0x2f: {  	lr =	sadd.s32 s0, s3;
	s0 =	sld [smem:$0x3FAA]  }
0x30: {  	s3 =	sld [smem:$0x3FAD]  }
0x31: {  	[smem:$0x3FB6] =	sst s10  }
0x32: {  	s10 =	sld [smem:$0x3FB4];
	_ =	sdelay $0x3  }
0x33: {  	p0 =	seq.s32 s10, $0x1;
	s10 =	sld [smem:$0x3FB6];
	_ =	sdelay $0x3  }
0x34: {  	[smem:$0x3FB6] =	sst s10  }
0x35: {  	s10 =	sld [smem:$0x3FB5];
	_ =	sdelay $0x3  }
0x36: {  	p1 =	seq.s32 s10, $0x1;
	s10 =	sld [smem:$0x3FB6];
	_ =	sdelay $0x3  }
0x37: {  	[smem:$0x3FB6] =	sst s10  }
0x38: {  	s10 =	sld [smem:$0x3FB7]  }
0x39: {  	_ = 	snop;
	(pc) =	sbr.ind lr, $3  }
0x3a: {  	_ = 	snop  }
0x3b: {  	_ = 	snop  }
0x3c: {  	p2 =	seq.s32 s10, $0x1;
	s10 =	sld [smem:$0x3FB6]  }
0x3d: {  	_ =	shalt  }
0x3e: {  	_ =	shalt  }
0x3f: {  	_ =	shalt  }
0x40: {  	_ =	shalt  }
0x41: {  	_ =	shalt  }
0x42: {  	_ =	shalt  }
0x43: {  	_ =	shalt  }
0x44: {  	_ =	shalt  }
0x45: {  	_ =	shalt  }
0x46: {  	_ =	shalt  }
0x47: {  	_ =	shalt  }
0x48: {  	_ =	shalt  }
0x49: {  	_ =	shalt  }
0x4a: {  	_ =	shalt  }
0x4b: {  	_ =	shalt  }
0x4c: {  	_ =	shalt  }
0x4d: {  	_ =	shalt  }
0x4e: {  	_ =	shalt  }
0x4f: {  	_ =	shalt  }
0x50: {  	_ =	shalt  }
0x51: {  	_ =	shalt  }
0x52: {  	_ =	shalt  }
0x53: {  	_ =	shalt  }
0x54: {  	_ =	shalt  }
0x55: {  	_ =	shalt  }
0x56: {  	_ =	shalt  }
0x57: {  	_ =	shalt  }
0x58: {  	_ =	shalt  }
0x59: {  	_ =	shalt  }
0x5a: {  	_ =	shalt  }
0x5b: {  	_ =	shalt  }
0x5c: {  	_ =	shalt  }
0x5d: {  	_ =	shalt  }
0x5e: {  	_ =	shalt  }
0x5f: {  	_ =	shalt  }
0x60: {  	_ =	shalt  }
0x61: {  	_ =	shalt  }
0x62: {  	_ =	shalt  }
0x63: {  	_ =	shalt  }
0x64: {  	_ =	shalt  }
0x65: {  	_ =	shalt  }
0x66: {  	_ =	shalt  }
0x67: {  	_ =	shalt  }
0x68: {  	_ =	shalt  }
0x69: {  	_ =	shalt  }
0x6a: {  	_ =	shalt  }
0x6b: {  	_ =	shalt  }
0x6c: {  	_ =	shalt  }
0x6d: {  	_ =	shalt  }
0x6e: {  	_ =	shalt  }
0x6f: {  	_ =	shalt  }
0x70: {  	_ =	shalt  }
0x71: {  	_ =	shalt  }
0x72: {  	_ =	shalt  }
0x73: {  	_ =	shalt  }
0x74: {  	_ =	shalt  }
0x75: {  	_ =	shalt  }
0x76: {  	_ =	shalt  }
0x77: {  	_ =	shalt  }
0x78: {  	_ =	shalt  }
0x79: {  	_ =	shalt  }
0x7a: {  	_ =	shalt  }
0x7b: {  	_ =	shalt  }
0x7c: {  	_ =	shalt  }
0x7d: {  	_ =	shalt  }
0x7e: {  	_ =	shalt  }
0x7f: {  	_ =	shalt  }
0x80: {  	_ =	shalt  }
0x81: {  	_ =	shalt  }
0x82: {  	_ =	shalt  }
0x83: {  	_ =	shalt  }
0x84: {  	_ =	shalt  }
0x85: {  	_ =	shalt  }
0x86: {  	_ =	shalt  }
0x87: {  	_ =	shalt  }
.Lfunc_end0:
.L_simem_size_0:
called_computation_lowered:
.L_overlay_start_0:
0x88: {  	s2 =	sld [smem:$0x3FD9]  }
0x89: {  	s3 =	sld [smem:$0x3FFE];
	_ =	sdelay $0x1  }
0x8a: {  	s1 =	srdreg.scid  }
0x8b: {  	s0 =	sand.u32 $0x1, s1  }
0x8c: {  	s17 =	sshll.u32 s0, $0xA;
	s2 =	sadd.s32 s3, s2  }
0x8d: {  	s2 =	sadd.s32 s2, s17  }
0x8e: {  	[smem:$0x3FC2] =	sst s2  }
0x8f: {  	_ = 	snop  }
0x90: {  	s2 =	sld [smem:$0x3FD0];
	(tm) =	ssettm $0x1  }
0x91: {  	s18 =	sld [smem:$0x3FFB];
	_ =	sdelay $0x3  }
0x92: {  	_ =	strace s18  }
0x93: {  	s3 =	sld [smem:$0x3FFC];
	_ =	sdelay $0x3  }
0x94: {  	_ =	strace s3  }
0x95: {  	s3 =	sld [smem:$0x3FFD];
	_ =	sdelay $0x3  }
0x96: {  	_ =	strace s3  }
0x97: {  	_ =	strace $0x8FFFFFFF  }
0x98: {  	s19 =	sld [smem:$0x3FDB];
	_ =	sdelay $0x1  }
0x99: {  	s4 =	simm.s32 $_scs_section_size  }
0x9a: {  	s5 =	simm.s32 $_size__tile_overlayer_lowered;
	s6 =	simm.s32 $_tile_overlayer_lowered  }
0x9b: {  	s22 =	simm.s32 $0x1BFF;
	s21 =	sshll.u32 s6, $0x1;
	s3 =	sadd.s32 s4, s19  }
0x9c: {  	s7 =	simm.s32 $0x0;
	s20 =	sshll.u32 s5, $0x1;
	s5 =	sadd.s32 s21, s3  }
0x9d: {  	[timem:s7], [sflag:s22] =	dma.local [hbm:s5], s20  }
0x9e: {  	_ =	swait.ge [sflag:s22], s20  }
0x9f: {  	s4 =	ssub.s32 $0x0, s20;
	[sflag:s22] =	ssyncset.done $0x0  }
0xa0: {  	[sflag:s22] =	ssyncadd.s32 s4;
	_ =	sdelay $0x1  }
0xa1: {  	s23 =	simm.s32 $0x1B8B  }
0xa2: {  	_ =	swait.ge [sflag:s23], $0x1  }
0xa3: {  	[sflag:s23] =	ssyncset.done $0x0  }
0xa4: {  	s25 =	simm.s32 $0x1B8E;
	s24 =	sld [smem:$0x3FFE];
	[sflag:s23] =	ssyncadd.s32 $0xFFFFFFFF  }
0xa5: {  	s26 =	simm.s32 $execute0_lowered;
	[smem:$0x3FD2] =	sst s25  }
0xa6: {  	s5 =	sshll.u32 s26, $0x1;
	_ =	strace $0x80000046;
	[dreg:$0x1] =	wrdreg $0xFFFFFFFF  }
0xa7: {  	s28 =	simm.s32 $_size_execute0_lowered;
	s3 =	sadd.s32 s3, s5;
	[dreg:$0x0] =	wrdreg $0x0  }
0xa8: {  	s5 =	sshll.u32 s28, $0x1;
	[dreg:$0x2] =	wrdreg s3  }
0xa9: {  	[dreg:$0x3] =	wrdreg s5  }
0xaa: {  	[dreg:$0x4] =	wrdreg $0xC0  }
0xab: {  	_ =	task [dreg:s7], $0x5FFFF  }
0xac: {  	[dreg:$0x1] =	wrdreg $0xFFFFFFFF  }
0xad: {  	[dreg:$0x0] =	wrdreg $0x60  }
0xae: {  	[dreg:$0x2] =	wrdreg s24  }
0xaf: {  	[dreg:$0x3] =	wrdreg s2  }
0xb0: {  	[dreg:$0x4] =	wrdreg $0x90000  }
0xb1: {  	[dreg:$0x5] =	wrdreg $0xB8000  }
0xb2: {  	[dreg:$0x6] =	wrdreg $0x9  }
0xb3: {  	_ =	task.clear_ibuf [dreg:s7], $0x7FFFF;
	_ =	strace $0x90000046  }
0xb4: {  	s29 =	simm.s32 $0x9;
	_ =	strace $0x80000048  }
0xb5: {  	_ =	swait.ge [sflag:s29], $0x1  }
0xb6: {  	[sflag:s29] =	ssyncadd.s32 $0xFFFFFFFF  }
0xb7: {  	_ =	strace $0x90000048  }
0xb8: {  	_ =	sfence  }
0xb9: {  	s30 =	sld [smem:$0x0];
	_ =	sdelay $0x2  }
0xba: {  	s31 =	sshll.u32 s1, $0xD;
	s1 =	sshrl.u32 s1, $0x2  }
0xbb: {  	s3 =	sand.u32 $0x4000, s31;
	s1 =	sadd.s32 s1, s30  }
0xbc: {  	s0 =	sor.u32 s3, s0;
	s1 =	sshll.u32 s1, $0x11  }
0xbd: {  	s0 =	sor.u32 s1, s0  }
0xbe: {  	s0 =	sadd.s32 $0x8F2B, s0  }
0xbf: {  	[sflag:s0] =	ssyncadd.remote.s32 $0x1  }
0xc0: {  	_ =	sfence.sel $0xFFFF  }
0xc1: {  	[dreg:$0x0] =	wrdreg $0xFFFFFFFF;
	(pc) =	sbr.abs _section_cstart, $3  }
0xc2: {  	[dreg:$0x1] =	wrdreg $0xFFFFFFFF  }
0xc3: {  	_ =	task.clear_ibuf [dreg:s7], $0x2FFFF;
	_ =	strace $0x9FFFFFFF  }
0xc4: {  	(tm) =	ssettm $0x7FFFFFFF  }
0xc5: {  	_ =	shalt  }
tec
execute0_lowered:
.L_overlay_start_1:
0x0: {  	(tag) =	ssettag $0x1  }
0x1: {  	s7 =	rddreg [dreg:$0x0]  }
0x2: {  	s9 =	rddreg [dreg:$0x1]  }
0x3: {  	s2 =	rddreg [dreg:$0x2]  }
0x4: {  	s0 =	srdreg.scid;
	s3 =	rddreg [dreg:$0x3]  }
0x5: {  	s4 =	simm.s32 $0x0;
	s16 =	simm.s32 $0x5000;
	s17 =	simm.s32 $0x2800  }
0x6: {  	s18 =	simm.s32 $0x80;
	s6 =	sand.u32 $0x1, s0;
	s0 =	stileid.u32  }
0x7: {  	s19 =	simm.s32 $0x0;
	[smem:$0x7FF] =	sst s4;
	s8 =	smul.u32 $0x14000, s0  }
0x8: {  	s5 =	sadd.s32 $0xD800, s7;
	s1 =	sshll.u32 s6, $0x4;
	s11 =	smul.u32 $0x140000, s6  }
0x9: {  	s13 =	ssub.s32 $0x2, s6;
	s6 =	sadd.s32 $0xE000, s7;
	s1 =	sor.u32 s0, s1  }
0xa: {  	s30 =	sshll.u32 s0, $0x6;
	s14 =	sshrl.u32 s13, $0x1;
	s10 =	smul.u32 $0x500, s1  }
0xb: {  	s1 =	rddreg [dreg:$0x4];
	_ =	strace $0x80000047;
	s11 =	sadd.s32 s8, s11  }
0xc: {  	s13 =	ssub.s32 s13, s14;
	s31 =	sadd.s32 s8, s2;
	s15 =	sadd.s32 s8, s3  }
0xd: {  	s14 =	simm.s32 $0x1;
	s11 =	sshrl.u32 s11, $0x3;
	s15 =	sshrl.u32 s15, $0x3  }
0xe: {  	s12 =	sadd.s32 s10, s7;
	s11 =	sadd.s32 s11, s7;
	s7 =	sor.u32 $0x1C01, s30  }
0xf: {  	s9 =	sadd.s32 s9, s10;
	s8 =	sadd.s32 $0x3800, s12;
	s10 =	sadd.s32 $0x10800, s11  }
0x10: {  	s11 =	sadd.s32 $0x60800, s11;
	s12 =	smax.u32 s13, $0x1;
	s13 =	sshrl.u32 s31, $0x3  }
.LBB2_1:
0x11: {  	[spmem:s13], [sflag:s7] =	dma.local [hbm:s6], $0x2800  }
0x12: {  	_ =	swait.ge [sflag:s14], $0x2800  }
0x13: {  	[sflag:s14] =	ssyncset.done $0x0  }
0x14: {  	[sflag:s14] =	ssyncadd.s32 $0xFFFFD800  }
0x15: {  	[spmem:s15], [sflag:s7] =	dma.local [hbm:s6], $0x2800  }
0x16: {  	_ =	swait.ge [sflag:s14], $0x2800  }
0x17: {  	[sflag:s14] =	ssyncset.done $0x0  }
0x18: {  	[sflag:s14] =	ssyncadd.s32 $0xFFFFD800  }
0x19: {  	[tilespmem:s16], [sflag:$0x1] =	stream.linear.gather [hbm4b:s5+s4], $0x4000, $0x38;
	[tilespmem:$0xE000] =	vst v63  }
0x1a: {  	_ =	swait.ge [sflag:s14], $0x4000  }
0x1b: {  	[sflag:s14] =	ssyncset.done $0x0  }
0x1c: {  	[sflag:s14] =	ssyncadd.s32 $0xFFFFC000  }
0x1d: {  	[tilespmem:s4], [sflag:$0x1] =	stream.linear.gather [hbm4b:s8+s4], $0x2800, $0x38;
	[tilespmem:$0xE000] =	vst v63  }
0x1e: {  	_ =	swait.ge [sflag:s14], $0x2800  }
0x1f: {  	[sflag:s14] =	ssyncset.done $0x0  }
0x20: {  	[sflag:s14] =	ssyncadd.s32 $0xFFFFD800  }
0x21: {  	[tilespmem:s17], [sflag:$0x1] =	stream.linear.gather [hbm4b:s9+s4], $0x2800, $0x38;
	[tilespmem:$0xE000] =	vst v63  }
0x22: {  	_ =	swait.ge [sflag:s14], $0x2800  }
0x23: {  	[sflag:s14] =	ssyncset.done $0x0  }
0x24: {  	[sflag:s14] =	ssyncadd.s32 $0xFFFFD800  }
0x25: {  	s20 =	simm.s32 $0x0;
	[bflag:$0x0] =	sbarrier.arrive $0xFFFF  }
0x26: {  	[spmem:s2] =	stream.indirect.scatter.add.f32 [tilespmem:s16], [sflag:$0x1], $0x10, s20, s18, $0xb8;
	[tilespmem:$0xE000] =	vst v63  }
0x27: {  	_ =	swait.ge [sflag:s14], $0x800  }
0x28: {  	[sflag:s14] =	ssyncset.done $0x0  }
0x29: {  	s31 =	simm.s32 $0x2800;
	[sflag:s14] =	ssyncadd.s32 $0xFFFFF800  }
0x2a: {  	[spmem:s3] =	stream.indirect.scatter.add.f32 [tilespmem:s16], [sflag:$0x1], $0x10, s31, s18, $0xb8;
	[tilespmem:$0xE000] =	vst v63  }
0x2b: {  	_ =	swait.ge [sflag:s14], $0x800  }
0x2c: {  	s21 =	simm.s32 $0x400;
	s20 =	simm.s32 $0x200;
	[sflag:s14] =	ssyncset.done $0x0  }
.LBB2_2:
0x2d: {  	s22 =	sshra.s32 s20, $0x2  }
0x2e: {  	[sflag:s14] =	ssyncadd.s32 $0xFFFFF800;
	s20 =	smov.u32 s21;
	s23 =	sadd.s32 $0x200, s21  }
0x2f: {  	[spmem:s2] =	stream.indirect.scatter.add.f32 [tilespmem:s16], [sflag:$0x1], $0x10, s22, s18, $0xb8;
	[tilespmem:$0xE000] =	vst v63  }
0x30: {  	p0 =	sne.s32 s21, $0x9E00;
	_ =	swait.ge [sflag:s14], $0x800  }
.Ltmp0:
0x31: {  	[sflag:s14] =	ssyncset.done $0x0;
	(pc) =	sbr.rel @p0 .LBB2_2-.Ltmp0, $4  }
0x32: {  	s21 =	sadd.s32 $0x2800, s22;
	[sflag:s14] =	ssyncadd.s32 $0xFFFFF800  }
0x33: {  	[spmem:s3] =	stream.indirect.scatter.add.f32 [tilespmem:s16], [sflag:$0x1], $0x10, s21, s18, $0xb8;
	[tilespmem:$0xE000] =	vst v63  }
0x34: {  	_ =	swait.ge [sflag:s14], $0x800  }
0x35: {  	s21 =	smov.u32 s23;
	[sflag:s14] =	ssyncset.done $0x0  }
0x36: {  	s20 =	sshra.s32 s20, $0x2;
	[sflag:s14] =	ssyncadd.s32 $0xFFFFF800  }
0x37: {  	[spmem:s2] =	stream.indirect.scatter.add.f32 [tilespmem:s16], [sflag:$0x1], $0x10, s20, s18, $0xb8;
	[tilespmem:$0xE000] =	vst v63  }
0x38: {  	_ =	swait.ge [sflag:s14], $0x800  }
0x39: {  	[sflag:s14] =	ssyncset.done $0x0  }
0x3a: {  	s20 =	sadd.s32 $0x2800, s20;
	[sflag:s14] =	ssyncadd.s32 $0xFFFFF800  }
0x3b: {  	[spmem:s3] =	stream.indirect.scatter.add.f32 [tilespmem:s16], [sflag:$0x1], $0x10, s20, s18, $0xb8;
	[tilespmem:$0xE000] =	vst v63  }
0x3c: {  	_ =	swait.ge [sflag:s14], $0x800  }
0x3d: {  	[sflag:s14] =	ssyncset.done $0x0  }
0x3e: {  	[sflag:s14] =	ssyncadd.s32 $0xFFFFF800  }
0x3f: {  	[bflag:$0x0] =	sbarrier.arrive $0xFFFF  }
0x40: {  	[hbm:s10], [sflag:s7] =	dma.local [spmem:s13], $0x2800  }
0x41: {  	s19 =	sadd.s32 $0x1, s19;
	_ =	swait.ge [sflag:s14], $0x2800  }
0x42: {  	p0 =	sne.s32 s19, s12;
	[sflag:s14] =	ssyncset.done $0x0  }
.Ltmp1:
0x43: {  	[sflag:s14] =	ssyncadd.s32 $0xFFFFD800;
	(pc) =	sbr.rel @p0 .LBB2_1-.Ltmp1, $4  }
0x44: {  	[hbm:s11], [sflag:s7] =	dma.local [spmem:s15], $0x2800  }
0x45: {  	_ =	swait.ge [sflag:s14], $0x2800  }
0x46: {  	[sflag:s14] =	ssyncset.done $0x0  }
0x47: {  	[sflag:s14] =	ssyncadd.s32 $0xFFFFD800  }
0x48: {  	_ =	sfence.sel $0x180000  }
0x49: {  	[bflag:$0x0] =	sbarrier.arrive $0xFFFF  }
0x4a: {  	p0 =	sne.s32 s0, $0x0;
	_ =	strace $0x90000047  }
0x4b: {  	s0 =	sadd.s32 @!p0 $0x100000, s1;
	[bflag:$0x2] =	sbarrier.arrive $0xFFFF  }
0x4c: {  	[sflag:s0] =	ssyncadd.tile.s32 @!p0 $0x1;
	_ =	shalt  }
.Lfunc_end2:
_tile_overlayer_lowered:
.L_overlay_start_2:
0x4d: {  	(tag) =	ssettag $0x2  }
0x4e: {  	s0 =	rddreg [dreg:$0x0];
	s2 =	stileid.u32  }
0x4f: {  	s1 =	rddreg [dreg:$0x1];
	p0 =	sne.s32 s2, $0x0  }
0x50: {  	s3 =	rddreg [dreg:$0x2];
	[bflag:$0x3] =	sbarrier.arrive $0xFFFF;
	s2 =	simm.s32 @!p0 $0x1C01  }
0x51: {  	[timem:s3], [sflag:s2] =	dma.local @!p0 [hbm:s0], s1  }
0x52: {  	s0 =	simm.s32 @!p0 $0x1  }
0x53: {  	_ =	swait.ge @!p0 [sflag:s0], s1  }
0x54: {  	s1 =	ssub.s32 @!p0 $0x0, s1;
	[sflag:s0] =	ssyncset.done @!p0 $0x0  }
0x55: {  	[sflag:s0] =	ssyncadd.s32 @!p0 s1  }
0x56: {  	[bflag:$0x3] =	sbarrier.arrive $0xFFFF  }
0x57: {  	_ =	shalt  }

// kernel: kernel.13.cloned.1.call-start
scs
__scs_entry_jumppad:
0x0: {  	(pc) =	sbr.rel $0x88, $3  }
0x1: {  	(tag) =	ssettag $0x0;
	lr =	simm.s32 $0x1  }
0x2: {  	[smem:$0x3F9B] =	sst lr;
	_ =	strace $0xD0000000  }
0x3: {  	_ = 	snop  }
0x4: {  	_ = 	snop  }
0x5: {  	_ = 	snop  }
0x6: {  	_ = 	snop  }
0x7: {  	_ = 	snop  }
__scs_overlays_trampoline_lowered:
0x8: {  	[smem:$0x3FAA] =	sst s0  }
0x9: {  	[smem:$0x3FAB] =	sst s1  }
0xa: {  	[smem:$0x3FAC] =	sst s2  }
0xb: {  	[smem:$0x3FAD] =	sst s3  }
0xc: {  	[smem:$0x3FAE] =	sst s4  }
0xd: {  	[smem:$0x3FAF] =	sst s5  }
0xe: {  	[smem:$0x3FB0] =	sst s6  }
0xf: {  	[smem:$0x3FB1] =	sst s7  }
0x10: {  	[smem:$0x3FB2] =	sst s8  }
0x11: {  	[smem:$0x3FB3] =	sst s9;
	s0 =	simm.s32 @!p0 $0x0  }
0x12: {  	s1 =	sld [smem:$0x3F99];
	s0 =	simm.s32 @p0 $0x1  }
0x13: {  	[smem:$0x3FB4] =	sst s0;
	s0 =	simm.s32 @!p1 $0x0  }
0x14: {  	s2 =	sld [smem:$0x3F98];
	s0 =	simm.s32 @p1 $0x1  }
0x15: {  	[smem:$0x3FB5] =	sst s0;
	s0 =	simm.s32 @!p2 $0x0  }
0x16: {  	s3 =	sld [smem:$0x3FDB];
	s0 =	simm.s32 @p2 $0x1  }
0x17: {  	s4 =	simm.s32 $0x1BF5;
	[smem:$0x3FB7] =	sst s0  }
0x18: {  	s0 =	sld [smem:$0x3F9A];
	_ =	swait.ge [sflag:s4], $0x0  }
0x19: {  	s7 =	sld [smem:$0x3F9B]  }
0x1a: {  	s8 =	sadd.s32 $0xFFFFE003, lr  }
0x1b: {  	s9 =	sadd.s32 $0xFFFFFEF7, lr;
	s5 =	simm.s32 $0xFFFFFFFF;
	p2 =	slt.u32 s8, $0xFFFFF086  }
0x1c: {  	p1 =	slt.u32 s9, $0xF7A;
	s5 =	simm.s32 @!p2 $0x0  }
0x1d: {  	s5 =	simm.s32 @p1 $0x1;
	p0 =	seq.s32 s7, s2  }
0x1e: {  	s7 =	smul.u32 @!p0 $0xF7A, s2;
	p2 =	seq.s32 @!p0 s5, $0x0  }
0x1f: {  	s9 =	smul.u32 $0xF7A, s1;
	s8 =	simm.s32 @!p0 $0x1BF5;
	p2 =	por !p2, p0  }
0x20: {  	[sflag:s8] =	ssyncset.s32 @!p0 $0xFFFFF086;
	s6 =	sadd.s32 @!p0 s3, s7;
	s7 =	simm.s32 @!p0 $0x108  }
0x21: {  	s3 =	sadd.s32 s3, s9;
	s6 =	sadd.s32 @!p0 $0x88, s6;
	s7 =	simm.s32 @p2 $0x1082  }
0x22: {  	[simem:s7], [sflag:s8] =	dma.local @!p0 [hbm:s6], $0xF7A  }
0x23: {  	s9 =	sor.u32 $0xD0000000, s2;
	s6 =	simm.s32 $0x108;
	_ =	swait.ge @!p0 [sflag:s8], $0x0  }
0x24: {  	s3 =	sadd.s32 $0x88, s3;
	s6 =	simm.s32 @!p1 $0x1082;
	[sflag:s4] =	ssyncset.s32 $0xFFFFF086  }
0x25: {  	[simem:s6], [sflag:s4] =	dma.local [hbm:s3], $0xF7A  }
0x26: {  	[smem:$0x3F9B] =	sst s1;
	(tag) =	ssettag s2;
	_ =	strace s9  }
0x27: {  	s1 =	sld [smem:$0x3FAB]  }
0x28: {  	s2 =	sld [smem:$0x3FAC]  }
0x29: {  	s4 =	sld [smem:$0x3FAE]  }
0x2a: {  	p0 =	seq.s32 s5, $0x0;
	s5 =	sld [smem:$0x3FAF]  }
0x2b: {  	s6 =	sld [smem:$0x3FB0]  }
0x2c: {  	s7 =	sld [smem:$0x3FB1]  }
0x2d: {  	s3 =	simm.s32 $0x108;
	s8 =	sld [smem:$0x3FB2]  }
0x2e: {  	s3 =	simm.s32 @!p0 $0x1082;
	s9 =	sld [smem:$0x3FB3]  }
0x2f: {  	lr =	sadd.s32 s0, s3;
	s0 =	sld [smem:$0x3FAA]  }
0x30: {  	s3 =	sld [smem:$0x3FAD]  }
0x31: {  	[smem:$0x3FB6] =	sst s10  }
0x32: {  	s10 =	sld [smem:$0x3FB4];
	_ =	sdelay $0x3  }
0x33: {  	p0 =	seq.s32 s10, $0x1;
	s10 =	sld [smem:$0x3FB6];
	_ =	sdelay $0x3  }
0x34: {  	[smem:$0x3FB6] =	sst s10  }
0x35: {  	s10 =	sld [smem:$0x3FB5];
	_ =	sdelay $0x3  }
0x36: {  	p1 =	seq.s32 s10, $0x1;
	s10 =	sld [smem:$0x3FB6];
	_ =	sdelay $0x3  }
0x37: {  	[smem:$0x3FB6] =	sst s10  }
0x38: {  	s10 =	sld [smem:$0x3FB7]  }
0x39: {  	_ = 	snop;
	(pc) =	sbr.ind lr, $3  }
0x3a: {  	_ = 	snop  }
0x3b: {  	_ = 	snop  }
0x3c: {  	p2 =	seq.s32 s10, $0x1;
	s10 =	sld [smem:$0x3FB6]  }
0x3d: {  	_ =	shalt  }
0x3e: {  	_ =	shalt  }
0x3f: {  	_ =	shalt  }
0x40: {  	_ =	shalt  }
0x41: {  	_ =	shalt  }
0x42: {  	_ =	shalt  }
0x43: {  	_ =	shalt  }
0x44: {  	_ =	shalt  }
0x45: {  	_ =	shalt  }
0x46: {  	_ =	shalt  }
0x47: {  	_ =	shalt  }
0x48: {  	_ =	shalt  }
0x49: {  	_ =	shalt  }
0x4a: {  	_ =	shalt  }
0x4b: {  	_ =	shalt  }
0x4c: {  	_ =	shalt  }
0x4d: {  	_ =	shalt  }
0x4e: {  	_ =	shalt  }
0x4f: {  	_ =	shalt  }
0x50: {  	_ =	shalt  }
0x51: {  	_ =	shalt  }
0x52: {  	_ =	shalt  }
0x53: {  	_ =	shalt  }
0x54: {  	_ =	shalt  }
0x55: {  	_ =	shalt  }
0x56: {  	_ =	shalt  }
0x57: {  	_ =	shalt  }
0x58: {  	_ =	shalt  }
0x59: {  	_ =	shalt  }
0x5a: {  	_ =	shalt  }
0x5b: {  	_ =	shalt  }
0x5c: {  	_ =	shalt  }
0x5d: {  	_ =	shalt  }
0x5e: {  	_ =	shalt  }
0x5f: {  	_ =	shalt  }
0x60: {  	_ =	shalt  }
0x61: {  	_ =	shalt  }
0x62: {  	_ =	shalt  }
0x63: {  	_ =	shalt  }
0x64: {  	_ =	shalt  }
0x65: {  	_ =	shalt  }
0x66: {  	_ =	shalt  }
0x67: {  	_ =	shalt  }
0x68: {  	_ =	shalt  }
0x69: {  	_ =	shalt  }
0x6a: {  	_ =	shalt  }
0x6b: {  	_ =	shalt  }
0x6c: {  	_ =	shalt  }
0x6d: {  	_ =	shalt  }
0x6e: {  	_ =	shalt  }
0x6f: {  	_ =	shalt  }
0x70: {  	_ =	shalt  }
0x71: {  	_ =	shalt  }
0x72: {  	_ =	shalt  }
0x73: {  	_ =	shalt  }
0x74: {  	_ =	shalt  }
0x75: {  	_ =	shalt  }
0x76: {  	_ =	shalt  }
0x77: {  	_ =	shalt  }
0x78: {  	_ =	shalt  }
0x79: {  	_ =	shalt  }
0x7a: {  	_ =	shalt  }
0x7b: {  	_ =	shalt  }
0x7c: {  	_ =	shalt  }
0x7d: {  	_ =	shalt  }
0x7e: {  	_ =	shalt  }
0x7f: {  	_ =	shalt  }
0x80: {  	_ =	shalt  }
0x81: {  	_ =	shalt  }
0x82: {  	_ =	shalt  }
0x83: {  	_ =	shalt  }
0x84: {  	_ =	shalt  }
0x85: {  	_ =	shalt  }
0x86: {  	_ =	shalt  }
0x87: {  	_ =	shalt  }
.Lfunc_end0:
.L_simem_size_0:
called_computation.1_lowered:
.L_overlay_start_0:
0x88: {  	s2 =	sld [smem:$0x3FD9]  }
0x89: {  	s3 =	sld [smem:$0x3FFE];
	_ =	sdelay $0x1  }
0x8a: {  	s1 =	srdreg.scid  }
0x8b: {  	s0 =	sand.u32 $0x1, s1  }
0x8c: {  	s17 =	sshll.u32 s0, $0xA;
	s2 =	sadd.s32 s3, s2  }
0x8d: {  	s2 =	sadd.s32 s2, s17  }
0x8e: {  	[smem:$0x3FC2] =	sst s2  }
0x8f: {  	_ = 	snop  }
0x90: {  	s18 =	sld [smem:$0x3FD0];
	(tm) =	ssettm $0x1  }
0x91: {  	s19 =	sld [smem:$0x3FFB];
	_ =	sdelay $0x3  }
0x92: {  	_ =	strace s19  }
0x93: {  	s2 =	sld [smem:$0x3FFC];
	_ =	sdelay $0x3  }
0x94: {  	_ =	strace s2  }
0x95: {  	s2 =	sld [smem:$0x3FFD];
	_ =	sdelay $0x3  }
0x96: {  	_ =	strace s2  }
0x97: {  	_ =	strace $0x8FFFFFFF  }
0x98: {  	s20 =	sld [smem:$0x3FDB];
	_ =	sdelay $0x1  }
0x99: {  	s4 =	simm.s32 $_scs_section_size  }
0x9a: {  	s5 =	simm.s32 $_size__tile_overlayer_lowered;
	s6 =	simm.s32 $_tile_overlayer_lowered  }
0x9b: {  	s7 =	simm.s32 $0x1BFF;
	s21 =	sshll.u32 s6, $0x1;
	s4 =	sadd.s32 s4, s20  }
0x9c: {  	s22 =	simm.s32 $0x0;
	s5 =	sshll.u32 s5, $0x1;
	s6 =	sadd.s32 s21, s4  }
0x9d: {  	[timem:s22], [sflag:s7] =	dma.local [hbm:s6], s5  }
0x9e: {  	_ =	swait.ge [sflag:s7], s5  }
0x9f: {  	s5 =	ssub.s32 $0x0, s5;
	[sflag:s7] =	ssyncset.done $0x0  }
0xa0: {  	[sflag:s7] =	ssyncadd.s32 s5;
	_ =	sdelay $0x1  }
0xa1: {  	s23 =	simm.s32 $0x1B8B  }
0xa2: {  	_ =	swait.ge [sflag:s23], $0x1  }
0xa3: {  	[sflag:s23] =	ssyncset.done $0x0  }
0xa4: {  	[sflag:s23] =	ssyncadd.s32 $0xFFFFFFFF  }
0xa5: {  	s5 =	sld [smem:$0x0]  }
0xa6: {  	s6 =	sand.u32 $0xFFFFFFFE, s1  }
0xa7: {  	p0 =	sne.s32 s1, s6  }
0xa8: {  	s6 =	sshll.u32 @p0 s6, $0xE  }
0xa9: {  	s6 =	sadd.s32 @p0 $0x11B8D, s6;
	s7 =	sshll.u32 @p0 s5, $0x11  }
0xaa: {  	s6 =	sor.u32 @p0 s7, s6  }
0xab: {  	[sflag:s6] =	ssyncadd.remote.s32 @p0 $0x1;
	_ =	sdelay $0x1  }
0xac: {  	s6 =	simm.s32 @p0 $0x1B8D  }
0xad: {  	_ =	swait.eq @p0 [sflag:s6], $0x1  }
0xae: {  	[sflag:s6] =	ssyncadd.s32 @p0 $0xFFFFFFFF  }
0xaf: {  	s7 =	sshll.u32 @!p0 s1, $0xE  }
0xb0: {  	s7 =	sor.u32 @!p0 $0x4000, s7;
	s6 =	simm.s32 @!p0 $0x1B8D  }
0xb1: {  	s5 =	sshll.u32 @!p0 s5, $0x11;
	s7 =	sadd.s32 @!p0 $0x11B8D, s7;
	_ =	swait.eq @!p0 [sflag:s6], $0x1  }
0xb2: {  	s5 =	sor.u32 @!p0 s5, s7;
	[sflag:s6] =	ssyncadd.s32 @!p0 $0xFFFFFFFF  }
0xb3: {  	s25 =	simm.s32 $0x1B8E;
	s24 =	sld [smem:$0x3FFE];
	[sflag:s5] =	ssyncadd.remote.s32 @!p0 $0x1  }
0xb4: {  	s26 =	simm.s32 $execute0_lowered;
	[smem:$0x3FD2] =	sst s25  }
0xb5: {  	s6 =	sshll.u32 s26, $0x1;
	_ =	strace $0x80000049;
	[dreg:$0x1] =	wrdreg $0xFFFFFFFF  }
0xb6: {  	s28 =	simm.s32 $_size_execute0_lowered;
	s4 =	sadd.s32 s4, s6;
	[dreg:$0x0] =	wrdreg $0x0  }
0xb7: {  	s6 =	sshll.u32 s28, $0x1;
	[dreg:$0x2] =	wrdreg s4  }
0xb8: {  	[dreg:$0x3] =	wrdreg s6  }
0xb9: {  	[dreg:$0x4] =	wrdreg $0xC0  }
0xba: {  	_ =	task [dreg:s22], $0x5FFFF  }
0xbb: {  	[dreg:$0x1] =	wrdreg $0xFFFFFFFF  }
0xbc: {  	[dreg:$0x0] =	wrdreg $0x60  }
0xbd: {  	[dreg:$0x2] =	wrdreg s24  }
0xbe: {  	[dreg:$0x3] =	wrdreg s18  }
0xbf: {  	[dreg:$0x4] =	wrdreg $0xA  }
0xc0: {  	_ =	task.clear_ibuf [dreg:s22], $0x5FFFF;
	_ =	strace $0x90000049  }
0xc1: {  	s29 =	simm.s32 $0xA;
	_ =	strace $0x8000004B  }
0xc2: {  	_ =	swait.ge [sflag:s29], $0x1  }
0xc3: {  	[sflag:s29] =	ssyncadd.s32 $0xFFFFFFFF  }
0xc4: {  	_ =	strace $0x9000004B  }
0xc5: {  	_ =	sfence  }
0xc6: {  	s30 =	sld [smem:$0x0];
	_ =	sdelay $0x2  }
0xc7: {  	s31 =	sshll.u32 s1, $0xD;
	s1 =	sshrl.u32 s1, $0x2  }
0xc8: {  	s4 =	sand.u32 $0x4000, s31;
	s1 =	sadd.s32 s1, s30  }
0xc9: {  	s0 =	sor.u32 s4, s0;
	s1 =	sshll.u32 s1, $0x11  }
0xca: {  	s0 =	sor.u32 s1, s0  }
0xcb: {  	s0 =	sadd.s32 $0x8F2B, s0  }
0xcc: {  	[sflag:s0] =	ssyncadd.remote.s32 $0x1  }
0xcd: {  	_ =	sfence.sel $0xFFFF  }
0xce: {  	[dreg:$0x0] =	wrdreg $0xFFFFFFFF;
	(pc) =	sbr.abs _section_cstart, $3  }
0xcf: {  	[dreg:$0x1] =	wrdreg $0xFFFFFFFF  }
0xd0: {  	_ =	task.clear_ibuf [dreg:s22], $0x2FFFF;
	_ =	strace $0x9FFFFFFF  }
0xd1: {  	(tm) =	ssettm $0x7FFFFFFF  }
tec
execute0_lowered:
.L_overlay_start_1:
0x0: {  	(tag) =	ssettag $0x1  }
0x1: {  	v0 =	vimm.s32 $0xF80;
	vm0 =	vcmask $0x300  }
0x2: {  	vm14 =	vcmask $0x704;
	v0 =	vsel vm0, $0x0, v0  }
0x3: {  	vm15 =	vcmask $0xB08;
	v0 =	vsel vm14, $0x80, v0  }
0x4: {  	vm4 =	vcmask $0xF0C;
	v0 =	vsel vm15, $0x100, v0  }
0x5: {  	vm5 =	vcmask $0x1310;
	v0 =	vsel vm4, $0x180, v0  }
0x6: {  	vm6 =	vcmask $0x1714;
	s3 =	rddreg [dreg:$0x0];
	v0 =	vsel vm5, $0x200, v0  }
0x7: {  	vm7 =	vcmask $0x1B18;
	s5 =	rddreg [dreg:$0x1];
	v0 =	vsel vm6, $0x280, v0  }
0x8: {  	s0 =	srdreg.scid;
	vm8 =	vcmask $0x1F1C;
	s1 =	rddreg [dreg:$0x2];
	v0 =	vsel vm7, $0x300, v0  }
0x9: {  	vm9 =	vcmask $0x2320;
	s9 =	simm.s32 $0x2800;
	s10 =	simm.s32 $0xA000;
	s4 =	sand.u32 $0x1, s0;
	v0 =	vsel vm8, $0x380, v0  }
0xa: {  	vm10 =	vcmask $0x2724;
	s11 =	simm.s32 $0xB800;
	s0 =	stileid.u32;
	s2 =	sshll.u32 s4, $0x4;
	v0 =	vsel vm9, $0xC00, v0  }
0xb: {  	vm11 =	vcmask $0x2B28;
	s12 =	simm.s32 $0x5000;
	s13 =	simm.s32 $0x7800;
	s6 =	sor.u32 s0, s2;
	v0 =	vsel vm10, $0xC80, v0  }
0xc: {  	vm12 =	vcmask $0x2F2C;
	s4 =	ssub.s32 $0x2, s4;
	s2 =	simm.s32 $0x0;
	s6 =	smul.u32 $0x500, s6;
	v0 =	vsel vm11, $0xD00, v0  }
0xd: {  	vm13 =	vcmask $0x3330;
	s14 =	simm.s32 $0x0;
	s7 =	sshrl.u32 s4, $0x1;
	[smem:$0x7FF] =	sst s2;
	v0 =	vsel vm12, $0xD80, v0  }
0xe: {  	vm14 =	vcmask $0x3734;
	s7 =	ssub.s32 s4, s7;
	_ =	strace $0x8000004A;
	s8 =	sadd.s32 s6, s3;
	v0 =	vsel vm13, $0xE00, v0  }
0xf: {  	vm15 =	vcmask $0x3B38;
	s7 =	smax.u32 s7, $0x1;
	s4 =	sadd.s32 s5, s6;
	s3 =	sadd.s32 $0x3800, s8;
	v1 =	vsel vm14, $0xE80, v0  }
0x10: {  	v2 =	vimm.s32 $0x1;
	s5 =	sadd.s32 $0xB0800, s8;
	s6 =	sadd.s32 $0xBA800, s8;
	s8 =	simm.s32 $0x1;
	v0 =	vimm.s32 $0x0;
	v1 =	vsel vm15, $0xF00, v1  }
.LBB2_1:
0x11: {  	[tilespmem:s2], [sflag:$0x1] =	stream.linear.gather [hbm4b:s3+s2], $0x2800, $0x38;
	[tilespmem:$0xD200] =	vst v63  }
0x12: {  	_ =	swait.ge [sflag:s8], $0x2800  }
0x13: {  	[sflag:s8] =	ssyncset.done $0x0  }
0x14: {  	[sflag:s8] =	ssyncadd.s32 $0xFFFFD800  }
0x15: {  	[tilespmem:s9], [sflag:$0x1] =	stream.linear.gather [hbm4b:s4+s2], $0x2800, $0x38;
	[tilespmem:$0xD200] =	vst v63  }
0x16: {  	_ =	swait.ge [sflag:s8], $0x2800  }
0x17: {  	s15 =	sand.u32 $0x70, s2;
	s16 =	sand.u32 $0xC00, s2;
	[sflag:s8] =	ssyncset.done $0x0  }
0x18: {  	s15 =	sor.u32 s15, s16;
	[sflag:s8] =	ssyncadd.s32 $0xFFFFD800  }
0x19: {  	s17 =	simm.s32 $0x0;
	s16 =	simm.s32 $0x10;
	[tilespmem:s15+$0xA000] =	vst v0  }
.LBB2_2:
0x1a: {  	p0 =	sne.s32 s16, $0x130  }
.Ltmp0:
0x1b: {  	_ = 	snop;
	(pc) =	sbr.rel @p0 .LBB2_2-.Ltmp0, $4  }
0x1c: {  	s17 =	sadd.s32 $0x80, s17  }
0x1d: {  	s15 =	sand.u32 $0x70, s16;
	s18 =	sand.u32 $0xC00, s17  }
0x1e: {  	s15 =	sor.u32 s15, s18  }
0x1f: {  	s16 =	sadd.s32 $0x10, s16;
	[tilespmem:s15+$0xA000] =	vst v0;
	s15 =	simm.s32 $0x0  }
0x20: {  	s16 =	sand.u32 $0x70, s15;
	s17 =	sand.u32 $0xC00, s15  }
0x21: {  	s16 =	sor.u32 s16, s17  }
0x22: {  	s18 =	simm.s32 $0x0;
	s17 =	simm.s32 $0x10;
	[tilespmem:s16+$0xA080] =	vst v0  }
.LBB2_4:
0x23: {  	p0 =	sne.s32 s17, $0x130  }
.Ltmp1:
0x24: {  	_ = 	snop;
	(pc) =	sbr.rel @p0 .LBB2_4-.Ltmp1, $4  }
0x25: {  	s18 =	sadd.s32 $0x80, s18  }
0x26: {  	s19 =	sand.u32 $0x70, s17;
	s20 =	sand.u32 $0xC00, s18  }
0x27: {  	s19 =	sor.u32 s19, s20  }
0x28: {  	s17 =	sadd.s32 $0x10, s17;
	[tilespmem:s19+$0xA080] =	vst v0  }
0x29: {  	s17 =	simm.s32 $0x10;
	[tilespmem:s16+$0xA100] =	vst v0  }
.LBB2_6:
0x2a: {  	p0 =	sne.s32 s17, $0x130  }
.Ltmp2:
0x2b: {  	_ = 	snop;
	(pc) =	sbr.rel @p0 .LBB2_6-.Ltmp2, $4  }
0x2c: {  	s15 =	sadd.s32 $0x80, s15  }
0x2d: {  	s16 =	sand.u32 $0x70, s17;
	s18 =	sand.u32 $0xC00, s15  }
0x2e: {  	s16 =	sor.u32 s16, s18  }
0x2f: {  	s17 =	sadd.s32 $0x10, s17;
	[tilespmem:s16+$0xA100] =	vst v0;
	s16 =	simm.s32 $0x0  }
0x30: {  	s15 =	sand.u32 $0x70, s16;
	s17 =	sand.u32 $0xC00, s16  }
0x31: {  	s15 =	sor.u32 s15, s17  }
0x32: {  	s18 =	simm.s32 $0x0;
	s17 =	simm.s32 $0x10;
	[tilespmem:s15+$0xA180] =	vst v0  }
.LBB2_8:
0x33: {  	p0 =	sne.s32 s17, $0x130  }
.Ltmp3:
0x34: {  	_ = 	snop;
	(pc) =	sbr.rel @p0 .LBB2_8-.Ltmp3, $4  }
0x35: {  	s18 =	sadd.s32 $0x80, s18  }
0x36: {  	s19 =	sand.u32 $0x70, s17;
	s20 =	sand.u32 $0xC00, s18  }
0x37: {  	s19 =	sor.u32 s19, s20  }
0x38: {  	s17 =	sadd.s32 $0x10, s17;
	[tilespmem:s19+$0xA180] =	vst v0  }
0x39: {  	s17 =	simm.s32 $0x10;
	[tilespmem:s15+$0xA200] =	vst v0  }
.LBB2_10:
0x3a: {  	p0 =	sne.s32 s17, $0x130  }
.Ltmp4:
0x3b: {  	_ = 	snop;
	(pc) =	sbr.rel @p0 .LBB2_10-.Ltmp4, $4  }
0x3c: {  	s16 =	sadd.s32 $0x80, s16  }
0x3d: {  	s15 =	sand.u32 $0x70, s17;
	s18 =	sand.u32 $0xC00, s16  }
0x3e: {  	s15 =	sor.u32 s15, s18  }
0x3f: {  	s17 =	sadd.s32 $0x10, s17;
	[tilespmem:s15+$0xA200] =	vst v0;
	s15 =	simm.s32 $0x0  }
0x40: {  	s16 =	sand.u32 $0x70, s15;
	s17 =	sand.u32 $0xC00, s15  }
0x41: {  	s16 =	sor.u32 s16, s17  }
0x42: {  	s18 =	simm.s32 $0x0;
	s17 =	simm.s32 $0x10;
	[tilespmem:s16+$0xA280] =	vst v0  }
.LBB2_12:
0x43: {  	p0 =	sne.s32 s17, $0x130  }
.Ltmp5:
0x44: {  	_ = 	snop;
	(pc) =	sbr.rel @p0 .LBB2_12-.Ltmp5, $4  }
0x45: {  	s18 =	sadd.s32 $0x80, s18  }
0x46: {  	s19 =	sand.u32 $0x70, s17;
	s20 =	sand.u32 $0xC00, s18  }
0x47: {  	s19 =	sor.u32 s19, s20  }
0x48: {  	s17 =	sadd.s32 $0x10, s17;
	[tilespmem:s19+$0xA280] =	vst v0  }
0x49: {  	s17 =	simm.s32 $0x10;
	[tilespmem:s16+$0xA300] =	vst v0  }
.LBB2_14:
0x4a: {  	p0 =	sne.s32 s17, $0x130  }
.Ltmp6:
0x4b: {  	_ = 	snop;
	(pc) =	sbr.rel @p0 .LBB2_14-.Ltmp6, $4  }
0x4c: {  	s15 =	sadd.s32 $0x80, s15  }
0x4d: {  	s16 =	sand.u32 $0x70, s17;
	s18 =	sand.u32 $0xC00, s15  }
0x4e: {  	s16 =	sor.u32 s16, s18  }
0x4f: {  	s17 =	sadd.s32 $0x10, s17;
	[tilespmem:s16+$0xA300] =	vst v0  }
0x50: {  	[tilespmem:$0xA380] =	vst v0  }
0x51: {  	[tilespmem:$0xA390] =	vst v0  }
0x52: {  	[tilespmem:$0xA3A0] =	vst v0  }
0x53: {  	[tilespmem:$0xA3B0] =	vst v0  }
0x54: {  	[tilespmem:$0xA3C0] =	vst v0  }
0x55: {  	[tilespmem:$0xA3D0] =	vst v0  }
0x56: {  	[tilespmem:$0xA3E0] =	vst v0  }
0x57: {  	[tilespmem:$0xA3F0] =	vst v0  }
0x58: {  	[tilespmem:$0xA780] =	vst v0  }
0x59: {  	[tilespmem:$0xA790] =	vst v0  }
0x5a: {  	[tilespmem:$0xA7A0] =	vst v0  }
0x5b: {  	[tilespmem:$0xA7B0] =	vst v0  }
0x5c: {  	[tilespmem:$0xA7C0] =	vst v0  }
0x5d: {  	[tilespmem:$0xA7D0] =	vst v0  }
0x5e: {  	[tilespmem:$0xA7E0] =	vst v0  }
0x5f: {  	[tilespmem:$0xA7F0] =	vst v0  }
0x60: {  	[tilespmem:$0xAB80] =	vst v0  }
0x61: {  	[tilespmem:$0xAB90] =	vst v0;
	s16 =	simm.s32 $0x0  }
0x62: {  	[tilespmem:$0xABA0] =	vst v0;
	s15 =	sand.u32 $0x70, s16;
	s17 =	sand.u32 $0xC00, s16  }
0x63: {  	[tilespmem:$0xABB0] =	vst v0;
	s15 =	sor.u32 s15, s17  }
0x64: {  	s18 =	simm.s32 $0x0;
	s17 =	simm.s32 $0x10;
	[tilespmem:s15+$0xAC00] =	vst v0  }
.LBB2_16:
0x65: {  	p0 =	sne.s32 s17, $0x130  }
.Ltmp7:
0x66: {  	_ = 	snop;
	(pc) =	sbr.rel @p0 .LBB2_16-.Ltmp7, $4  }
0x67: {  	s18 =	sadd.s32 $0x80, s18  }
0x68: {  	s19 =	sand.u32 $0x70, s17;
	s20 =	sand.u32 $0xC00, s18  }
0x69: {  	s19 =	sor.u32 s19, s20  }
0x6a: {  	s17 =	sadd.s32 $0x10, s17;
	[tilespmem:s19+$0xAC00] =	vst v0  }
0x6b: {  	s17 =	simm.s32 $0x10;
	[tilespmem:s15+$0xAC80] =	vst v0  }
.LBB2_18:
0x6c: {  	p0 =	sne.s32 s17, $0x130  }
.Ltmp8:
0x6d: {  	_ = 	snop;
	(pc) =	sbr.rel @p0 .LBB2_18-.Ltmp8, $4  }
0x6e: {  	s16 =	sadd.s32 $0x80, s16  }
0x6f: {  	s15 =	sand.u32 $0x70, s17;
	s18 =	sand.u32 $0xC00, s16  }
0x70: {  	s15 =	sor.u32 s15, s18  }
0x71: {  	s17 =	sadd.s32 $0x10, s17;
	[tilespmem:s15+$0xAC80] =	vst v0;
	s15 =	simm.s32 $0x0  }
0x72: {  	s16 =	sand.u32 $0x70, s15;
	s17 =	sand.u32 $0xC00, s15  }
0x73: {  	s16 =	sor.u32 s16, s17  }
0x74: {  	s18 =	simm.s32 $0x0;
	s17 =	simm.s32 $0x10;
	[tilespmem:s16+$0xAD00] =	vst v0  }
.LBB2_20:
0x75: {  	p0 =	sne.s32 s17, $0x130  }
.Ltmp9:
0x76: {  	_ = 	snop;
	(pc) =	sbr.rel @p0 .LBB2_20-.Ltmp9, $4  }
0x77: {  	s18 =	sadd.s32 $0x80, s18  }
0x78: {  	s19 =	sand.u32 $0x70, s17;
	s20 =	sand.u32 $0xC00, s18  }
0x79: {  	s19 =	sor.u32 s19, s20  }
0x7a: {  	s17 =	sadd.s32 $0x10, s17;
	[tilespmem:s19+$0xAD00] =	vst v0  }
0x7b: {  	s17 =	simm.s32 $0x10;
	[tilespmem:s16+$0xAD80] =	vst v0  }
.LBB2_22:
0x7c: {  	p0 =	sne.s32 s17, $0x130  }
.Ltmp10:
0x7d: {  	_ = 	snop;
	(pc) =	sbr.rel @p0 .LBB2_22-.Ltmp10, $4  }
0x7e: {  	s15 =	sadd.s32 $0x80, s15  }
0x7f: {  	s16 =	sand.u32 $0x70, s17;
	s18 =	sand.u32 $0xC00, s15  }
0x80: {  	s16 =	sor.u32 s16, s18  }
0x81: {  	s17 =	sadd.s32 $0x10, s17;
	[tilespmem:s16+$0xAD80] =	vst v0;
	s16 =	simm.s32 $0x0  }
0x82: {  	s15 =	sand.u32 $0x70, s16;
	s17 =	sand.u32 $0xC00, s16  }
0x83: {  	s15 =	sor.u32 s15, s17  }
0x84: {  	s18 =	simm.s32 $0x0;
	s17 =	simm.s32 $0x10;
	[tilespmem:s15+$0xAE00] =	vst v0  }
.LBB2_24:
0x85: {  	p0 =	sne.s32 s17, $0x130  }
.Ltmp11:
0x86: {  	_ = 	snop;
	(pc) =	sbr.rel @p0 .LBB2_24-.Ltmp11, $4  }
0x87: {  	s18 =	sadd.s32 $0x80, s18  }
0x88: {  	s19 =	sand.u32 $0x70, s17;
	s20 =	sand.u32 $0xC00, s18  }
0x89: {  	s19 =	sor.u32 s19, s20  }
0x8a: {  	s17 =	sadd.s32 $0x10, s17;
	[tilespmem:s19+$0xAE00] =	vst v0  }
0x8b: {  	s17 =	simm.s32 $0x10;
	[tilespmem:s15+$0xAE80] =	vst v0  }
.LBB2_26:
0x8c: {  	p0 =	sne.s32 s17, $0x130  }
.Ltmp12:
0x8d: {  	_ = 	snop;
	(pc) =	sbr.rel @p0 .LBB2_26-.Ltmp12, $4  }
0x8e: {  	s16 =	sadd.s32 $0x80, s16  }
0x8f: {  	s15 =	sand.u32 $0x70, s17;
	s18 =	sand.u32 $0xC00, s16  }
0x90: {  	s15 =	sor.u32 s15, s18  }
0x91: {  	s17 =	sadd.s32 $0x10, s17;
	[tilespmem:s15+$0xAE80] =	vst v0;
	s15 =	simm.s32 $0x0  }
0x92: {  	s16 =	sand.u32 $0x70, s15;
	s17 =	sand.u32 $0xC00, s15  }
0x93: {  	s17 =	sor.u32 s16, s17  }
0x94: {  	s16 =	simm.s32 $0x10;
	[tilespmem:s17+$0xAF00] =	vst v0;
	s17 =	simm.s32 $0x0  }
.LBB2_28:
0x95: {  	p0 =	sne.s32 s16, $0x130  }
.Ltmp13:
0x96: {  	_ = 	snop;
	(pc) =	sbr.rel @p0 .LBB2_28-.Ltmp13, $4  }
0x97: {  	s17 =	sadd.s32 $0x80, s17  }
0x98: {  	s18 =	sand.u32 $0x70, s16;
	s19 =	sand.u32 $0xC00, s17  }
0x99: {  	s18 =	sor.u32 s18, s19  }
0x9a: {  	s16 =	sadd.s32 $0x10, s16;
	[tilespmem:s18+$0xAF00] =	vst v0  }
0x9b: {  	s16 =	simm.s32 $0x0  }
.LBB2_30:
0x9c: {  	p0 =	sne.s32 s16, $0x130  }
.Ltmp14:
0x9d: {  	_ = 	snop;
	(pc) =	sbr.rel @p0 .LBB2_30-.Ltmp14, $4  }
0x9e: {  	_ = 	snop  }
0x9f: {  	s17 =	sand.u32 $0x70, s16;
	s18 =	sand.u32 $0xC00, s15  }
0xa0: {  	s17 =	sor.u32 s17, s18  }
0xa1: {  	s15 =	sadd.s32 $0x80, s15;
	s16 =	sadd.s32 $0x10, s16;
	[tilespmem:s17+$0xAF80] =	vst v0  }
0xa2: {  	s15 =	simm.s32 $0x1C0  }
.LBB2_32:
0xa3: {  	s16 =	sshra.s32 s15, $0x2  }
0xa4: {  	v3 =	vld [tilespmem:s16+$0xFFFFFF90];
	_ =	sdelay $0x4  }
0xa5: {  	v3 =	vshra.s32 v3, $0x5  }
0xa6: {  	v4 =	vshll.u32 v3, $0x3  }
0xa7: {  	v3 =	vand.u32 $0x7F, v3;
	v4 =	vand.u32 $0xFFFFFC00, v4  }
0xa8: {  	v3 =	vor.u32 v3, v4  }
0xa9: {  	v3 =	vadd.s32 v1, v3;
	_ =	sdelay $0x4  }
0xaa: {  	[tilespmem:v3+s10+$0x0] =	vst.idx.add.s32.msk $0xffff, v2  }
0xab: {  	v3 =	vld [tilespmem:s16+$0xFFFFFFA0];
	_ =	sdelay $0x4  }
0xac: {  	v3 =	vshra.s32 v3, $0x5  }
0xad: {  	v57 =	vshll.u32 v3, $0x3  }
0xae: {  	v3 =	vand.u32 $0x7F, v3;
	v4 =	vand.u32 $0xFFFFFC00, v57  }
0xaf: {  	v3 =	vor.u32 v3, v4  }
0xb0: {  	v3 =	vadd.s32 v1, v3;
	_ =	sdelay $0x4  }
0xb1: {  	[tilespmem:v3+s10+$0x0] =	vst.idx.add.s32.msk $0xffff, v2  }
0xb2: {  	v3 =	vld [tilespmem:s16+$0xFFFFFFB0];
	_ =	sdelay $0x4  }
0xb3: {  	v3 =	vshra.s32 v3, $0x5  }
0xb4: {  	v58 =	vshll.u32 v3, $0x3  }
0xb5: {  	v3 =	vand.u32 $0x7F, v3;
	v4 =	vand.u32 $0xFFFFFC00, v58  }
0xb6: {  	v3 =	vor.u32 v3, v4  }
0xb7: {  	v3 =	vadd.s32 v1, v3;
	_ =	sdelay $0x4  }
0xb8: {  	[tilespmem:v3+s10+$0x0] =	vst.idx.add.s32.msk $0xffff, v2  }
0xb9: {  	v3 =	vld [tilespmem:s16+$0xFFFFFFC0];
	_ =	sdelay $0x4  }
0xba: {  	v3 =	vshra.s32 v3, $0x5  }
0xbb: {  	v59 =	vshll.u32 v3, $0x3  }
0xbc: {  	v3 =	vand.u32 $0x7F, v3;
	v4 =	vand.u32 $0xFFFFFC00, v59  }
0xbd: {  	v3 =	vor.u32 v3, v4  }
0xbe: {  	v3 =	vadd.s32 v1, v3;
	_ =	sdelay $0x4  }
0xbf: {  	[tilespmem:v3+s10+$0x0] =	vst.idx.add.s32.msk $0xffff, v2  }
0xc0: {  	v3 =	vld [tilespmem:s16+$0xFFFFFFD0];
	_ =	sdelay $0x4  }
0xc1: {  	v3 =	vshra.s32 v3, $0x5  }
0xc2: {  	v60 =	vshll.u32 v3, $0x3  }
0xc3: {  	v3 =	vand.u32 $0x7F, v3;
	v4 =	vand.u32 $0xFFFFFC00, v60  }
0xc4: {  	v3 =	vor.u32 v3, v4  }
0xc5: {  	v3 =	vadd.s32 v1, v3;
	_ =	sdelay $0x4  }
0xc6: {  	[tilespmem:v3+s10+$0x0] =	vst.idx.add.s32.msk $0xffff, v2  }
0xc7: {  	v3 =	vld [tilespmem:s16+$0xFFFFFFE0];
	_ =	sdelay $0x4  }
0xc8: {  	v3 =	vshra.s32 v3, $0x5  }
0xc9: {  	v61 =	vshll.u32 v3, $0x3  }
0xca: {  	v3 =	vand.u32 $0x7F, v3;
	v4 =	vand.u32 $0xFFFFFC00, v61  }
0xcb: {  	v3 =	vor.u32 v3, v4  }
0xcc: {  	v3 =	vadd.s32 v1, v3;
	_ =	sdelay $0x4  }
0xcd: {  	[tilespmem:v3+s10+$0x0] =	vst.idx.add.s32.msk $0xffff, v2  }
0xce: {  	v3 =	vld [tilespmem:s16+$0xFFFFFFF0];
	_ =	sdelay $0x4  }
0xcf: {  	v3 =	vshra.s32 v3, $0x5  }
0xd0: {  	v62 =	vshll.u32 v3, $0x3  }
0xd1: {  	v3 =	vand.u32 $0x7F, v3;
	v4 =	vand.u32 $0xFFFFFC00, v62  }
0xd2: {  	v3 =	vor.u32 v3, v4  }
0xd3: {  	v3 =	vadd.s32 v1, v3;
	_ =	sdelay $0x4  }
0xd4: {  	[tilespmem:v3+s10+$0x0] =	vst.idx.add.s32.msk $0xffff, v2  }
0xd5: {  	v3 =	vld [tilespmem:s16+$0x0];
	_ =	sdelay $0x4  }
0xd6: {  	v3 =	vshra.s32 v3, $0x5  }
0xd7: {  	v63 =	vshll.u32 v3, $0x3  }
0xd8: {  	v3 =	vand.u32 $0x7F, v3;
	v4 =	vand.u32 $0xFFFFFC00, v63  }
0xd9: {  	v3 =	vor.u32 v3, v4  }
0xda: {  	p0 =	sne.s32 s15, $0x9FC0;
	v3 =	vadd.s32 v1, v3  }
.Ltmp15:
0xdb: {  	_ = 	snop;
	(pc) =	sbr.rel @p0 .LBB2_32-.Ltmp15, $2  }
0xdc: {  	_ =	sdelay $0x2  }
0xdd: {  	s15 =	sadd.s32 $0x200, s15;
	[tilespmem:v3+s10+$0x0] =	vst.idx.add.s32.msk $0xffff, v2  }
0xde: {  	s17 =	simm.s32 $0x0  }
0xdf: {  	v3 =	vimm.s32 $0x0;
	s19 =	sand.u32 $0x70, s17;
	s18 =	sand.u32 $0xC00, s17  }
0xe0: {  	[tilespmem:$0xD180] =	vst v3;
	s15 =	sor.u32 s19, s18  }
0xe1: {  	v4 =	vld [tilespmem:s15+$0xA080]  }
0xe2: {  	v5 =	vld [tilespmem:s15+$0xA000]  }
0xe3: {  	v6 =	vld [tilespmem:s15+$0xA100]  }
0xe4: {  	v7 =	vld [tilespmem:s15+$0xA180]  }
0xe5: {  	v8 =	vld [tilespmem:s15+$0xA200]  }
0xe6: {  	v9 =	vld [tilespmem:s15+$0xA280]  }
0xe7: {  	v4 =	vadd.s32 v5, v4;
	v5 =	vld [tilespmem:s15+$0xA300]  }
0xe8: {  	v55 =	vld [tilespmem:s15+$0xA380];
	v4 =	vadd.s32 v6, v4  }
0xe9: {  	v56 =	vld [tilespmem:s15+$0xAC00];
	v4 =	vadd.s32 v7, v4  }
0xea: {  	v57 =	vld [tilespmem:s15+$0xAC80];
	v4 =	vadd.s32 v8, v4  }
0xeb: {  	v58 =	vld [tilespmem:s15+$0xAD00];
	v4 =	vadd.s32 v9, v4  }
0xec: {  	v4 =	vadd.s32 v5, v4;
	v5 =	vld [tilespmem:s15+$0xAD80]  }
0xed: {  	v59 =	vld [tilespmem:s15+$0xAE00];
	v4 =	vadd.s32 v55, v4  }
0xee: {  	v60 =	vld [tilespmem:s15+$0xAE80];
	v4 =	vadd.s32 v56, v4  }
0xef: {  	v61 =	vld [tilespmem:s15+$0xAF00];
	v4 =	vadd.s32 v57, v4  }
0xf0: {  	v62 =	vld [tilespmem:s15+$0xAF80];
	v4 =	vadd.s32 v58, v4  }
0xf1: {  	v4 =	vadd.s32 v5, v4  }
0xf2: {  	v4 =	vadd.s32 v59, v4  }
0xf3: {  	v4 =	vadd.s32 v60, v4  }
0xf4: {  	v4 =	vadd.s32 v61, v4  }
0xf5: {  	v4 =	vadd.s32 v62, v4  }
0xf6: {  	(xrf0) =	vadd.scan.msk.s32 $0xffff, v4;
	_ =	sdelay $0x5  }
0xf7: {  	v5, _, _ =	vpop (xrf0)  }
0xf8: {  	v4 =	vsub.s32 v3, v4;
	v63 =	vbroadcast v5, $0xF  }
0xf9: {  	s20 =	simm.s32 $0xD000;
	s22 =	simm.s32 $0x80;
	s15 =	simm.s32 $0x10;
	v4 =	vadd.s32 v5, v4  }
0xfa: {  	s21 =	sand.u32 $0xC00, s22;
	s16 =	sand.u32 $0x70, s15;
	[tilespmem:s20+$0x0] =	vst v4;
	v3 =	vadd.s32 v3, v63  }
0xfb: {  	s23 =	simm.s32 $0x20;
	s24 =	sor.u32 s16, s21;
	s21 =	simm.s32 $0xD000;
	[tilespmem:$0xD180] =	vst v3  }
.LBB2_34:
0xfc: {  	p0 =	sne.s32 s23, $0x130;
	v4 =	vld [tilespmem:s24+$0xA080]  }
0xfd: {  	v5 =	vld [tilespmem:s24+$0xA000]  }
0xfe: {  	v6 =	vld [tilespmem:s24+$0xA100]  }
0xff: {  	v7 =	vld [tilespmem:s24+$0xA180]  }
0x100: {  	v8 =	vld [tilespmem:s24+$0xA200]  }
0x101: {  	v9 =	vld [tilespmem:s24+$0xA280]  }
0x102: {  	v4 =	vadd.s32 v5, v4;
	v5 =	vld [tilespmem:s24+$0xA300]  }
0x103: {  	v4 =	vadd.s32 v6, v4;
	v6 =	vld [tilespmem:s24+$0xA380]  }
0x104: {  	v4 =	vadd.s32 v7, v4;
	v7 =	vld [tilespmem:s24+$0xAC00]  }
0x105: {  	v4 =	vadd.s32 v8, v4;
	v8 =	vld [tilespmem:s24+$0xAC80]  }
0x106: {  	v4 =	vadd.s32 v9, v4;
	v9 =	vld [tilespmem:s24+$0xAD00]  }
0x107: {  	v4 =	vadd.s32 v5, v4;
	v5 =	vld [tilespmem:s24+$0xAD80]  }
0x108: {  	v4 =	vadd.s32 v6, v4;
	v6 =	vld [tilespmem:s24+$0xAE00]  }
0x109: {  	v4 =	vadd.s32 v7, v4;
	v7 =	vld [tilespmem:s24+$0xAE80]  }
0x10a: {  	v4 =	vadd.s32 v8, v4;
	v8 =	vld [tilespmem:s24+$0xAF00]  }
0x10b: {  	v4 =	vadd.s32 v9, v4;
	v9 =	vld [tilespmem:s24+$0xAF80]  }
0x10c: {  	v4 =	vadd.s32 v5, v4  }
0x10d: {  	v4 =	vadd.s32 v6, v4  }
0x10e: {  	v4 =	vadd.s32 v7, v4  }
0x10f: {  	v4 =	vadd.s32 v8, v4  }
0x110: {  	v4 =	vadd.s32 v9, v4  }
0x111: {  	(xrf0) =	vadd.scan.msk.s32 $0xffff, v4;
	_ =	sdelay $0x5  }
.Ltmp16:
0x112: {  	v5, _, _ =	vpop (xrf0);
	(pc) =	sbr.rel @p0 .LBB2_34-.Ltmp16, $4  }
0x113: {  	v4 =	vsub.s32 v3, v4;
	v6 =	vbroadcast v5, $0xF  }
0x114: {  	s22 =	sadd.s32 $0x80, s22;
	s21 =	sadd.s32 $0x10, s21;
	v4 =	vadd.s32 v5, v4  }
0x115: {  	s25 =	sand.u32 $0xC00, s22;
	s24 =	sand.u32 $0x70, s23;
	[tilespmem:s21+$0x0] =	vst v4;
	v3 =	vadd.s32 v3, v6  }
0x116: {  	s23 =	sadd.s32 $0x10, s23;
	s24 =	sor.u32 s24, s25;
	[tilespmem:$0xD180] =	vst v3  }
0x117: {  	v4 =	vld [tilespmem:s24+$0xA080]  }
0x118: {  	v5 =	vld [tilespmem:s24+$0xA000]  }
0x119: {  	v6 =	vld [tilespmem:s24+$0xA100]  }
0x11a: {  	v7 =	vld [tilespmem:s24+$0xA180]  }
0x11b: {  	v8 =	vld [tilespmem:s24+$0xA200]  }
0x11c: {  	v9 =	vld [tilespmem:s24+$0xA280]  }
0x11d: {  	v4 =	vadd.s32 v5, v4;
	v5 =	vld [tilespmem:s24+$0xA300]  }
0x11e: {  	v48 =	vld [tilespmem:s24+$0xA380];
	v4 =	vadd.s32 v6, v4  }
0x11f: {  	v49 =	vld [tilespmem:s24+$0xAC00];
	v4 =	vadd.s32 v7, v4  }
0x120: {  	v50 =	vld [tilespmem:s24+$0xAC80];
	v4 =	vadd.s32 v8, v4  }
0x121: {  	v51 =	vld [tilespmem:s24+$0xAD00];
	v4 =	vadd.s32 v9, v4  }
0x122: {  	v4 =	vadd.s32 v5, v4;
	v5 =	vld [tilespmem:s24+$0xAD80]  }
0x123: {  	v52 =	vld [tilespmem:s24+$0xAE00];
	v4 =	vadd.s32 v48, v4  }
0x124: {  	v53 =	vld [tilespmem:s24+$0xAE80];
	v4 =	vadd.s32 v49, v4  }
0x125: {  	v54 =	vld [tilespmem:s24+$0xAF00];
	v4 =	vadd.s32 v50, v4  }
0x126: {  	v55 =	vld [tilespmem:s24+$0xAF80];
	v4 =	vadd.s32 v51, v4  }
0x127: {  	v4 =	vadd.s32 v5, v4  }
0x128: {  	v4 =	vadd.s32 v52, v4  }
0x129: {  	v4 =	vadd.s32 v53, v4  }
0x12a: {  	v4 =	vadd.s32 v54, v4  }
0x12b: {  	v4 =	vadd.s32 v55, v4  }
0x12c: {  	(xrf0) =	vadd.scan.msk.s32 $0xffff, v4;
	_ =	sdelay $0x5  }
0x12d: {  	v5, _, _ =	vpop (xrf0)  }
0x12e: {  	v4 =	vsub.s32 v3, v4;
	v56 =	vbroadcast v5, $0xF  }
0x12f: {  	s21 =	sadd.s32 $0x10, s21;
	v4 =	vadd.s32 v5, v4  }
0x130: {  	[tilespmem:s21+$0x0] =	vst v4;
	v3 =	vadd.s32 v3, v56  }
0x131: {  	[tilespmem:$0xD180] =	vst v3  }
0x132: {  	s19 =	sor.u32 s19, s18;
	v3 =	vld [tilespmem:s20+$0x0]  }
0x133: {  	v4 =	vld [tilespmem:s19+$0xA000]  }
0x134: {  	v5 =	vld [tilespmem:s19+$0xA080]  }
0x135: {  	v57 =	vld [tilespmem:s19+$0xA100];
	_ =	sdelay $0x2  }
0x136: {  	[tilespmem:s19+$0xB800] =	vst v3;
	v3 =	vadd.s32 v3, v4  }
0x137: {  	s30 =	sor.u32 s18, s17;
	[tilespmem:s19+$0xB880] =	vst v3;
	v3 =	vadd.s32 v3, v5  }
0x138: {  	s18 =	sor.u32 $0x180, s30;
	[tilespmem:s19+$0xB900] =	vst v3;
	v3 =	vadd.s32 v3, v57  }
0x139: {  	[tilespmem:s18+$0xB800] =	vst v3;
	v4 =	vld [tilespmem:s18+$0xA000]  }
0x13a: {  	v5 =	vld [tilespmem:s19+$0xA200]  }
0x13b: {  	v58 =	vld [tilespmem:s19+$0xA280]  }
0x13c: {  	v59 =	vld [tilespmem:s19+$0xA300];
	_ =	sdelay $0x1  }
0x13d: {  	v3 =	vadd.s32 v3, v4  }
0x13e: {  	[tilespmem:s19+$0xBA00] =	vst v3;
	v3 =	vadd.s32 v3, v5  }
0x13f: {  	s31 =	sor.u32 s17, s17;
	[tilespmem:s19+$0xBA80] =	vst v3;
	v3 =	vadd.s32 v3, v58  }
0x140: {  	s17 =	sor.u32 $0x380, s31;
	[tilespmem:s19+$0xBB00] =	vst v3;
	v3 =	vadd.s32 v3, v59  }
0x141: {  	[tilespmem:s17+$0xB800] =	vst v3;
	v4 =	vld [tilespmem:s17+$0xA000]  }
0x142: {  	v5 =	vld [tilespmem:s19+$0xAC00]  }
0x143: {  	v60 =	vld [tilespmem:s19+$0xAC80]  }
0x144: {  	v61 =	vld [tilespmem:s19+$0xAD00]  }
0x145: {  	v62 =	vld [tilespmem:s19+$0xAD80]  }
0x146: {  	v3 =	vadd.s32 v3, v4;
	v4 =	vld [tilespmem:s19+$0xAE00]  }
0x147: {  	[tilespmem:s19+$0xC400] =	vst v3;
	v3 =	vadd.s32 v3, v5;
	v5 =	vld [tilespmem:s19+$0xAE80]  }
0x148: {  	v63 =	vld [tilespmem:s19+$0xAF00];
	[tilespmem:s19+$0xC480] =	vst v3;
	v3 =	vadd.s32 v3, v60  }
0x149: {  	[tilespmem:s19+$0xC500] =	vst v3;
	v3 =	vadd.s32 v3, v61  }
0x14a: {  	[tilespmem:s19+$0xC580] =	vst v3;
	v3 =	vadd.s32 v3, v62  }
0x14b: {  	[tilespmem:s19+$0xC600] =	vst v3;
	v3 =	vadd.s32 v3, v4  }
0x14c: {  	[tilespmem:s19+$0xC680] =	vst v3;
	v3 =	vadd.s32 v3, v5  }
0x14d: {  	s21 =	simm.s32 $0x20;
	s18 =	simm.s32 $0xD010;
	s17 =	simm.s32 $0x80;
	[tilespmem:s19+$0xC700] =	vst v3;
	v3 =	vadd.s32 v3, v63  }
.LBB2_36:
0x14e: {  	s22 =	sand.u32 $0x70, s21  }
0x14f: {  	s23 =	sand.u32 $0xC00, s17;
	[tilespmem:s19+$0xC780] =	vst v3;
	s24 =	smov.u32 s21;
	s20 =	sadd.s32 $0x10, s21  }
0x150: {  	p0 =	sne.s32 s21, $0x130;
	v3 =	vld [tilespmem:s18+$0x0];
	s19 =	sor.u32 s16, s23;
	s16 =	smov.u32 s22  }
0x151: {  	v4 =	vld [tilespmem:s19+$0xA000]  }
0x152: {  	v5 =	vld [tilespmem:s19+$0xA080]  }
0x153: {  	v6 =	vld [tilespmem:s19+$0xA100];
	_ =	sdelay $0x2  }
0x154: {  	[tilespmem:s19+$0xB800] =	vst v3;
	v3 =	vadd.s32 v3, v4  }
0x155: {  	s21 =	sor.u32 s23, s15;
	[tilespmem:s19+$0xB880] =	vst v3;
	v3 =	vadd.s32 v3, v5  }
0x156: {  	s21 =	sor.u32 $0x180, s21;
	[tilespmem:s19+$0xB900] =	vst v3;
	v3 =	vadd.s32 v3, v6  }
0x157: {  	[tilespmem:s21+$0xB800] =	vst v3;
	v4 =	vld [tilespmem:s21+$0xA000]  }
0x158: {  	v5 =	vld [tilespmem:s19+$0xA200]  }
0x159: {  	v6 =	vld [tilespmem:s19+$0xA280]  }
0x15a: {  	v7 =	vld [tilespmem:s19+$0xA300];
	_ =	sdelay $0x1  }
0x15b: {  	v3 =	vadd.s32 v3, v4  }
0x15c: {  	[tilespmem:s19+$0xBA00] =	vst v3;
	v3 =	vadd.s32 v3, v5  }
0x15d: {  	s21 =	sor.u32 s17, s15;
	s15 =	smov.u32 s24;
	[tilespmem:s19+$0xBA80] =	vst v3;
	v3 =	vadd.s32 v3, v6  }
0x15e: {  	s21 =	sor.u32 $0x380, s21;
	[tilespmem:s19+$0xBB00] =	vst v3;
	v3 =	vadd.s32 v3, v7  }
0x15f: {  	[tilespmem:s21+$0xB800] =	vst v3;
	v4 =	vld [tilespmem:s21+$0xA000]  }
0x160: {  	v5 =	vld [tilespmem:s19+$0xAC00]  }
0x161: {  	v6 =	vld [tilespmem:s19+$0xAC80]  }
0x162: {  	v7 =	vld [tilespmem:s19+$0xAD00]  }
0x163: {  	v8 =	vld [tilespmem:s19+$0xAD80]  }
0x164: {  	v3 =	vadd.s32 v3, v4;
	v4 =	vld [tilespmem:s19+$0xAE00]  }
0x165: {  	[tilespmem:s19+$0xC400] =	vst v3;
	v3 =	vadd.s32 v3, v5;
	v5 =	vld [tilespmem:s19+$0xAE80]  }
0x166: {  	[tilespmem:s19+$0xC480] =	vst v3;
	v3 =	vadd.s32 v3, v6;
	v6 =	vld [tilespmem:s19+$0xAF00]  }
.Ltmp17:
0x167: {  	[tilespmem:s19+$0xC500] =	vst v3;
	v3 =	vadd.s32 v3, v7;
	(pc) =	sbr.rel @p0 .LBB2_36-.Ltmp17, $4  }
0x168: {  	[tilespmem:s19+$0xC580] =	vst v3;
	v3 =	vadd.s32 v3, v8  }
0x169: {  	[tilespmem:s19+$0xC600] =	vst v3;
	v3 =	vadd.s32 v3, v4  }
0x16a: {  	[tilespmem:s19+$0xC680] =	vst v3;
	v3 =	vadd.s32 v3, v5  }
0x16b: {  	s18 =	sadd.s32 $0x10, s18;
	s17 =	sadd.s32 $0x80, s17;
	s21 =	smov.u32 s20;
	[tilespmem:s19+$0xC700] =	vst v3;
	v3 =	vadd.s32 v3, v6  }
0x16c: {  	s20 =	sand.u32 $0xC00, s17;
	[tilespmem:s19+$0xC780] =	vst v3  }
0x16d: {  	v3 =	vld [tilespmem:s18+$0x0];
	s16 =	sor.u32 s16, s20  }
0x16e: {  	v4 =	vld [tilespmem:s16+$0xA000]  }
0x16f: {  	v5 =	vld [tilespmem:s16+$0xA080]  }
0x170: {  	v6 =	vld [tilespmem:s16+$0xA100];
	_ =	sdelay $0x2  }
0x171: {  	[tilespmem:s16+$0xB800] =	vst v3;
	v3 =	vadd.s32 v3, v4  }
0x172: {  	s30 =	sor.u32 s20, s15;
	[tilespmem:s16+$0xB880] =	vst v3;
	v3 =	vadd.s32 v3, v5  }
0x173: {  	s18 =	sor.u32 $0x180, s30;
	[tilespmem:s16+$0xB900] =	vst v3;
	v3 =	vadd.s32 v3, v6  }
0x174: {  	[tilespmem:s18+$0xB800] =	vst v3;
	v54 =	vld [tilespmem:s18+$0xA000]  }
0x175: {  	v55 =	vld [tilespmem:s16+$0xA200]  }
0x176: {  	v56 =	vld [tilespmem:s16+$0xA280]  }
0x177: {  	v7 =	vld [tilespmem:s16+$0xA300];
	_ =	sdelay $0x1  }
0x178: {  	v3 =	vadd.s32 v3, v54  }
0x179: {  	[tilespmem:s16+$0xBA00] =	vst v3;
	v3 =	vadd.s32 v3, v55  }
0x17a: {  	s31 =	sor.u32 s17, s15;
	[tilespmem:s16+$0xBA80] =	vst v3;
	v3 =	vadd.s32 v3, v56  }
0x17b: {  	s15 =	sor.u32 $0x380, s31;
	[tilespmem:s16+$0xBB00] =	vst v3;
	v3 =	vadd.s32 v3, v7  }
0x17c: {  	[tilespmem:s15+$0xB800] =	vst v3;
	v57 =	vld [tilespmem:s15+$0xA000]  }
0x17d: {  	v58 =	vld [tilespmem:s16+$0xAC00]  }
0x17e: {  	v59 =	vld [tilespmem:s16+$0xAC80]  }
0x17f: {  	v60 =	vld [tilespmem:s16+$0xAD00]  }
0x180: {  	v8 =	vld [tilespmem:s16+$0xAD80]  }
0x181: {  	v61 =	vld [tilespmem:s16+$0xAE00];
	v3 =	vadd.s32 v3, v57  }
0x182: {  	v62 =	vld [tilespmem:s16+$0xAE80];
	[tilespmem:s16+$0xC400] =	vst v3;
	v3 =	vadd.s32 v3, v58  }
0x183: {  	v63 =	vld [tilespmem:s16+$0xAF00];
	[tilespmem:s16+$0xC480] =	vst v3;
	v3 =	vadd.s32 v3, v59  }
0x184: {  	[tilespmem:s16+$0xC500] =	vst v3;
	v3 =	vadd.s32 v3, v60  }
0x185: {  	[tilespmem:s16+$0xC580] =	vst v3;
	v3 =	vadd.s32 v3, v8  }
0x186: {  	[tilespmem:s16+$0xC600] =	vst v3;
	v3 =	vadd.s32 v3, v61  }
0x187: {  	[tilespmem:s16+$0xC680] =	vst v3;
	v3 =	vadd.s32 v3, v62  }
0x188: {  	[tilespmem:s16+$0xC700] =	vst v3;
	v3 =	vadd.s32 v3, v63  }
0x189: {  	s15 =	simm.s32 $0x0;
	[tilespmem:s16+$0xC780] =	vst v3  }
.LBB2_38:
0x18a: {  	s16 =	sshra.s32 s15, $0x2  }
0x18b: {  	v3 =	vld [tilespmem:s16+$0x0];
	_ =	sdelay $0x4  }
0x18c: {  	v4 =	vshra.s32 v3, $0x5  }
0x18d: {  	v5 =	vshll.u32 v4, $0x3  }
0x18e: {  	v4 =	vand.u32 $0x7F, v4;
	v5 =	vand.u32 $0xFFFFFC00, v5  }
0x18f: {  	v4 =	vor.u32 v4, v5  }
0x190: {  	v4 =	vadd.s32 v1, v4;
	_ =	sdelay $0x4  }
0x191: {  	v42 =	vld.idx.msk [tilespmem:v4+s11+$0x0], $0xffff;
	_ =	sdelay $0x3  }
0x192: {  	v6 =	vld [tilespmem:s16+$0x2800];
	_ =	sdelay $0x2  }
0x193: {  	[tilespmem:v4+s11+$0x0] =	vst.idx.add.s32.msk $0xffff, v2  }
0x194: {  	[tilespmem:v42+s12+$0x0] =	vst.idx.msk $0xffff, v3  }
0x195: {  	[tilespmem:v42+s13+$0x0] =	vst.idx.msk $0xffff, v6  }
0x196: {  	v3 =	vld [tilespmem:s16+$0x10];
	_ =	sdelay $0x4  }
0x197: {  	v43 =	vshra.s32 v3, $0x5  }
0x198: {  	v44 =	vshll.u32 v43, $0x3  }
0x199: {  	v4 =	vand.u32 $0x7F, v43;
	v5 =	vand.u32 $0xFFFFFC00, v44  }
0x19a: {  	v4 =	vor.u32 v4, v5  }
0x19b: {  	v4 =	vadd.s32 v1, v4;
	_ =	sdelay $0x4  }
0x19c: {  	v45 =	vld.idx.msk [tilespmem:v4+s11+$0x0], $0xffff;
	_ =	sdelay $0x3  }
0x19d: {  	v6 =	vld [tilespmem:s16+$0x2810];
	_ =	sdelay $0x2  }
0x19e: {  	[tilespmem:v4+s11+$0x0] =	vst.idx.add.s32.msk $0xffff, v2  }
0x19f: {  	[tilespmem:v45+s12+$0x0] =	vst.idx.msk $0xffff, v3  }
0x1a0: {  	[tilespmem:v45+s13+$0x0] =	vst.idx.msk $0xffff, v6  }
0x1a1: {  	v3 =	vld [tilespmem:s16+$0x20];
	_ =	sdelay $0x4  }
0x1a2: {  	v46 =	vshra.s32 v3, $0x5  }
0x1a3: {  	v47 =	vshll.u32 v46, $0x3  }
0x1a4: {  	v4 =	vand.u32 $0x7F, v46;
	v5 =	vand.u32 $0xFFFFFC00, v47  }
0x1a5: {  	v4 =	vor.u32 v4, v5  }
0x1a6: {  	v4 =	vadd.s32 v1, v4;
	_ =	sdelay $0x4  }
0x1a7: {  	v48 =	vld.idx.msk [tilespmem:v4+s11+$0x0], $0xffff;
	_ =	sdelay $0x3  }
0x1a8: {  	v6 =	vld [tilespmem:s16+$0x2820];
	_ =	sdelay $0x2  }
0x1a9: {  	[tilespmem:v4+s11+$0x0] =	vst.idx.add.s32.msk $0xffff, v2  }
0x1aa: {  	[tilespmem:v48+s12+$0x0] =	vst.idx.msk $0xffff, v3  }
0x1ab: {  	[tilespmem:v48+s13+$0x0] =	vst.idx.msk $0xffff, v6  }
0x1ac: {  	v3 =	vld [tilespmem:s16+$0x30];
	_ =	sdelay $0x4  }
0x1ad: {  	v49 =	vshra.s32 v3, $0x5  }
0x1ae: {  	v50 =	vshll.u32 v49, $0x3  }
0x1af: {  	v4 =	vand.u32 $0x7F, v49;
	v5 =	vand.u32 $0xFFFFFC00, v50  }
0x1b0: {  	v4 =	vor.u32 v4, v5  }
0x1b1: {  	v4 =	vadd.s32 v1, v4;
	_ =	sdelay $0x4  }
0x1b2: {  	v51 =	vld.idx.msk [tilespmem:v4+s11+$0x0], $0xffff;
	_ =	sdelay $0x3  }
0x1b3: {  	v6 =	vld [tilespmem:s16+$0x2830];
	_ =	sdelay $0x2  }
0x1b4: {  	[tilespmem:v4+s11+$0x0] =	vst.idx.add.s32.msk $0xffff, v2  }
0x1b5: {  	[tilespmem:v51+s12+$0x0] =	vst.idx.msk $0xffff, v3  }
0x1b6: {  	[tilespmem:v51+s13+$0x0] =	vst.idx.msk $0xffff, v6  }
0x1b7: {  	v3 =	vld [tilespmem:s16+$0x40];
	_ =	sdelay $0x4  }
0x1b8: {  	v52 =	vshra.s32 v3, $0x5  }
0x1b9: {  	v53 =	vshll.u32 v52, $0x3  }
0x1ba: {  	v4 =	vand.u32 $0x7F, v52;
	v5 =	vand.u32 $0xFFFFFC00, v53  }
0x1bb: {  	v4 =	vor.u32 v4, v5  }
0x1bc: {  	v4 =	vadd.s32 v1, v4;
	_ =	sdelay $0x4  }
0x1bd: {  	v54 =	vld.idx.msk [tilespmem:v4+s11+$0x0], $0xffff;
	_ =	sdelay $0x3  }
0x1be: {  	v6 =	vld [tilespmem:s16+$0x2840];
	_ =	sdelay $0x2  }
0x1bf: {  	[tilespmem:v4+s11+$0x0] =	vst.idx.add.s32.msk $0xffff, v2  }
0x1c0: {  	[tilespmem:v54+s12+$0x0] =	vst.idx.msk $0xffff, v3  }
0x1c1: {  	[tilespmem:v54+s13+$0x0] =	vst.idx.msk $0xffff, v6  }
0x1c2: {  	v3 =	vld [tilespmem:s16+$0x50];
	_ =	sdelay $0x4  }
0x1c3: {  	v55 =	vshra.s32 v3, $0x5  }
0x1c4: {  	v56 =	vshll.u32 v55, $0x3  }
0x1c5: {  	v4 =	vand.u32 $0x7F, v55;
	v5 =	vand.u32 $0xFFFFFC00, v56  }
0x1c6: {  	v4 =	vor.u32 v4, v5  }
0x1c7: {  	v4 =	vadd.s32 v1, v4;
	_ =	sdelay $0x4  }
0x1c8: {  	v57 =	vld.idx.msk [tilespmem:v4+s11+$0x0], $0xffff;
	_ =	sdelay $0x3  }
0x1c9: {  	v6 =	vld [tilespmem:s16+$0x2850];
	_ =	sdelay $0x2  }
0x1ca: {  	[tilespmem:v4+s11+$0x0] =	vst.idx.add.s32.msk $0xffff, v2  }
0x1cb: {  	[tilespmem:v57+s12+$0x0] =	vst.idx.msk $0xffff, v3  }
0x1cc: {  	[tilespmem:v57+s13+$0x0] =	vst.idx.msk $0xffff, v6  }
0x1cd: {  	v3 =	vld [tilespmem:s16+$0x60];
	_ =	sdelay $0x4  }
0x1ce: {  	v58 =	vshra.s32 v3, $0x5  }
0x1cf: {  	v59 =	vshll.u32 v58, $0x3  }
0x1d0: {  	v4 =	vand.u32 $0x7F, v58;
	v5 =	vand.u32 $0xFFFFFC00, v59  }
0x1d1: {  	v4 =	vor.u32 v4, v5  }
0x1d2: {  	v4 =	vadd.s32 v1, v4;
	_ =	sdelay $0x4  }
0x1d3: {  	v60 =	vld.idx.msk [tilespmem:v4+s11+$0x0], $0xffff;
	_ =	sdelay $0x3  }
0x1d4: {  	v6 =	vld [tilespmem:s16+$0x2860];
	_ =	sdelay $0x2  }
0x1d5: {  	[tilespmem:v4+s11+$0x0] =	vst.idx.add.s32.msk $0xffff, v2  }
0x1d6: {  	[tilespmem:v60+s12+$0x0] =	vst.idx.msk $0xffff, v3  }
0x1d7: {  	[tilespmem:v60+s13+$0x0] =	vst.idx.msk $0xffff, v6  }
0x1d8: {  	v3 =	vld [tilespmem:s16+$0x70];
	_ =	sdelay $0x4  }
0x1d9: {  	v61 =	vshra.s32 v3, $0x5  }
0x1da: {  	v62 =	vshll.u32 v61, $0x3  }
0x1db: {  	v4 =	vand.u32 $0x7F, v61;
	v5 =	vand.u32 $0xFFFFFC00, v62  }
0x1dc: {  	v4 =	vor.u32 v4, v5  }
0x1dd: {  	v4 =	vadd.s32 v1, v4;
	_ =	sdelay $0x4  }
0x1de: {  	v63 =	vld.idx.msk [tilespmem:v4+s11+$0x0], $0xffff;
	_ =	sdelay $0x3  }
0x1df: {  	p0 =	sne.s32 s15, $0x9E00;
	v6 =	vld [tilespmem:s16+$0x2870]  }
.Ltmp18:
0x1e0: {  	_ = 	snop;
	(pc) =	sbr.rel @p0 .LBB2_38-.Ltmp18, $4  }
0x1e1: {  	_ = 	snop  }
0x1e2: {  	[tilespmem:v4+s11+$0x0] =	vst.idx.add.s32.msk $0xffff, v2  }
0x1e3: {  	[tilespmem:v63+s12+$0x0] =	vst.idx.msk $0xffff, v3  }
0x1e4: {  	s15 =	sadd.s32 $0x200, s15;
	[tilespmem:v63+s13+$0x0] =	vst.idx.msk $0xffff, v6  }
0x1e5: {  	[hbm4b:s5+s2] =	stream.linear.scatter [tilespmem:s12], [sflag:$0x1], $0x2800, $0x38;
	[tilespmem:$0xD200] =	vst v63  }
0x1e6: {  	s14 =	sadd.s32 $0x1, s14;
	_ =	swait.ge [sflag:s8], $0x2800  }
0x1e7: {  	p0 =	sne.s32 s14, s7;
	[sflag:s8] =	ssyncset.done $0x0  }
.Ltmp19:
0x1e8: {  	[sflag:s8] =	ssyncadd.s32 $0xFFFFD800;
	(pc) =	sbr.rel @p0 .LBB2_1-.Ltmp19, $4  }
0x1e9: {  	[hbm4b:s6+s2] =	stream.linear.scatter [tilespmem:s13], [sflag:$0x1], $0x2800, $0x38;
	[tilespmem:$0xD200] =	vst v63  }
0x1ea: {  	_ =	swait.ge [sflag:s8], $0x2800  }
0x1eb: {  	[sflag:s8] =	ssyncset.done $0x0  }
0x1ec: {  	[sflag:s8] =	ssyncadd.s32 $0xFFFFD800  }
0x1ed: {  	_ =	sfence.sel $0x180000  }
0x1ee: {  	[bflag:$0x0] =	sbarrier.arrive $0xFFFF  }
0x1ef: {  	p0 =	sne.s32 s0, $0x0;
	_ =	strace $0x9000004A  }
0x1f0: {  	s0 =	sadd.s32 @!p0 $0x100000, s1;
	[bflag:$0x2] =	sbarrier.arrive $0xFFFF  }
0x1f1: {  	[sflag:s0] =	ssyncadd.tile.s32 @!p0 $0x1;
	_ =	shalt  }
.Lfunc_end2:
_tile_overlayer_lowered:
.L_overlay_start_2:
0x1f2: {  	(tag) =	ssettag $0x2  }
0x1f3: {  	s0 =	rddreg [dreg:$0x0];
	s2 =	stileid.u32  }
0x1f4: {  	s1 =	rddreg [dreg:$0x1];
	p0 =	sne.s32 s2, $0x0  }
0x1f5: {  	s3 =	rddreg [dreg:$0x2];
	[bflag:$0x3] =	sbarrier.arrive $0xFFFF;
	s2 =	simm.s32 @!p0 $0x1C01  }
0x1f6: {  	[timem:s3], [sflag:s2] =	dma.local @!p0 [hbm:s0], s1  }
0x1f7: {  	s0 =	simm.s32 @!p0 $0x1  }
0x1f8: {  	_ =	swait.ge @!p0 [sflag:s0], s1  }
0x1f9: {  	s1 =	ssub.s32 @!p0 $0x0, s1;
	[sflag:s0] =	ssyncset.done @!p0 $0x0  }
0x1fa: {  	[sflag:s0] =	ssyncadd.s32 @!p0 s1  }
0x1fb: {  	[bflag:$0x3] =	sbarrier.arrive $0xFFFF  }
0x1fc: {  	_ =	shalt  }

// kernel: kernel.16.cloned.1.call-start
scs
__scs_entry_jumppad:
0x0: {  	(pc) =	sbr.rel $0x88, $3  }
0x1: {  	(tag) =	ssettag $0x0;
	lr =	simm.s32 $0x1  }
0x2: {  	[smem:$0x3F9B] =	sst lr;
	_ =	strace $0xD0000000  }
0x3: {  	_ = 	snop  }
0x4: {  	_ = 	snop  }
0x5: {  	_ = 	snop  }
0x6: {  	_ = 	snop  }
0x7: {  	_ = 	snop  }
__scs_overlays_trampoline_lowered:
0x8: {  	[smem:$0x3FAA] =	sst s0  }
0x9: {  	[smem:$0x3FAB] =	sst s1  }
0xa: {  	[smem:$0x3FAC] =	sst s2  }
0xb: {  	[smem:$0x3FAD] =	sst s3  }
0xc: {  	[smem:$0x3FAE] =	sst s4  }
0xd: {  	[smem:$0x3FAF] =	sst s5  }
0xe: {  	[smem:$0x3FB0] =	sst s6  }
0xf: {  	[smem:$0x3FB1] =	sst s7  }
0x10: {  	[smem:$0x3FB2] =	sst s8  }
0x11: {  	[smem:$0x3FB3] =	sst s9;
	s0 =	simm.s32 @!p0 $0x0  }
0x12: {  	s1 =	sld [smem:$0x3F99];
	s0 =	simm.s32 @p0 $0x1  }
0x13: {  	[smem:$0x3FB4] =	sst s0;
	s0 =	simm.s32 @!p1 $0x0  }
0x14: {  	s2 =	sld [smem:$0x3F98];
	s0 =	simm.s32 @p1 $0x1  }
0x15: {  	[smem:$0x3FB5] =	sst s0;
	s0 =	simm.s32 @!p2 $0x0  }
0x16: {  	s3 =	sld [smem:$0x3FDB];
	s0 =	simm.s32 @p2 $0x1  }
0x17: {  	s4 =	simm.s32 $0x1BF5;
	[smem:$0x3FB7] =	sst s0  }
0x18: {  	s0 =	sld [smem:$0x3F9A];
	_ =	swait.ge [sflag:s4], $0x0  }
0x19: {  	s7 =	sld [smem:$0x3F9B]  }
0x1a: {  	s8 =	sadd.s32 $0xFFFFE003, lr  }
0x1b: {  	s9 =	sadd.s32 $0xFFFFFEF7, lr;
	s5 =	simm.s32 $0xFFFFFFFF;
	p2 =	slt.u32 s8, $0xFFFFF086  }
0x1c: {  	p1 =	slt.u32 s9, $0xF7A;
	s5 =	simm.s32 @!p2 $0x0  }
0x1d: {  	s5 =	simm.s32 @p1 $0x1;
	p0 =	seq.s32 s7, s2  }
0x1e: {  	s7 =	smul.u32 @!p0 $0xF7A, s2;
	p2 =	seq.s32 @!p0 s5, $0x0  }
0x1f: {  	s9 =	smul.u32 $0xF7A, s1;
	s8 =	simm.s32 @!p0 $0x1BF5;
	p2 =	por !p2, p0  }
0x20: {  	[sflag:s8] =	ssyncset.s32 @!p0 $0xFFFFF086;
	s6 =	sadd.s32 @!p0 s3, s7;
	s7 =	simm.s32 @!p0 $0x108  }
0x21: {  	s3 =	sadd.s32 s3, s9;
	s6 =	sadd.s32 @!p0 $0x88, s6;
	s7 =	simm.s32 @p2 $0x1082  }
0x22: {  	[simem:s7], [sflag:s8] =	dma.local @!p0 [hbm:s6], $0xF7A  }
0x23: {  	s9 =	sor.u32 $0xD0000000, s2;
	s6 =	simm.s32 $0x108;
	_ =	swait.ge @!p0 [sflag:s8], $0x0  }
0x24: {  	s3 =	sadd.s32 $0x88, s3;
	s6 =	simm.s32 @!p1 $0x1082;
	[sflag:s4] =	ssyncset.s32 $0xFFFFF086  }
0x25: {  	[simem:s6], [sflag:s4] =	dma.local [hbm:s3], $0xF7A  }
0x26: {  	[smem:$0x3F9B] =	sst s1;
	(tag) =	ssettag s2;
	_ =	strace s9  }
0x27: {  	s1 =	sld [smem:$0x3FAB]  }
0x28: {  	s2 =	sld [smem:$0x3FAC]  }
0x29: {  	s4 =	sld [smem:$0x3FAE]  }
0x2a: {  	p0 =	seq.s32 s5, $0x0;
	s5 =	sld [smem:$0x3FAF]  }
0x2b: {  	s6 =	sld [smem:$0x3FB0]  }
0x2c: {  	s7 =	sld [smem:$0x3FB1]  }
0x2d: {  	s3 =	simm.s32 $0x108;
	s8 =	sld [smem:$0x3FB2]  }
0x2e: {  	s3 =	simm.s32 @!p0 $0x1082;
	s9 =	sld [smem:$0x3FB3]  }
0x2f: {  	lr =	sadd.s32 s0, s3;
	s0 =	sld [smem:$0x3FAA]  }
0x30: {  	s3 =	sld [smem:$0x3FAD]  }
0x31: {  	[smem:$0x3FB6] =	sst s10  }
0x32: {  	s10 =	sld [smem:$0x3FB4];
	_ =	sdelay $0x3  }
0x33: {  	p0 =	seq.s32 s10, $0x1;
	s10 =	sld [smem:$0x3FB6];
	_ =	sdelay $0x3  }
0x34: {  	[smem:$0x3FB6] =	sst s10  }
0x35: {  	s10 =	sld [smem:$0x3FB5];
	_ =	sdelay $0x3  }
0x36: {  	p1 =	seq.s32 s10, $0x1;
	s10 =	sld [smem:$0x3FB6];
	_ =	sdelay $0x3  }
0x37: {  	[smem:$0x3FB6] =	sst s10  }
0x38: {  	s10 =	sld [smem:$0x3FB7]  }
0x39: {  	_ = 	snop;
	(pc) =	sbr.ind lr, $3  }
0x3a: {  	_ = 	snop  }
0x3b: {  	_ = 	snop  }
0x3c: {  	p2 =	seq.s32 s10, $0x1;
	s10 =	sld [smem:$0x3FB6]  }
0x3d: {  	_ =	shalt  }
0x3e: {  	_ =	shalt  }
0x3f: {  	_ =	shalt  }
0x40: {  	_ =	shalt  }
0x41: {  	_ =	shalt  }
0x42: {  	_ =	shalt  }
0x43: {  	_ =	shalt  }
0x44: {  	_ =	shalt  }
0x45: {  	_ =	shalt  }
0x46: {  	_ =	shalt  }
0x47: {  	_ =	shalt  }
0x48: {  	_ =	shalt  }
0x49: {  	_ =	shalt  }
0x4a: {  	_ =	shalt  }
0x4b: {  	_ =	shalt  }
0x4c: {  	_ =	shalt  }
0x4d: {  	_ =	shalt  }
0x4e: {  	_ =	shalt  }
0x4f: {  	_ =	shalt  }
0x50: {  	_ =	shalt  }
0x51: {  	_ =	shalt  }
0x52: {  	_ =	shalt  }
0x53: {  	_ =	shalt  }
0x54: {  	_ =	shalt  }
0x55: {  	_ =	shalt  }
0x56: {  	_ =	shalt  }
0x57: {  	_ =	shalt  }
0x58: {  	_ =	shalt  }
0x59: {  	_ =	shalt  }
0x5a: {  	_ =	shalt  }
0x5b: {  	_ =	shalt  }
0x5c: {  	_ =	shalt  }
0x5d: {  	_ =	shalt  }
0x5e: {  	_ =	shalt  }
0x5f: {  	_ =	shalt  }
0x60: {  	_ =	shalt  }
0x61: {  	_ =	shalt  }
0x62: {  	_ =	shalt  }
0x63: {  	_ =	shalt  }
0x64: {  	_ =	shalt  }
0x65: {  	_ =	shalt  }
0x66: {  	_ =	shalt  }
0x67: {  	_ =	shalt  }
0x68: {  	_ =	shalt  }
0x69: {  	_ =	shalt  }
0x6a: {  	_ =	shalt  }
0x6b: {  	_ =	shalt  }
0x6c: {  	_ =	shalt  }
0x6d: {  	_ =	shalt  }
0x6e: {  	_ =	shalt  }
0x6f: {  	_ =	shalt  }
0x70: {  	_ =	shalt  }
0x71: {  	_ =	shalt  }
0x72: {  	_ =	shalt  }
0x73: {  	_ =	shalt  }
0x74: {  	_ =	shalt  }
0x75: {  	_ =	shalt  }
0x76: {  	_ =	shalt  }
0x77: {  	_ =	shalt  }
0x78: {  	_ =	shalt  }
0x79: {  	_ =	shalt  }
0x7a: {  	_ =	shalt  }
0x7b: {  	_ =	shalt  }
0x7c: {  	_ =	shalt  }
0x7d: {  	_ =	shalt  }
0x7e: {  	_ =	shalt  }
0x7f: {  	_ =	shalt  }
0x80: {  	_ =	shalt  }
0x81: {  	_ =	shalt  }
0x82: {  	_ =	shalt  }
0x83: {  	_ =	shalt  }
0x84: {  	_ =	shalt  }
0x85: {  	_ =	shalt  }
0x86: {  	_ =	shalt  }
0x87: {  	_ =	shalt  }
.Lfunc_end0:
.L_simem_size_0:
called_computation.2_lowered:
.L_overlay_start_0:
0x88: {  	s2 =	sld [smem:$0x3FD9]  }
0x89: {  	s3 =	sld [smem:$0x3FFE];
	_ =	sdelay $0x1  }
0x8a: {  	s1 =	srdreg.scid  }
0x8b: {  	s0 =	sand.u32 $0x1, s1  }
0x8c: {  	s17 =	sshll.u32 s0, $0xA;
	s2 =	sadd.s32 s3, s2  }
0x8d: {  	s2 =	sadd.s32 s2, s17  }
0x8e: {  	[smem:$0x3FC2] =	sst s2  }
0x8f: {  	_ = 	snop  }
0x90: {  	s2 =	sld [smem:$0x3FD0];
	(tm) =	ssettm $0x1  }
0x91: {  	s18 =	sld [smem:$0x3FFB];
	_ =	sdelay $0x3  }
0x92: {  	_ =	strace s18  }
0x93: {  	s3 =	sld [smem:$0x3FFC];
	_ =	sdelay $0x3  }
0x94: {  	_ =	strace s3  }
0x95: {  	s3 =	sld [smem:$0x3FFD];
	_ =	sdelay $0x3  }
0x96: {  	_ =	strace s3  }
0x97: {  	_ =	strace $0x8FFFFFFF  }
0x98: {  	s19 =	sld [smem:$0x3FDB];
	_ =	sdelay $0x1  }
0x99: {  	s4 =	simm.s32 $_scs_section_size  }
0x9a: {  	s5 =	simm.s32 $_size__tile_overlayer_lowered;
	s6 =	simm.s32 $_tile_overlayer_lowered  }
0x9b: {  	s22 =	simm.s32 $0x1BFF;
	s21 =	sshll.u32 s6, $0x1;
	s3 =	sadd.s32 s4, s19  }
0x9c: {  	s7 =	simm.s32 $0x0;
	s20 =	sshll.u32 s5, $0x1;
	s5 =	sadd.s32 s21, s3  }
0x9d: {  	[timem:s7], [sflag:s22] =	dma.local [hbm:s5], s20  }
0x9e: {  	_ =	swait.ge [sflag:s22], s20  }
0x9f: {  	s4 =	ssub.s32 $0x0, s20;
	[sflag:s22] =	ssyncset.done $0x0  }
0xa0: {  	[sflag:s22] =	ssyncadd.s32 s4;
	_ =	sdelay $0x1  }
0xa1: {  	s23 =	simm.s32 $0x1B8B  }
0xa2: {  	_ =	swait.ge [sflag:s23], $0x1  }
0xa3: {  	[sflag:s23] =	ssyncset.done $0x0  }
0xa4: {  	s25 =	simm.s32 $0x1B8E;
	s24 =	sld [smem:$0x3FFE];
	[sflag:s23] =	ssyncadd.s32 $0xFFFFFFFF  }
0xa5: {  	s26 =	simm.s32 $execute0_lowered;
	[smem:$0x3FD2] =	sst s25  }
0xa6: {  	s5 =	sshll.u32 s26, $0x1;
	_ =	strace $0x8000004C;
	[dreg:$0x1] =	wrdreg $0xFFFFFFFF  }
0xa7: {  	s28 =	simm.s32 $_size_execute0_lowered;
	s3 =	sadd.s32 s3, s5;
	[dreg:$0x0] =	wrdreg $0x0  }
0xa8: {  	s5 =	sshll.u32 s28, $0x1;
	[dreg:$0x2] =	wrdreg s3  }
0xa9: {  	[dreg:$0x3] =	wrdreg s5  }
0xaa: {  	[dreg:$0x4] =	wrdreg $0xC0  }
0xab: {  	_ =	task [dreg:s7], $0x5FFFF  }
0xac: {  	[dreg:$0x1] =	wrdreg $0xFFFFFFFF  }
0xad: {  	[dreg:$0x0] =	wrdreg $0x60  }
0xae: {  	[dreg:$0x2] =	wrdreg s24  }
0xaf: {  	[dreg:$0x3] =	wrdreg s2  }
0xb0: {  	[dreg:$0x4] =	wrdreg $0x88000  }
0xb1: {  	[dreg:$0x5] =	wrdreg $0x9  }
0xb2: {  	_ =	task.clear_ibuf [dreg:s7], $0x6FFFF;
	_ =	strace $0x9000004C  }
0xb3: {  	s29 =	simm.s32 $0x9;
	_ =	strace $0x8000004E  }
0xb4: {  	_ =	swait.ge [sflag:s29], $0x1  }
0xb5: {  	[sflag:s29] =	ssyncadd.s32 $0xFFFFFFFF  }
0xb6: {  	_ =	strace $0x9000004E  }
0xb7: {  	_ =	sfence  }
0xb8: {  	s30 =	sld [smem:$0x0];
	_ =	sdelay $0x2  }
0xb9: {  	s31 =	sshll.u32 s1, $0xD;
	s1 =	sshrl.u32 s1, $0x2  }
0xba: {  	s3 =	sand.u32 $0x4000, s31;
	s1 =	sadd.s32 s1, s30  }
0xbb: {  	s0 =	sor.u32 s3, s0;
	s1 =	sshll.u32 s1, $0x11  }
0xbc: {  	s0 =	sor.u32 s1, s0  }
0xbd: {  	s0 =	sadd.s32 $0x8F2B, s0  }
0xbe: {  	[sflag:s0] =	ssyncadd.remote.s32 $0x1  }
0xbf: {  	_ =	sfence.sel $0xFFFF  }
0xc0: {  	[dreg:$0x0] =	wrdreg $0xFFFFFFFF;
	(pc) =	sbr.abs _section_cstart, $3  }
0xc1: {  	[dreg:$0x1] =	wrdreg $0xFFFFFFFF  }
0xc2: {  	_ =	task.clear_ibuf [dreg:s7], $0x2FFFF;
	_ =	strace $0x9FFFFFFF  }
0xc3: {  	(tm) =	ssettm $0x7FFFFFFF  }
tec
execute0_lowered:
.L_overlay_start_1:
0x0: {  	(tag) =	ssettag $0x1  }
0x1: {  	s0 =	rddreg [dreg:$0x0]  }
0x2: {  	s2 =	rddreg [dreg:$0x2]  }
0x3: {  	s1 =	srdreg.scid;
	s4 =	simm.s32 $0x0;
	s9 =	stileid.u32  }
0x4: {  	s12 =	simm.s32 $0x3;
	s13 =	simm.s32 $0x400;
	s14 =	simm.s32 $0x80  }
0x5: {  	s15 =	simm.s32 $0x800;
	s16 =	simm.s32 $0x4800;
	s17 =	simm.s32 $0x1  }
0x6: {  	s18 =	simm.s32 $0x100;
	s19 =	simm.s32 $0x2;
	s20 =	simm.s32 $0x480  }
0x7: {  	s21 =	simm.s32 $0x180;
	s28 =	simm.s32 $0x300;
	s6 =	smul.u32 $0x14000, s9  }
0x8: {  	s29 =	simm.s32 $0x680;
	s30 =	simm.s32 $0x380;
	s22 =	smul.u32 $0x50000, s9  }
0x9: {  	s1 =	sand.u32 $0x1, s1;
	s8 =	sshll.u32 s9, $0x6;
	s9 =	smul.u32 $0x500, s9  }
0xa: {  	s31 =	simm.s32 $0x700;
	[smem:$0x7FF] =	sst s4;
	s3 =	smul.u32 $0x140000, s1  }
0xb: {  	s5 =	sadd.s32 $0xC4800, s0;
	s7 =	smul.u32 $0x5000, s1;
	s1 =	ssub.s32 $0x2, s1  }
0xc: {  	_ =	strace $0x8000004D;
	s23 =	sshrl.u32 s1, $0x1;
	s3 =	sadd.s32 s6, s3  }
0xd: {  	s7 =	sadd.s32 s7, s0;
	s6 =	sshrl.u32 s22, $0x2;
	s1 =	ssub.s32 s1, s23  }
0xe: {  	s22 =	simm.s32 $0x500;
	s23 =	simm.s32 $0x200;
	s3 =	sshrl.u32 s3, $0x3  }
0xf: {  	s24 =	sadd.s32 s6, s2;
	s6 =	sor.u32 $0x1C03, s8;
	s25 =	smax.u32 s1, $0x1  }
0x10: {  	s26 =	sadd.s32 s9, s7;
	s0 =	sadd.s32 s3, s0;
	[dreg:$0x6] =	wrdreg s25  }
0x11: {  	s9 =	sadd.s32 $0xBA800, s26;
	s10 =	sadd.s32 $0xB0800, s26;
	s7 =	sshrl.u32 s24, $0x3  }
0x12: {  	s24 =	simm.s32 $0x580;
	s25 =	simm.s32 $0x280;
	[dreg:$0x4] =	wrdreg s6  }
0x13: {  	s26 =	simm.s32 $0x600;
	s0 =	sadd.s32 $0xEC800, s0;
	[dreg:$0x7] =	wrdreg s7  }
0x14: {  	s3 =	simm.s32 $0x0;
	[dreg:$0x5] =	wrdreg s0;
	s0 =	simm.s32 $0x780  }
.LBB2_1:
0x15: {  	s1 =	rddreg [dreg:$0x1]  }
0x16: {  	[spmem:s7], [sflag:s6] =	dma.local [hbm:s1], $0x2800  }
0x17: {  	_ =	swait.ge [sflag:s12], $0x2800  }
0x18: {  	[sflag:s12] =	ssyncset.done $0x0  }
0x19: {  	[sflag:s12] =	ssyncadd.s32 $0xFFFFD800  }
0x1a: {  	s8 =	sadd.s32 $0x0, s10;
	[bflag:$0x0] =	sbarrier.arrive $0xFFFF  }
0x1b: {  	[tilespmem:s4], [sflag:$0x3] =	stream.linear.gather [hbm4b:s8+s4], $0x400, $0x38;
	[tilespmem:$0x1C800] =	vst v63  }
0x1c: {  	_ =	swait.ge [sflag:s12], $0x400  }
0x1d: {  	[sflag:s12] =	ssyncset.done $0x0  }
0x1e: {  	s11 =	sadd.s32 $0x0, s9;
	[sflag:s12] =	ssyncadd.s32 $0xFFFFFC00  }
0x1f: {  	[tilespmem:s13], [sflag:$0x3] =	stream.linear.gather [hbm4b:s11+s4], $0x400, $0x38;
	[tilespmem:$0x1C800] =	vst v63  }
0x20: {  	_ =	swait.ge [sflag:s12], $0x400  }
0x21: {  	[sflag:s12] =	ssyncset.done $0x0  }
0x22: {  	[sflag:s12] =	ssyncadd.s32 $0xFFFFFC00  }
0x23: {  	[tilespmem:s15], [sflag:$0x1] =	stream.indirect.gather [hbm4b:s5+s14], $0x80, s4, s14, $0xb8;
	[tilespmem:$0x1C800] =	vst v63  }
0x24: {  	_ = 	snop  }
0x25: {  	[tilespmem:s16], [sflag:$0x2] =	stream.indirect.gather [hbm4b:s5+s14], $0x80, s14, s14, $0xb8;
	[tilespmem:$0x1C800] =	vst v63  }
0x26: {  	_ =	swait.ge [sflag:s17], $0x4000  }
0x27: {  	[sflag:s17] =	ssyncset.done $0x0  }
0x28: {  	[sflag:s17] =	ssyncadd.s32 $0xFFFFC000  }
0x29: {  	[spmem:s2] =	stream.indirect.scatter.add.f32 [tilespmem:s15], [sflag:$0x3], $0x80, s13, s14, $0xb8;
	[tilespmem:$0x1C800] =	vst v63  }
0x2a: {  	_ =	swait.ge [sflag:s12], $0x4000  }
0x2b: {  	[sflag:s12] =	ssyncset.done $0x0  }
0x2c: {  	[sflag:s12] =	ssyncadd.s32 $0xFFFFC000  }
0x2d: {  	[tilespmem:s15], [sflag:$0x1] =	stream.indirect.gather [hbm4b:s5+s14], $0x80, s18, s14, $0xb8;
	[tilespmem:$0x1C800] =	vst v63  }
0x2e: {  	_ =	swait.ge [sflag:s19], $0x4000  }
0x2f: {  	[sflag:s19] =	ssyncset.done $0x0  }
0x30: {  	[sflag:s19] =	ssyncadd.s32 $0xFFFFC000  }
0x31: {  	[spmem:s2] =	stream.indirect.scatter.add.f32 [tilespmem:s16], [sflag:$0x3], $0x80, s20, s14, $0xb8;
	[tilespmem:$0x1C800] =	vst v63  }
0x32: {  	_ =	swait.ge [sflag:s12], $0x4000  }
0x33: {  	[sflag:s12] =	ssyncset.done $0x0  }
0x34: {  	[sflag:s12] =	ssyncadd.s32 $0xFFFFC000  }
0x35: {  	[tilespmem:s16], [sflag:$0x2] =	stream.indirect.gather [hbm4b:s5+s14], $0x80, s21, s14, $0xb8;
	[tilespmem:$0x1C800] =	vst v63  }
0x36: {  	_ =	swait.ge [sflag:s17], $0x4000  }
0x37: {  	[sflag:s17] =	ssyncset.done $0x0  }
0x38: {  	[sflag:s17] =	ssyncadd.s32 $0xFFFFC000  }
0x39: {  	[spmem:s2] =	stream.indirect.scatter.add.f32 [tilespmem:s15], [sflag:$0x3], $0x80, s22, s14, $0xb8;
	[tilespmem:$0x1C800] =	vst v63  }
0x3a: {  	_ =	swait.ge [sflag:s12], $0x4000  }
0x3b: {  	[sflag:s12] =	ssyncset.done $0x0  }
0x3c: {  	[sflag:s12] =	ssyncadd.s32 $0xFFFFC000  }
0x3d: {  	[tilespmem:s15], [sflag:$0x1] =	stream.indirect.gather [hbm4b:s5+s14], $0x80, s23, s14, $0xb8;
	[tilespmem:$0x1C800] =	vst v63  }
0x3e: {  	_ =	swait.ge [sflag:s19], $0x4000  }
0x3f: {  	[sflag:s19] =	ssyncset.done $0x0  }
0x40: {  	[sflag:s19] =	ssyncadd.s32 $0xFFFFC000  }
0x41: {  	[spmem:s2] =	stream.indirect.scatter.add.f32 [tilespmem:s16], [sflag:$0x3], $0x80, s24, s14, $0xb8;
	[tilespmem:$0x1C800] =	vst v63  }
0x42: {  	_ =	swait.ge [sflag:s12], $0x4000  }
0x43: {  	[sflag:s12] =	ssyncset.done $0x0  }
0x44: {  	[sflag:s12] =	ssyncadd.s32 $0xFFFFC000  }
0x45: {  	[tilespmem:s16], [sflag:$0x2] =	stream.indirect.gather [hbm4b:s5+s14], $0x80, s25, s14, $0xb8;
	[tilespmem:$0x1C800] =	vst v63  }
0x46: {  	_ =	swait.ge [sflag:s17], $0x4000  }
0x47: {  	[sflag:s17] =	ssyncset.done $0x0  }
0x48: {  	[sflag:s17] =	ssyncadd.s32 $0xFFFFC000  }
0x49: {  	[spmem:s2] =	stream.indirect.scatter.add.f32 [tilespmem:s15], [sflag:$0x3], $0x80, s26, s14, $0xb8;
	[tilespmem:$0x1C800] =	vst v63  }
0x4a: {  	_ =	swait.ge [sflag:s12], $0x4000  }
0x4b: {  	[sflag:s12] =	ssyncset.done $0x0  }
0x4c: {  	[sflag:s12] =	ssyncadd.s32 $0xFFFFC000  }
0x4d: {  	[tilespmem:s15], [sflag:$0x1] =	stream.indirect.gather [hbm4b:s5+s14], $0x80, s28, s14, $0xb8;
	[tilespmem:$0x1C800] =	vst v63  }
0x4e: {  	_ =	swait.ge [sflag:s19], $0x4000  }
0x4f: {  	[sflag:s19] =	ssyncset.done $0x0  }
0x50: {  	[sflag:s19] =	ssyncadd.s32 $0xFFFFC000  }
0x51: {  	[spmem:s2] =	stream.indirect.scatter.add.f32 [tilespmem:s16], [sflag:$0x3], $0x80, s29, s14, $0xb8;
	[tilespmem:$0x1C800] =	vst v63  }
0x52: {  	_ =	swait.ge [sflag:s12], $0x4000  }
0x53: {  	[sflag:s12] =	ssyncset.done $0x0  }
0x54: {  	[sflag:s12] =	ssyncadd.s32 $0xFFFFC000  }
0x55: {  	[tilespmem:s16], [sflag:$0x2] =	stream.indirect.gather [hbm4b:s5+s14], $0x80, s30, s14, $0xb8;
	[tilespmem:$0x1C800] =	vst v63  }
0x56: {  	_ =	swait.ge [sflag:s17], $0x4000  }
0x57: {  	[sflag:s17] =	ssyncset.done $0x0  }
0x58: {  	[sflag:s17] =	ssyncadd.s32 $0xFFFFC000  }
0x59: {  	[spmem:s2] =	stream.indirect.scatter.add.f32 [tilespmem:s15], [sflag:$0x3], $0x80, s31, s14, $0xb8;
	[tilespmem:$0x1C800] =	vst v63  }
0x5a: {  	_ =	swait.ge [sflag:s12], $0x4000  }
0x5b: {  	[sflag:s12] =	ssyncset.done $0x0  }
0x5c: {  	[sflag:s12] =	ssyncadd.s32 $0xFFFFC000  }
0x5d: {  	_ =	swait.ge [sflag:s19], $0x4000  }
0x5e: {  	[sflag:s19] =	ssyncset.done $0x0  }
0x5f: {  	[sflag:s19] =	ssyncadd.s32 $0xFFFFC000  }
0x60: {  	[spmem:s2] =	stream.indirect.scatter.add.f32 [tilespmem:s16], [sflag:$0x3], $0x80, s0, s14, $0xb8;
	[tilespmem:$0x1C800] =	vst v63  }
0x61: {  	_ =	swait.ge [sflag:s12], $0x4000  }
0x62: {  	s1 =	simm.s32 $0x80;
	s7 =	simm.s32 $0x100;
	[sflag:s12] =	ssyncset.done $0x0  }
.LBB2_2:
0x63: {  	s6 =	sadd.s32 s1, s10  }
0x64: {  	[sflag:s12] =	ssyncadd.s32 $0xFFFFC000;
	s11 =	smov.u32 s7;
	s8 =	sadd.s32 $0x80, s7  }
0x65: {  	[tilespmem:s4], [sflag:$0x3] =	stream.linear.gather [hbm4b:s6+s4], $0x400, $0x38;
	[tilespmem:$0x1C800] =	vst v63  }
0x66: {  	p0 =	sne.s32 s7, $0x480;
	_ =	swait.ge [sflag:s12], $0x400  }
0x67: {  	[sflag:s12] =	ssyncset.done $0x0  }
0x68: {  	s6 =	sadd.s32 s1, s9;
	s1 =	smov.u32 s11;
	[sflag:s12] =	ssyncadd.s32 $0xFFFFFC00  }
0x69: {  	[tilespmem:s13], [sflag:$0x3] =	stream.linear.gather [hbm4b:s6+s4], $0x400, $0x38;
	[tilespmem:$0x1C800] =	vst v63  }
0x6a: {  	_ =	swait.ge [sflag:s12], $0x400  }
0x6b: {  	[sflag:s12] =	ssyncset.done $0x0  }
0x6c: {  	[sflag:s12] =	ssyncadd.s32 $0xFFFFFC00  }
0x6d: {  	[tilespmem:s15], [sflag:$0x1] =	stream.indirect.gather [hbm4b:s5+s14], $0x80, s4, s14, $0xb8;
	[tilespmem:$0x1C800] =	vst v63  }
0x6e: {  	_ = 	snop  }
0x6f: {  	[tilespmem:s16], [sflag:$0x2] =	stream.indirect.gather [hbm4b:s5+s14], $0x80, s14, s14, $0xb8;
	[tilespmem:$0x1C800] =	vst v63  }
0x70: {  	_ =	swait.ge [sflag:s17], $0x4000  }
0x71: {  	[sflag:s17] =	ssyncset.done $0x0  }
0x72: {  	[sflag:s17] =	ssyncadd.s32 $0xFFFFC000  }
0x73: {  	[spmem:s2] =	stream.indirect.scatter.add.f32 [tilespmem:s15], [sflag:$0x3], $0x80, s13, s14, $0xb8;
	[tilespmem:$0x1C800] =	vst v63  }
0x74: {  	_ =	swait.ge [sflag:s12], $0x4000  }
0x75: {  	[sflag:s12] =	ssyncset.done $0x0  }
0x76: {  	[sflag:s12] =	ssyncadd.s32 $0xFFFFC000  }
0x77: {  	[tilespmem:s15], [sflag:$0x1] =	stream.indirect.gather [hbm4b:s5+s14], $0x80, s18, s14, $0xb8;
	[tilespmem:$0x1C800] =	vst v63  }
0x78: {  	_ =	swait.ge [sflag:s19], $0x4000  }
0x79: {  	[sflag:s19] =	ssyncset.done $0x0  }
0x7a: {  	[sflag:s19] =	ssyncadd.s32 $0xFFFFC000  }
0x7b: {  	[spmem:s2] =	stream.indirect.scatter.add.f32 [tilespmem:s16], [sflag:$0x3], $0x80, s20, s14, $0xb8;
	[tilespmem:$0x1C800] =	vst v63  }
0x7c: {  	_ =	swait.ge [sflag:s12], $0x4000  }
0x7d: {  	[sflag:s12] =	ssyncset.done $0x0  }
0x7e: {  	[sflag:s12] =	ssyncadd.s32 $0xFFFFC000  }
0x7f: {  	[tilespmem:s16], [sflag:$0x2] =	stream.indirect.gather [hbm4b:s5+s14], $0x80, s21, s14, $0xb8;
	[tilespmem:$0x1C800] =	vst v63  }
0x80: {  	_ =	swait.ge [sflag:s17], $0x4000  }
0x81: {  	[sflag:s17] =	ssyncset.done $0x0  }
0x82: {  	[sflag:s17] =	ssyncadd.s32 $0xFFFFC000  }
0x83: {  	[spmem:s2] =	stream.indirect.scatter.add.f32 [tilespmem:s15], [sflag:$0x3], $0x80, s22, s14, $0xb8;
	[tilespmem:$0x1C800] =	vst v63  }
0x84: {  	_ =	swait.ge [sflag:s12], $0x4000  }
0x85: {  	[sflag:s12] =	ssyncset.done $0x0  }
0x86: {  	[sflag:s12] =	ssyncadd.s32 $0xFFFFC000  }
0x87: {  	[tilespmem:s15], [sflag:$0x1] =	stream.indirect.gather [hbm4b:s5+s14], $0x80, s23, s14, $0xb8;
	[tilespmem:$0x1C800] =	vst v63  }
0x88: {  	_ =	swait.ge [sflag:s19], $0x4000  }
0x89: {  	[sflag:s19] =	ssyncset.done $0x0  }
0x8a: {  	[sflag:s19] =	ssyncadd.s32 $0xFFFFC000  }
0x8b: {  	[spmem:s2] =	stream.indirect.scatter.add.f32 [tilespmem:s16], [sflag:$0x3], $0x80, s24, s14, $0xb8;
	[tilespmem:$0x1C800] =	vst v63  }
0x8c: {  	_ =	swait.ge [sflag:s12], $0x4000  }
0x8d: {  	[sflag:s12] =	ssyncset.done $0x0  }
0x8e: {  	[sflag:s12] =	ssyncadd.s32 $0xFFFFC000  }
0x8f: {  	[tilespmem:s16], [sflag:$0x2] =	stream.indirect.gather [hbm4b:s5+s14], $0x80, s25, s14, $0xb8;
	[tilespmem:$0x1C800] =	vst v63  }
0x90: {  	_ =	swait.ge [sflag:s17], $0x4000  }
0x91: {  	[sflag:s17] =	ssyncset.done $0x0  }
0x92: {  	[sflag:s17] =	ssyncadd.s32 $0xFFFFC000  }
0x93: {  	[spmem:s2] =	stream.indirect.scatter.add.f32 [tilespmem:s15], [sflag:$0x3], $0x80, s26, s14, $0xb8;
	[tilespmem:$0x1C800] =	vst v63  }
0x94: {  	_ =	swait.ge [sflag:s12], $0x4000  }
0x95: {  	[sflag:s12] =	ssyncset.done $0x0  }
0x96: {  	[sflag:s12] =	ssyncadd.s32 $0xFFFFC000  }
0x97: {  	[tilespmem:s15], [sflag:$0x1] =	stream.indirect.gather [hbm4b:s5+s14], $0x80, s28, s14, $0xb8;
	[tilespmem:$0x1C800] =	vst v63  }
0x98: {  	_ =	swait.ge [sflag:s19], $0x4000  }
0x99: {  	[sflag:s19] =	ssyncset.done $0x0  }
0x9a: {  	[sflag:s19] =	ssyncadd.s32 $0xFFFFC000  }
0x9b: {  	[spmem:s2] =	stream.indirect.scatter.add.f32 [tilespmem:s16], [sflag:$0x3], $0x80, s29, s14, $0xb8;
	[tilespmem:$0x1C800] =	vst v63  }
0x9c: {  	_ =	swait.ge [sflag:s12], $0x4000  }
0x9d: {  	[sflag:s12] =	ssyncset.done $0x0  }
0x9e: {  	[sflag:s12] =	ssyncadd.s32 $0xFFFFC000  }
0x9f: {  	[tilespmem:s16], [sflag:$0x2] =	stream.indirect.gather [hbm4b:s5+s14], $0x80, s30, s14, $0xb8;
	[tilespmem:$0x1C800] =	vst v63  }
0xa0: {  	_ =	swait.ge [sflag:s17], $0x4000  }
0xa1: {  	[sflag:s17] =	ssyncset.done $0x0  }
0xa2: {  	[sflag:s17] =	ssyncadd.s32 $0xFFFFC000  }
0xa3: {  	[spmem:s2] =	stream.indirect.scatter.add.f32 [tilespmem:s15], [sflag:$0x3], $0x80, s31, s14, $0xb8;
	[tilespmem:$0x1C800] =	vst v63  }
0xa4: {  	_ =	swait.ge [sflag:s12], $0x4000  }
0xa5: {  	[sflag:s12] =	ssyncset.done $0x0  }
0xa6: {  	[sflag:s12] =	ssyncadd.s32 $0xFFFFC000  }
0xa7: {  	_ =	swait.ge [sflag:s19], $0x4000  }
.Ltmp0:
0xa8: {  	[sflag:s19] =	ssyncset.done $0x0;
	(pc) =	sbr.rel @p0 .LBB2_2-.Ltmp0, $4  }
0xa9: {  	[sflag:s19] =	ssyncadd.s32 $0xFFFFC000  }
0xaa: {  	[spmem:s2] =	stream.indirect.scatter.add.f32 [tilespmem:s16], [sflag:$0x3], $0x80, s0, s14, $0xb8;
	[tilespmem:$0x1C800] =	vst v63  }
0xab: {  	_ =	swait.ge [sflag:s12], $0x4000  }
0xac: {  	s7 =	smov.u32 s8;
	[sflag:s12] =	ssyncset.done $0x0  }
0xad: {  	s6 =	sadd.s32 s1, s10;
	[sflag:s12] =	ssyncadd.s32 $0xFFFFC000  }
0xae: {  	[tilespmem:s4], [sflag:$0x3] =	stream.linear.gather [hbm4b:s6+s4], $0x400, $0x38;
	[tilespmem:$0x1C800] =	vst v63  }
0xaf: {  	_ =	swait.ge [sflag:s12], $0x400  }
0xb0: {  	[sflag:s12] =	ssyncset.done $0x0  }
0xb1: {  	s7 =	sadd.s32 s1, s9;
	[sflag:s12] =	ssyncadd.s32 $0xFFFFFC00  }
0xb2: {  	[tilespmem:s13], [sflag:$0x3] =	stream.linear.gather [hbm4b:s7+s4], $0x400, $0x38;
	[tilespmem:$0x1C800] =	vst v63  }
0xb3: {  	_ =	swait.ge [sflag:s12], $0x400  }
0xb4: {  	[sflag:s12] =	ssyncset.done $0x0  }
0xb5: {  	[sflag:s12] =	ssyncadd.s32 $0xFFFFFC00  }
0xb6: {  	[tilespmem:s15], [sflag:$0x1] =	stream.indirect.gather [hbm4b:s5+s14], $0x80, s4, s14, $0xb8;
	[tilespmem:$0x1C800] =	vst v63  }
0xb7: {  	_ = 	snop  }
0xb8: {  	[tilespmem:s16], [sflag:$0x2] =	stream.indirect.gather [hbm4b:s5+s14], $0x80, s14, s14, $0xb8;
	[tilespmem:$0x1C800] =	vst v63  }
0xb9: {  	_ =	swait.ge [sflag:s17], $0x4000  }
0xba: {  	[sflag:s17] =	ssyncset.done $0x0  }
0xbb: {  	[sflag:s17] =	ssyncadd.s32 $0xFFFFC000  }
0xbc: {  	[spmem:s2] =	stream.indirect.scatter.add.f32 [tilespmem:s15], [sflag:$0x3], $0x80, s13, s14, $0xb8;
	[tilespmem:$0x1C800] =	vst v63  }
0xbd: {  	_ =	swait.ge [sflag:s12], $0x4000  }
0xbe: {  	[sflag:s12] =	ssyncset.done $0x0  }
0xbf: {  	[sflag:s12] =	ssyncadd.s32 $0xFFFFC000  }
0xc0: {  	[tilespmem:s15], [sflag:$0x1] =	stream.indirect.gather [hbm4b:s5+s14], $0x80, s18, s14, $0xb8;
	[tilespmem:$0x1C800] =	vst v63  }
0xc1: {  	_ =	swait.ge [sflag:s19], $0x4000  }
0xc2: {  	[sflag:s19] =	ssyncset.done $0x0  }
0xc3: {  	[sflag:s19] =	ssyncadd.s32 $0xFFFFC000  }
0xc4: {  	[spmem:s2] =	stream.indirect.scatter.add.f32 [tilespmem:s16], [sflag:$0x3], $0x80, s20, s14, $0xb8;
	[tilespmem:$0x1C800] =	vst v63  }
0xc5: {  	_ =	swait.ge [sflag:s12], $0x4000  }
0xc6: {  	[sflag:s12] =	ssyncset.done $0x0  }
0xc7: {  	[sflag:s12] =	ssyncadd.s32 $0xFFFFC000  }
0xc8: {  	[tilespmem:s16], [sflag:$0x2] =	stream.indirect.gather [hbm4b:s5+s14], $0x80, s21, s14, $0xb8;
	[tilespmem:$0x1C800] =	vst v63  }
0xc9: {  	_ =	swait.ge [sflag:s17], $0x4000  }
0xca: {  	[sflag:s17] =	ssyncset.done $0x0  }
0xcb: {  	[sflag:s17] =	ssyncadd.s32 $0xFFFFC000  }
0xcc: {  	[spmem:s2] =	stream.indirect.scatter.add.f32 [tilespmem:s15], [sflag:$0x3], $0x80, s22, s14, $0xb8;
	[tilespmem:$0x1C800] =	vst v63  }
0xcd: {  	_ =	swait.ge [sflag:s12], $0x4000  }
0xce: {  	[sflag:s12] =	ssyncset.done $0x0  }
0xcf: {  	[sflag:s12] =	ssyncadd.s32 $0xFFFFC000  }
0xd0: {  	[tilespmem:s15], [sflag:$0x1] =	stream.indirect.gather [hbm4b:s5+s14], $0x80, s23, s14, $0xb8;
	[tilespmem:$0x1C800] =	vst v63  }
0xd1: {  	_ =	swait.ge [sflag:s19], $0x4000  }
0xd2: {  	[sflag:s19] =	ssyncset.done $0x0  }
0xd3: {  	[sflag:s19] =	ssyncadd.s32 $0xFFFFC000  }
0xd4: {  	[spmem:s2] =	stream.indirect.scatter.add.f32 [tilespmem:s16], [sflag:$0x3], $0x80, s24, s14, $0xb8;
	[tilespmem:$0x1C800] =	vst v63  }
0xd5: {  	_ =	swait.ge [sflag:s12], $0x4000  }
0xd6: {  	[sflag:s12] =	ssyncset.done $0x0  }
0xd7: {  	[sflag:s12] =	ssyncadd.s32 $0xFFFFC000  }
0xd8: {  	[tilespmem:s16], [sflag:$0x2] =	stream.indirect.gather [hbm4b:s5+s14], $0x80, s25, s14, $0xb8;
	[tilespmem:$0x1C800] =	vst v63  }
0xd9: {  	_ =	swait.ge [sflag:s17], $0x4000  }
0xda: {  	[sflag:s17] =	ssyncset.done $0x0  }
0xdb: {  	[sflag:s17] =	ssyncadd.s32 $0xFFFFC000  }
0xdc: {  	[spmem:s2] =	stream.indirect.scatter.add.f32 [tilespmem:s15], [sflag:$0x3], $0x80, s26, s14, $0xb8;
	[tilespmem:$0x1C800] =	vst v63  }
0xdd: {  	_ =	swait.ge [sflag:s12], $0x4000  }
0xde: {  	[sflag:s12] =	ssyncset.done $0x0  }
0xdf: {  	[sflag:s12] =	ssyncadd.s32 $0xFFFFC000  }
0xe0: {  	[tilespmem:s15], [sflag:$0x1] =	stream.indirect.gather [hbm4b:s5+s14], $0x80, s28, s14, $0xb8;
	[tilespmem:$0x1C800] =	vst v63  }
0xe1: {  	_ =	swait.ge [sflag:s19], $0x4000  }
0xe2: {  	[sflag:s19] =	ssyncset.done $0x0  }
0xe3: {  	[sflag:s19] =	ssyncadd.s32 $0xFFFFC000  }
0xe4: {  	[spmem:s2] =	stream.indirect.scatter.add.f32 [tilespmem:s16], [sflag:$0x3], $0x80, s29, s14, $0xb8;
	[tilespmem:$0x1C800] =	vst v63  }
0xe5: {  	_ =	swait.ge [sflag:s12], $0x4000  }
0xe6: {  	[sflag:s12] =	ssyncset.done $0x0  }
0xe7: {  	[sflag:s12] =	ssyncadd.s32 $0xFFFFC000  }
0xe8: {  	[tilespmem:s16], [sflag:$0x2] =	stream.indirect.gather [hbm4b:s5+s14], $0x80, s30, s14, $0xb8;
	[tilespmem:$0x1C800] =	vst v63  }
0xe9: {  	_ =	swait.ge [sflag:s17], $0x4000  }
0xea: {  	[sflag:s17] =	ssyncset.done $0x0  }
0xeb: {  	[sflag:s17] =	ssyncadd.s32 $0xFFFFC000  }
0xec: {  	[spmem:s2] =	stream.indirect.scatter.add.f32 [tilespmem:s15], [sflag:$0x3], $0x80, s31, s14, $0xb8;
	[tilespmem:$0x1C800] =	vst v63  }
0xed: {  	_ =	swait.ge [sflag:s12], $0x4000  }
0xee: {  	[sflag:s12] =	ssyncset.done $0x0  }
0xef: {  	[sflag:s12] =	ssyncadd.s32 $0xFFFFC000  }
0xf0: {  	_ =	swait.ge [sflag:s19], $0x4000  }
0xf1: {  	[sflag:s19] =	ssyncset.done $0x0  }
0xf2: {  	[sflag:s19] =	ssyncadd.s32 $0xFFFFC000  }
0xf3: {  	[spmem:s2] =	stream.indirect.scatter.add.f32 [tilespmem:s16], [sflag:$0x3], $0x80, s0, s14, $0xb8;
	[tilespmem:$0x1C800] =	vst v63  }
0xf4: {  	_ =	swait.ge [sflag:s12], $0x4000  }
0xf5: {  	[sflag:s12] =	ssyncset.done $0x0  }
0xf6: {  	[sflag:s12] =	ssyncadd.s32 $0xFFFFC000  }
0xf7: {  	[bflag:$0x0] =	sbarrier.arrive $0xFFFF  }
0xf8: {  	s6 =	rddreg [dreg:$0x4]  }
0xf9: {  	s8 =	rddreg [dreg:$0x5]  }
0xfa: {  	s7 =	rddreg [dreg:$0x7]  }
0xfb: {  	[hbm:s8], [sflag:s6] =	dma.local [spmem:s7], $0x2800  }
0xfc: {  	_ =	swait.ge [sflag:s12], $0x2800  }
0xfd: {  	s3 =	sadd.s32 $0x1, s3;
	s11 =	rddreg [dreg:$0x6]  }
0xfe: {  	p0 =	sne.s32 s3, s11  }
.Ltmp1:
0xff: {  	_ = 	snop;
	(pc) =	sbr.rel @p0 .LBB2_1-.Ltmp1, $3  }
0x100: {  	_ =	sdelay $0x1  }
0x101: {  	[sflag:s12] =	ssyncset.done $0x0  }
0x102: {  	[sflag:s12] =	ssyncadd.s32 $0xFFFFD800  }
0x103: {  	_ =	sfence.sel $0x180000  }
0x104: {  	[bflag:$0x0] =	sbarrier.arrive $0xFFFF  }
0x105: {  	_ =	strace $0x9000004D  }
0x106: {  	s0 =	stileid.u32;
	[bflag:$0x2] =	sbarrier.arrive $0xFFFF  }
0x107: {  	p0 =	sne.s32 s0, $0x0;
	s0 =	rddreg [dreg:$0x3]  }
0x108: {  	s0 =	sadd.s32 @!p0 $0x100000, s0  }
0x109: {  	[sflag:s0] =	ssyncadd.tile.s32 @!p0 $0x1;
	_ =	shalt  }
.Lfunc_end2:
_tile_overlayer_lowered:
.L_overlay_start_2:
0x10a: {  	(tag) =	ssettag $0x2  }
0x10b: {  	s0 =	rddreg [dreg:$0x0];
	s2 =	stileid.u32  }
0x10c: {  	s1 =	rddreg [dreg:$0x1];
	p0 =	sne.s32 s2, $0x0  }
0x10d: {  	s3 =	rddreg [dreg:$0x2];
	[bflag:$0x3] =	sbarrier.arrive $0xFFFF;
	s2 =	simm.s32 @!p0 $0x1C03  }
0x10e: {  	[timem:s3], [sflag:s2] =	dma.local @!p0 [hbm:s0], s1  }
0x10f: {  	s0 =	simm.s32 @!p0 $0x3  }
0x110: {  	_ =	swait.ge @!p0 [sflag:s0], s1  }
0x111: {  	s1 =	ssub.s32 @!p0 $0x0, s1;
	[sflag:s0] =	ssyncset.done @!p0 $0x0  }
0x112: {  	[sflag:s0] =	ssyncadd.s32 @!p0 s1  }
0x113: {  	[bflag:$0x3] =	sbarrier.arrive $0xFFFF  }
0x114: {  	_ =	shalt  }

// kernel: kernel.19.cloned.1.call-start
scs
__scs_entry_jumppad:
0x0: {  	(pc) =	sbr.rel $0x88, $3  }
0x1: {  	(tag) =	ssettag $0x0;
	lr =	simm.s32 $0x1  }
0x2: {  	[smem:$0x3F9B] =	sst lr;
	_ =	strace $0xD0000000  }
0x3: {  	_ = 	snop  }
0x4: {  	_ = 	snop  }
0x5: {  	_ = 	snop  }
0x6: {  	_ = 	snop  }
0x7: {  	_ = 	snop  }
__scs_overlays_trampoline_lowered:
0x8: {  	[smem:$0x3FAA] =	sst s0  }
0x9: {  	[smem:$0x3FAB] =	sst s1  }
0xa: {  	[smem:$0x3FAC] =	sst s2  }
0xb: {  	[smem:$0x3FAD] =	sst s3  }
0xc: {  	[smem:$0x3FAE] =	sst s4  }
0xd: {  	[smem:$0x3FAF] =	sst s5  }
0xe: {  	[smem:$0x3FB0] =	sst s6  }
0xf: {  	[smem:$0x3FB1] =	sst s7  }
0x10: {  	[smem:$0x3FB2] =	sst s8  }
0x11: {  	[smem:$0x3FB3] =	sst s9;
	s0 =	simm.s32 @!p0 $0x0  }
0x12: {  	s1 =	sld [smem:$0x3F99];
	s0 =	simm.s32 @p0 $0x1  }
0x13: {  	[smem:$0x3FB4] =	sst s0;
	s0 =	simm.s32 @!p1 $0x0  }
0x14: {  	s2 =	sld [smem:$0x3F98];
	s0 =	simm.s32 @p1 $0x1  }
0x15: {  	[smem:$0x3FB5] =	sst s0;
	s0 =	simm.s32 @!p2 $0x0  }
0x16: {  	s3 =	sld [smem:$0x3FDB];
	s0 =	simm.s32 @p2 $0x1  }
0x17: {  	s4 =	simm.s32 $0x1BF5;
	[smem:$0x3FB7] =	sst s0  }
0x18: {  	s0 =	sld [smem:$0x3F9A];
	_ =	swait.ge [sflag:s4], $0x0  }
0x19: {  	s7 =	sld [smem:$0x3F9B]  }
0x1a: {  	s8 =	sadd.s32 $0xFFFFE003, lr  }
0x1b: {  	s9 =	sadd.s32 $0xFFFFFEF7, lr;
	s5 =	simm.s32 $0xFFFFFFFF;
	p2 =	slt.u32 s8, $0xFFFFF086  }
0x1c: {  	p1 =	slt.u32 s9, $0xF7A;
	s5 =	simm.s32 @!p2 $0x0  }
0x1d: {  	s5 =	simm.s32 @p1 $0x1;
	p0 =	seq.s32 s7, s2  }
0x1e: {  	s7 =	smul.u32 @!p0 $0xF7A, s2;
	p2 =	seq.s32 @!p0 s5, $0x0  }
0x1f: {  	s9 =	smul.u32 $0xF7A, s1;
	s8 =	simm.s32 @!p0 $0x1BF5;
	p2 =	por !p2, p0  }
0x20: {  	[sflag:s8] =	ssyncset.s32 @!p0 $0xFFFFF086;
	s6 =	sadd.s32 @!p0 s3, s7;
	s7 =	simm.s32 @!p0 $0x108  }
0x21: {  	s3 =	sadd.s32 s3, s9;
	s6 =	sadd.s32 @!p0 $0x88, s6;
	s7 =	simm.s32 @p2 $0x1082  }
0x22: {  	[simem:s7], [sflag:s8] =	dma.local @!p0 [hbm:s6], $0xF7A  }
0x23: {  	s9 =	sor.u32 $0xD0000000, s2;
	s6 =	simm.s32 $0x108;
	_ =	swait.ge @!p0 [sflag:s8], $0x0  }
0x24: {  	s3 =	sadd.s32 $0x88, s3;
	s6 =	simm.s32 @!p1 $0x1082;
	[sflag:s4] =	ssyncset.s32 $0xFFFFF086  }
0x25: {  	[simem:s6], [sflag:s4] =	dma.local [hbm:s3], $0xF7A  }
0x26: {  	[smem:$0x3F9B] =	sst s1;
	(tag) =	ssettag s2;
	_ =	strace s9  }
0x27: {  	s1 =	sld [smem:$0x3FAB]  }
0x28: {  	s2 =	sld [smem:$0x3FAC]  }
0x29: {  	s4 =	sld [smem:$0x3FAE]  }
0x2a: {  	p0 =	seq.s32 s5, $0x0;
	s5 =	sld [smem:$0x3FAF]  }
0x2b: {  	s6 =	sld [smem:$0x3FB0]  }
0x2c: {  	s7 =	sld [smem:$0x3FB1]  }
0x2d: {  	s3 =	simm.s32 $0x108;
	s8 =	sld [smem:$0x3FB2]  }
0x2e: {  	s3 =	simm.s32 @!p0 $0x1082;
	s9 =	sld [smem:$0x3FB3]  }
0x2f: {  	lr =	sadd.s32 s0, s3;
	s0 =	sld [smem:$0x3FAA]  }
0x30: {  	s3 =	sld [smem:$0x3FAD]  }
0x31: {  	[smem:$0x3FB6] =	sst s10  }
0x32: {  	s10 =	sld [smem:$0x3FB4];
	_ =	sdelay $0x3  }
0x33: {  	p0 =	seq.s32 s10, $0x1;
	s10 =	sld [smem:$0x3FB6];
	_ =	sdelay $0x3  }
0x34: {  	[smem:$0x3FB6] =	sst s10  }
0x35: {  	s10 =	sld [smem:$0x3FB5];
	_ =	sdelay $0x3  }
0x36: {  	p1 =	seq.s32 s10, $0x1;
	s10 =	sld [smem:$0x3FB6];
	_ =	sdelay $0x3  }
0x37: {  	[smem:$0x3FB6] =	sst s10  }
0x38: {  	s10 =	sld [smem:$0x3FB7]  }
0x39: {  	_ = 	snop;
	(pc) =	sbr.ind lr, $3  }
0x3a: {  	_ = 	snop  }
0x3b: {  	_ = 	snop  }
0x3c: {  	p2 =	seq.s32 s10, $0x1;
	s10 =	sld [smem:$0x3FB6]  }
0x3d: {  	_ =	shalt  }
0x3e: {  	_ =	shalt  }
0x3f: {  	_ =	shalt  }
0x40: {  	_ =	shalt  }
0x41: {  	_ =	shalt  }
0x42: {  	_ =	shalt  }
0x43: {  	_ =	shalt  }
0x44: {  	_ =	shalt  }
0x45: {  	_ =	shalt  }
0x46: {  	_ =	shalt  }
0x47: {  	_ =	shalt  }
0x48: {  	_ =	shalt  }
0x49: {  	_ =	shalt  }
0x4a: {  	_ =	shalt  }
0x4b: {  	_ =	shalt  }
0x4c: {  	_ =	shalt  }
0x4d: {  	_ =	shalt  }
0x4e: {  	_ =	shalt  }
0x4f: {  	_ =	shalt  }
0x50: {  	_ =	shalt  }
0x51: {  	_ =	shalt  }
0x52: {  	_ =	shalt  }
0x53: {  	_ =	shalt  }
0x54: {  	_ =	shalt  }
0x55: {  	_ =	shalt  }
0x56: {  	_ =	shalt  }
0x57: {  	_ =	shalt  }
0x58: {  	_ =	shalt  }
0x59: {  	_ =	shalt  }
0x5a: {  	_ =	shalt  }
0x5b: {  	_ =	shalt  }
0x5c: {  	_ =	shalt  }
0x5d: {  	_ =	shalt  }
0x5e: {  	_ =	shalt  }
0x5f: {  	_ =	shalt  }
0x60: {  	_ =	shalt  }
0x61: {  	_ =	shalt  }
0x62: {  	_ =	shalt  }
0x63: {  	_ =	shalt  }
0x64: {  	_ =	shalt  }
0x65: {  	_ =	shalt  }
0x66: {  	_ =	shalt  }
0x67: {  	_ =	shalt  }
0x68: {  	_ =	shalt  }
0x69: {  	_ =	shalt  }
0x6a: {  	_ =	shalt  }
0x6b: {  	_ =	shalt  }
0x6c: {  	_ =	shalt  }
0x6d: {  	_ =	shalt  }
0x6e: {  	_ =	shalt  }
0x6f: {  	_ =	shalt  }
0x70: {  	_ =	shalt  }
0x71: {  	_ =	shalt  }
0x72: {  	_ =	shalt  }
0x73: {  	_ =	shalt  }
0x74: {  	_ =	shalt  }
0x75: {  	_ =	shalt  }
0x76: {  	_ =	shalt  }
0x77: {  	_ =	shalt  }
0x78: {  	_ =	shalt  }
0x79: {  	_ =	shalt  }
0x7a: {  	_ =	shalt  }
0x7b: {  	_ =	shalt  }
0x7c: {  	_ =	shalt  }
0x7d: {  	_ =	shalt  }
0x7e: {  	_ =	shalt  }
0x7f: {  	_ =	shalt  }
0x80: {  	_ =	shalt  }
0x81: {  	_ =	shalt  }
0x82: {  	_ =	shalt  }
0x83: {  	_ =	shalt  }
0x84: {  	_ =	shalt  }
0x85: {  	_ =	shalt  }
0x86: {  	_ =	shalt  }
0x87: {  	_ =	shalt  }
.Lfunc_end0:
.L_simem_size_0:
called_computation.3_lowered:
.L_overlay_start_0:
0x88: {  	s2 =	sld [smem:$0x3FD9]  }
0x89: {  	s3 =	sld [smem:$0x3FFE];
	_ =	sdelay $0x1  }
0x8a: {  	s1 =	srdreg.scid  }
0x8b: {  	s0 =	sand.u32 $0x1, s1  }
0x8c: {  	s17 =	sshll.u32 s0, $0xA;
	s2 =	sadd.s32 s3, s2  }
0x8d: {  	s2 =	sadd.s32 s2, s17  }
0x8e: {  	[smem:$0x3FC2] =	sst s2  }
0x8f: {  	_ = 	snop  }
0x90: {  	s2 =	sld [smem:$0x3FD0];
	(tm) =	ssettm $0x1  }
0x91: {  	s18 =	sld [smem:$0x3FFB];
	_ =	sdelay $0x3  }
0x92: {  	_ =	strace s18  }
0x93: {  	s3 =	sld [smem:$0x3FFC];
	_ =	sdelay $0x3  }
0x94: {  	_ =	strace s3  }
0x95: {  	s3 =	sld [smem:$0x3FFD];
	_ =	sdelay $0x3  }
0x96: {  	_ =	strace s3  }
0x97: {  	_ =	strace $0x8FFFFFFF  }
0x98: {  	s19 =	sld [smem:$0x3FDB];
	_ =	sdelay $0x1  }
0x99: {  	s4 =	simm.s32 $_scs_section_size  }
0x9a: {  	s5 =	simm.s32 $_size__tile_overlayer_lowered;
	s6 =	simm.s32 $_tile_overlayer_lowered  }
0x9b: {  	s22 =	simm.s32 $0x1BFF;
	s21 =	sshll.u32 s6, $0x1;
	s3 =	sadd.s32 s4, s19  }
0x9c: {  	s7 =	simm.s32 $0x0;
	s20 =	sshll.u32 s5, $0x1;
	s5 =	sadd.s32 s21, s3  }
0x9d: {  	[timem:s7], [sflag:s22] =	dma.local [hbm:s5], s20  }
0x9e: {  	_ =	swait.ge [sflag:s22], s20  }
0x9f: {  	s4 =	ssub.s32 $0x0, s20;
	[sflag:s22] =	ssyncset.done $0x0  }
0xa0: {  	[sflag:s22] =	ssyncadd.s32 s4;
	_ =	sdelay $0x1  }
0xa1: {  	s23 =	simm.s32 $0x1B8B  }
0xa2: {  	_ =	swait.ge [sflag:s23], $0x1  }
0xa3: {  	[sflag:s23] =	ssyncset.done $0x0  }
0xa4: {  	s25 =	simm.s32 $0x1B8E;
	s24 =	sld [smem:$0x3FFE];
	[sflag:s23] =	ssyncadd.s32 $0xFFFFFFFF  }
0xa5: {  	s26 =	simm.s32 $execute0_lowered;
	[smem:$0x3FD2] =	sst s25  }
0xa6: {  	s5 =	sshll.u32 s26, $0x1;
	_ =	strace $0x8000004F;
	[dreg:$0x1] =	wrdreg $0xFFFFFFFF  }
0xa7: {  	s28 =	simm.s32 $_size_execute0_lowered;
	s3 =	sadd.s32 s3, s5;
	[dreg:$0x0] =	wrdreg $0x0  }
0xa8: {  	s5 =	sshll.u32 s28, $0x1;
	[dreg:$0x2] =	wrdreg s3  }
0xa9: {  	[dreg:$0x3] =	wrdreg s5  }
0xaa: {  	[dreg:$0x4] =	wrdreg $0xC0  }
0xab: {  	_ =	task [dreg:s7], $0x5FFFF  }
0xac: {  	[dreg:$0x1] =	wrdreg $0xFFFFFFFF  }
0xad: {  	[dreg:$0x0] =	wrdreg $0x60  }
0xae: {  	[dreg:$0x2] =	wrdreg s24  }
0xaf: {  	[dreg:$0x3] =	wrdreg s2  }
0xb0: {  	[dreg:$0x4] =	wrdreg $0x88000  }
0xb1: {  	[dreg:$0x5] =	wrdreg $0x9  }
0xb2: {  	_ =	task.clear_ibuf [dreg:s7], $0x6FFFF;
	_ =	strace $0x9000004F  }
0xb3: {  	s29 =	simm.s32 $0x9;
	_ =	strace $0x80000051  }
0xb4: {  	_ =	swait.ge [sflag:s29], $0x1  }
0xb5: {  	[sflag:s29] =	ssyncadd.s32 $0xFFFFFFFF  }
0xb6: {  	_ =	strace $0x90000051  }
0xb7: {  	_ =	sfence  }
0xb8: {  	s30 =	sld [smem:$0x0];
	_ =	sdelay $0x2  }
0xb9: {  	s31 =	sshll.u32 s1, $0xD;
	s1 =	sshrl.u32 s1, $0x2  }
0xba: {  	s3 =	sand.u32 $0x4000, s31;
	s1 =	sadd.s32 s1, s30  }
0xbb: {  	s0 =	sor.u32 s3, s0;
	s1 =	sshll.u32 s1, $0x11  }
0xbc: {  	s0 =	sor.u32 s1, s0  }
0xbd: {  	s0 =	sadd.s32 $0x8F2B, s0  }
0xbe: {  	[sflag:s0] =	ssyncadd.remote.s32 $0x1  }
0xbf: {  	_ =	sfence.sel $0xFFFF  }
0xc0: {  	[dreg:$0x0] =	wrdreg $0xFFFFFFFF;
	(pc) =	sbr.abs _section_cstart, $3  }
0xc1: {  	[dreg:$0x1] =	wrdreg $0xFFFFFFFF  }
0xc2: {  	_ =	task.clear_ibuf [dreg:s7], $0x2FFFF;
	_ =	strace $0x9FFFFFFF  }
0xc3: {  	(tm) =	ssettm $0x7FFFFFFF  }
tec
execute0_lowered:
.L_overlay_start_1:
0x0: {  	(tag) =	ssettag $0x1  }
0x1: {  	s0 =	rddreg [dreg:$0x0]  }
0x2: {  	s2 =	rddreg [dreg:$0x2]  }
0x3: {  	s1 =	srdreg.scid;
	s4 =	simm.s32 $0x0;
	s9 =	stileid.u32  }
0x4: {  	s12 =	simm.s32 $0x3;
	s13 =	simm.s32 $0x400;
	s14 =	simm.s32 $0x80  }
0x5: {  	s15 =	simm.s32 $0x800;
	s16 =	simm.s32 $0x4800;
	s17 =	simm.s32 $0x1  }
0x6: {  	s18 =	simm.s32 $0x100;
	s19 =	simm.s32 $0x2;
	s20 =	simm.s32 $0x480  }
0x7: {  	s21 =	simm.s32 $0x180;
	s28 =	simm.s32 $0x300;
	s6 =	smul.u32 $0x14000, s9  }
0x8: {  	s29 =	simm.s32 $0x680;
	s30 =	simm.s32 $0x380;
	s22 =	smul.u32 $0x50000, s9  }
0x9: {  	s1 =	sand.u32 $0x1, s1;
	s8 =	sshll.u32 s9, $0x6;
	s9 =	smul.u32 $0x500, s9  }
0xa: {  	s31 =	simm.s32 $0x700;
	[smem:$0x7FF] =	sst s4;
	s3 =	smul.u32 $0x140000, s1  }
0xb: {  	s5 =	sadd.s32 $0x3800, s0;
	s7 =	smul.u32 $0x5000, s1;
	s1 =	ssub.s32 $0x2, s1  }
0xc: {  	_ =	strace $0x80000050;
	s23 =	sshrl.u32 s1, $0x1;
	s3 =	sadd.s32 s6, s3  }
0xd: {  	s7 =	sadd.s32 s7, s0;
	s6 =	sshrl.u32 s22, $0x2;
	s1 =	ssub.s32 s1, s23  }
0xe: {  	s22 =	simm.s32 $0x500;
	s23 =	simm.s32 $0x200;
	s3 =	sshrl.u32 s3, $0x3  }
0xf: {  	s24 =	sadd.s32 s6, s2;
	s6 =	sor.u32 $0x1C03, s8;
	s25 =	smax.u32 s1, $0x1  }
0x10: {  	s26 =	sadd.s32 s9, s7;
	s0 =	sadd.s32 s3, s0;
	[dreg:$0x6] =	wrdreg s25  }
0x11: {  	s9 =	sadd.s32 $0xBA800, s26;
	s10 =	sadd.s32 $0xB0800, s26;
	s7 =	sshrl.u32 s24, $0x3  }
0x12: {  	s24 =	simm.s32 $0x580;
	s25 =	simm.s32 $0x280;
	[dreg:$0x4] =	wrdreg s6  }
0x13: {  	s26 =	simm.s32 $0x600;
	s0 =	sadd.s32 $0xC4800, s0;
	[dreg:$0x7] =	wrdreg s7  }
0x14: {  	s3 =	simm.s32 $0x0;
	[dreg:$0x5] =	wrdreg s0;
	s0 =	simm.s32 $0x780  }
.LBB2_1:
0x15: {  	s1 =	rddreg [dreg:$0x1]  }
0x16: {  	[spmem:s7], [sflag:s6] =	dma.local [hbm:s1], $0x2800  }
0x17: {  	_ =	swait.ge [sflag:s12], $0x2800  }
0x18: {  	[sflag:s12] =	ssyncset.done $0x0  }
0x19: {  	[sflag:s12] =	ssyncadd.s32 $0xFFFFD800  }
0x1a: {  	s8 =	sadd.s32 $0x0, s10;
	[bflag:$0x0] =	sbarrier.arrive $0xFFFF  }
0x1b: {  	[tilespmem:s4], [sflag:$0x3] =	stream.linear.gather [hbm4b:s8+s4], $0x400, $0x38;
	[tilespmem:$0x1C800] =	vst v63  }
0x1c: {  	_ =	swait.ge [sflag:s12], $0x400  }
0x1d: {  	[sflag:s12] =	ssyncset.done $0x0  }
0x1e: {  	s11 =	sadd.s32 $0x0, s9;
	[sflag:s12] =	ssyncadd.s32 $0xFFFFFC00  }
0x1f: {  	[tilespmem:s13], [sflag:$0x3] =	stream.linear.gather [hbm4b:s11+s4], $0x400, $0x38;
	[tilespmem:$0x1C800] =	vst v63  }
0x20: {  	_ =	swait.ge [sflag:s12], $0x400  }
0x21: {  	[sflag:s12] =	ssyncset.done $0x0  }
0x22: {  	[sflag:s12] =	ssyncadd.s32 $0xFFFFFC00  }
0x23: {  	[tilespmem:s15], [sflag:$0x1] =	stream.indirect.gather [hbm4b:s5+s14], $0x80, s4, s14, $0xb8;
	[tilespmem:$0x1C800] =	vst v63  }
0x24: {  	_ = 	snop  }
0x25: {  	[tilespmem:s16], [sflag:$0x2] =	stream.indirect.gather [hbm4b:s5+s14], $0x80, s14, s14, $0xb8;
	[tilespmem:$0x1C800] =	vst v63  }
0x26: {  	_ =	swait.ge [sflag:s17], $0x4000  }
0x27: {  	[sflag:s17] =	ssyncset.done $0x0  }
0x28: {  	[sflag:s17] =	ssyncadd.s32 $0xFFFFC000  }
0x29: {  	[spmem:s2] =	stream.indirect.scatter.add.f32 [tilespmem:s15], [sflag:$0x3], $0x80, s13, s14, $0xb8;
	[tilespmem:$0x1C800] =	vst v63  }
0x2a: {  	_ =	swait.ge [sflag:s12], $0x4000  }
0x2b: {  	[sflag:s12] =	ssyncset.done $0x0  }
0x2c: {  	[sflag:s12] =	ssyncadd.s32 $0xFFFFC000  }
0x2d: {  	[tilespmem:s15], [sflag:$0x1] =	stream.indirect.gather [hbm4b:s5+s14], $0x80, s18, s14, $0xb8;
	[tilespmem:$0x1C800] =	vst v63  }
0x2e: {  	_ =	swait.ge [sflag:s19], $0x4000  }
0x2f: {  	[sflag:s19] =	ssyncset.done $0x0  }
0x30: {  	[sflag:s19] =	ssyncadd.s32 $0xFFFFC000  }
0x31: {  	[spmem:s2] =	stream.indirect.scatter.add.f32 [tilespmem:s16], [sflag:$0x3], $0x80, s20, s14, $0xb8;
	[tilespmem:$0x1C800] =	vst v63  }
0x32: {  	_ =	swait.ge [sflag:s12], $0x4000  }
0x33: {  	[sflag:s12] =	ssyncset.done $0x0  }
0x34: {  	[sflag:s12] =	ssyncadd.s32 $0xFFFFC000  }
0x35: {  	[tilespmem:s16], [sflag:$0x2] =	stream.indirect.gather [hbm4b:s5+s14], $0x80, s21, s14, $0xb8;
	[tilespmem:$0x1C800] =	vst v63  }
0x36: {  	_ =	swait.ge [sflag:s17], $0x4000  }
0x37: {  	[sflag:s17] =	ssyncset.done $0x0  }
0x38: {  	[sflag:s17] =	ssyncadd.s32 $0xFFFFC000  }
0x39: {  	[spmem:s2] =	stream.indirect.scatter.add.f32 [tilespmem:s15], [sflag:$0x3], $0x80, s22, s14, $0xb8;
	[tilespmem:$0x1C800] =	vst v63  }
0x3a: {  	_ =	swait.ge [sflag:s12], $0x4000  }
0x3b: {  	[sflag:s12] =	ssyncset.done $0x0  }
0x3c: {  	[sflag:s12] =	ssyncadd.s32 $0xFFFFC000  }
0x3d: {  	[tilespmem:s15], [sflag:$0x1] =	stream.indirect.gather [hbm4b:s5+s14], $0x80, s23, s14, $0xb8;
	[tilespmem:$0x1C800] =	vst v63  }
0x3e: {  	_ =	swait.ge [sflag:s19], $0x4000  }
0x3f: {  	[sflag:s19] =	ssyncset.done $0x0  }
0x40: {  	[sflag:s19] =	ssyncadd.s32 $0xFFFFC000  }
0x41: {  	[spmem:s2] =	stream.indirect.scatter.add.f32 [tilespmem:s16], [sflag:$0x3], $0x80, s24, s14, $0xb8;
	[tilespmem:$0x1C800] =	vst v63  }
0x42: {  	_ =	swait.ge [sflag:s12], $0x4000  }
0x43: {  	[sflag:s12] =	ssyncset.done $0x0  }
0x44: {  	[sflag:s12] =	ssyncadd.s32 $0xFFFFC000  }
0x45: {  	[tilespmem:s16], [sflag:$0x2] =	stream.indirect.gather [hbm4b:s5+s14], $0x80, s25, s14, $0xb8;
	[tilespmem:$0x1C800] =	vst v63  }
0x46: {  	_ =	swait.ge [sflag:s17], $0x4000  }
0x47: {  	[sflag:s17] =	ssyncset.done $0x0  }
0x48: {  	[sflag:s17] =	ssyncadd.s32 $0xFFFFC000  }
0x49: {  	[spmem:s2] =	stream.indirect.scatter.add.f32 [tilespmem:s15], [sflag:$0x3], $0x80, s26, s14, $0xb8;
	[tilespmem:$0x1C800] =	vst v63  }
0x4a: {  	_ =	swait.ge [sflag:s12], $0x4000  }
0x4b: {  	[sflag:s12] =	ssyncset.done $0x0  }
0x4c: {  	[sflag:s12] =	ssyncadd.s32 $0xFFFFC000  }
0x4d: {  	[tilespmem:s15], [sflag:$0x1] =	stream.indirect.gather [hbm4b:s5+s14], $0x80, s28, s14, $0xb8;
	[tilespmem:$0x1C800] =	vst v63  }
0x4e: {  	_ =	swait.ge [sflag:s19], $0x4000  }
0x4f: {  	[sflag:s19] =	ssyncset.done $0x0  }
0x50: {  	[sflag:s19] =	ssyncadd.s32 $0xFFFFC000  }
0x51: {  	[spmem:s2] =	stream.indirect.scatter.add.f32 [tilespmem:s16], [sflag:$0x3], $0x80, s29, s14, $0xb8;
	[tilespmem:$0x1C800] =	vst v63  }
0x52: {  	_ =	swait.ge [sflag:s12], $0x4000  }
0x53: {  	[sflag:s12] =	ssyncset.done $0x0  }
0x54: {  	[sflag:s12] =	ssyncadd.s32 $0xFFFFC000  }
0x55: {  	[tilespmem:s16], [sflag:$0x2] =	stream.indirect.gather [hbm4b:s5+s14], $0x80, s30, s14, $0xb8;
	[tilespmem:$0x1C800] =	vst v63  }
0x56: {  	_ =	swait.ge [sflag:s17], $0x4000  }
0x57: {  	[sflag:s17] =	ssyncset.done $0x0  }
0x58: {  	[sflag:s17] =	ssyncadd.s32 $0xFFFFC000  }
0x59: {  	[spmem:s2] =	stream.indirect.scatter.add.f32 [tilespmem:s15], [sflag:$0x3], $0x80, s31, s14, $0xb8;
	[tilespmem:$0x1C800] =	vst v63  }
0x5a: {  	_ =	swait.ge [sflag:s12], $0x4000  }
0x5b: {  	[sflag:s12] =	ssyncset.done $0x0  }
0x5c: {  	[sflag:s12] =	ssyncadd.s32 $0xFFFFC000  }
0x5d: {  	_ =	swait.ge [sflag:s19], $0x4000  }
0x5e: {  	[sflag:s19] =	ssyncset.done $0x0  }
0x5f: {  	[sflag:s19] =	ssyncadd.s32 $0xFFFFC000  }
0x60: {  	[spmem:s2] =	stream.indirect.scatter.add.f32 [tilespmem:s16], [sflag:$0x3], $0x80, s0, s14, $0xb8;
	[tilespmem:$0x1C800] =	vst v63  }
0x61: {  	_ =	swait.ge [sflag:s12], $0x4000  }
0x62: {  	s1 =	simm.s32 $0x80;
	s7 =	simm.s32 $0x100;
	[sflag:s12] =	ssyncset.done $0x0  }
.LBB2_2:
0x63: {  	s6 =	sadd.s32 s1, s10  }
0x64: {  	[sflag:s12] =	ssyncadd.s32 $0xFFFFC000;
	s11 =	smov.u32 s7;
	s8 =	sadd.s32 $0x80, s7  }
0x65: {  	[tilespmem:s4], [sflag:$0x3] =	stream.linear.gather [hbm4b:s6+s4], $0x400, $0x38;
	[tilespmem:$0x1C800] =	vst v63  }
0x66: {  	p0 =	sne.s32 s7, $0x480;
	_ =	swait.ge [sflag:s12], $0x400  }
0x67: {  	[sflag:s12] =	ssyncset.done $0x0  }
0x68: {  	s6 =	sadd.s32 s1, s9;
	s1 =	smov.u32 s11;
	[sflag:s12] =	ssyncadd.s32 $0xFFFFFC00  }
0x69: {  	[tilespmem:s13], [sflag:$0x3] =	stream.linear.gather [hbm4b:s6+s4], $0x400, $0x38;
	[tilespmem:$0x1C800] =	vst v63  }
0x6a: {  	_ =	swait.ge [sflag:s12], $0x400  }
0x6b: {  	[sflag:s12] =	ssyncset.done $0x0  }
0x6c: {  	[sflag:s12] =	ssyncadd.s32 $0xFFFFFC00  }
0x6d: {  	[tilespmem:s15], [sflag:$0x1] =	stream.indirect.gather [hbm4b:s5+s14], $0x80, s4, s14, $0xb8;
	[tilespmem:$0x1C800] =	vst v63  }
0x6e: {  	_ = 	snop  }
0x6f: {  	[tilespmem:s16], [sflag:$0x2] =	stream.indirect.gather [hbm4b:s5+s14], $0x80, s14, s14, $0xb8;
	[tilespmem:$0x1C800] =	vst v63  }
0x70: {  	_ =	swait.ge [sflag:s17], $0x4000  }
0x71: {  	[sflag:s17] =	ssyncset.done $0x0  }
0x72: {  	[sflag:s17] =	ssyncadd.s32 $0xFFFFC000  }
0x73: {  	[spmem:s2] =	stream.indirect.scatter.add.f32 [tilespmem:s15], [sflag:$0x3], $0x80, s13, s14, $0xb8;
	[tilespmem:$0x1C800] =	vst v63  }
0x74: {  	_ =	swait.ge [sflag:s12], $0x4000  }
0x75: {  	[sflag:s12] =	ssyncset.done $0x0  }
0x76: {  	[sflag:s12] =	ssyncadd.s32 $0xFFFFC000  }
0x77: {  	[tilespmem:s15], [sflag:$0x1] =	stream.indirect.gather [hbm4b:s5+s14], $0x80, s18, s14, $0xb8;
	[tilespmem:$0x1C800] =	vst v63  }
0x78: {  	_ =	swait.ge [sflag:s19], $0x4000  }
0x79: {  	[sflag:s19] =	ssyncset.done $0x0  }
0x7a: {  	[sflag:s19] =	ssyncadd.s32 $0xFFFFC000  }
0x7b: {  	[spmem:s2] =	stream.indirect.scatter.add.f32 [tilespmem:s16], [sflag:$0x3], $0x80, s20, s14, $0xb8;
	[tilespmem:$0x1C800] =	vst v63  }
0x7c: {  	_ =	swait.ge [sflag:s12], $0x4000  }
0x7d: {  	[sflag:s12] =	ssyncset.done $0x0  }
0x7e: {  	[sflag:s12] =	ssyncadd.s32 $0xFFFFC000  }
0x7f: {  	[tilespmem:s16], [sflag:$0x2] =	stream.indirect.gather [hbm4b:s5+s14], $0x80, s21, s14, $0xb8;
	[tilespmem:$0x1C800] =	vst v63  }
0x80: {  	_ =	swait.ge [sflag:s17], $0x4000  }
0x81: {  	[sflag:s17] =	ssyncset.done $0x0  }
0x82: {  	[sflag:s17] =	ssyncadd.s32 $0xFFFFC000  }
0x83: {  	[spmem:s2] =	stream.indirect.scatter.add.f32 [tilespmem:s15], [sflag:$0x3], $0x80, s22, s14, $0xb8;
	[tilespmem:$0x1C800] =	vst v63  }
0x84: {  	_ =	swait.ge [sflag:s12], $0x4000  }
0x85: {  	[sflag:s12] =	ssyncset.done $0x0  }
0x86: {  	[sflag:s12] =	ssyncadd.s32 $0xFFFFC000  }
0x87: {  	[tilespmem:s15], [sflag:$0x1] =	stream.indirect.gather [hbm4b:s5+s14], $0x80, s23, s14, $0xb8;
	[tilespmem:$0x1C800] =	vst v63  }
0x88: {  	_ =	swait.ge [sflag:s19], $0x4000  }
0x89: {  	[sflag:s19] =	ssyncset.done $0x0  }
0x8a: {  	[sflag:s19] =	ssyncadd.s32 $0xFFFFC000  }
0x8b: {  	[spmem:s2] =	stream.indirect.scatter.add.f32 [tilespmem:s16], [sflag:$0x3], $0x80, s24, s14, $0xb8;
	[tilespmem:$0x1C800] =	vst v63  }
0x8c: {  	_ =	swait.ge [sflag:s12], $0x4000  }
0x8d: {  	[sflag:s12] =	ssyncset.done $0x0  }
0x8e: {  	[sflag:s12] =	ssyncadd.s32 $0xFFFFC000  }
0x8f: {  	[tilespmem:s16], [sflag:$0x2] =	stream.indirect.gather [hbm4b:s5+s14], $0x80, s25, s14, $0xb8;
	[tilespmem:$0x1C800] =	vst v63  }
0x90: {  	_ =	swait.ge [sflag:s17], $0x4000  }
0x91: {  	[sflag:s17] =	ssyncset.done $0x0  }
0x92: {  	[sflag:s17] =	ssyncadd.s32 $0xFFFFC000  }
0x93: {  	[spmem:s2] =	stream.indirect.scatter.add.f32 [tilespmem:s15], [sflag:$0x3], $0x80, s26, s14, $0xb8;
	[tilespmem:$0x1C800] =	vst v63  }
0x94: {  	_ =	swait.ge [sflag:s12], $0x4000  }
0x95: {  	[sflag:s12] =	ssyncset.done $0x0  }
0x96: {  	[sflag:s12] =	ssyncadd.s32 $0xFFFFC000  }
0x97: {  	[tilespmem:s15], [sflag:$0x1] =	stream.indirect.gather [hbm4b:s5+s14], $0x80, s28, s14, $0xb8;
	[tilespmem:$0x1C800] =	vst v63  }
0x98: {  	_ =	swait.ge [sflag:s19], $0x4000  }
0x99: {  	[sflag:s19] =	ssyncset.done $0x0  }
0x9a: {  	[sflag:s19] =	ssyncadd.s32 $0xFFFFC000  }
0x9b: {  	[spmem:s2] =	stream.indirect.scatter.add.f32 [tilespmem:s16], [sflag:$0x3], $0x80, s29, s14, $0xb8;
	[tilespmem:$0x1C800] =	vst v63  }
0x9c: {  	_ =	swait.ge [sflag:s12], $0x4000  }
0x9d: {  	[sflag:s12] =	ssyncset.done $0x0  }
0x9e: {  	[sflag:s12] =	ssyncadd.s32 $0xFFFFC000  }
0x9f: {  	[tilespmem:s16], [sflag:$0x2] =	stream.indirect.gather [hbm4b:s5+s14], $0x80, s30, s14, $0xb8;
	[tilespmem:$0x1C800] =	vst v63  }
0xa0: {  	_ =	swait.ge [sflag:s17], $0x4000  }
0xa1: {  	[sflag:s17] =	ssyncset.done $0x0  }
0xa2: {  	[sflag:s17] =	ssyncadd.s32 $0xFFFFC000  }
0xa3: {  	[spmem:s2] =	stream.indirect.scatter.add.f32 [tilespmem:s15], [sflag:$0x3], $0x80, s31, s14, $0xb8;
	[tilespmem:$0x1C800] =	vst v63  }
0xa4: {  	_ =	swait.ge [sflag:s12], $0x4000  }
0xa5: {  	[sflag:s12] =	ssyncset.done $0x0  }
0xa6: {  	[sflag:s12] =	ssyncadd.s32 $0xFFFFC000  }
0xa7: {  	_ =	swait.ge [sflag:s19], $0x4000  }
.Ltmp0:
0xa8: {  	[sflag:s19] =	ssyncset.done $0x0;
	(pc) =	sbr.rel @p0 .LBB2_2-.Ltmp0, $4  }
0xa9: {  	[sflag:s19] =	ssyncadd.s32 $0xFFFFC000  }
0xaa: {  	[spmem:s2] =	stream.indirect.scatter.add.f32 [tilespmem:s16], [sflag:$0x3], $0x80, s0, s14, $0xb8;
	[tilespmem:$0x1C800] =	vst v63  }
0xab: {  	_ =	swait.ge [sflag:s12], $0x4000  }
0xac: {  	s7 =	smov.u32 s8;
	[sflag:s12] =	ssyncset.done $0x0  }
0xad: {  	s6 =	sadd.s32 s1, s10;
	[sflag:s12] =	ssyncadd.s32 $0xFFFFC000  }
0xae: {  	[tilespmem:s4], [sflag:$0x3] =	stream.linear.gather [hbm4b:s6+s4], $0x400, $0x38;
	[tilespmem:$0x1C800] =	vst v63  }
0xaf: {  	_ =	swait.ge [sflag:s12], $0x400  }
0xb0: {  	[sflag:s12] =	ssyncset.done $0x0  }
0xb1: {  	s7 =	sadd.s32 s1, s9;
	[sflag:s12] =	ssyncadd.s32 $0xFFFFFC00  }
0xb2: {  	[tilespmem:s13], [sflag:$0x3] =	stream.linear.gather [hbm4b:s7+s4], $0x400, $0x38;
	[tilespmem:$0x1C800] =	vst v63  }
0xb3: {  	_ =	swait.ge [sflag:s12], $0x400  }
0xb4: {  	[sflag:s12] =	ssyncset.done $0x0  }
0xb5: {  	[sflag:s12] =	ssyncadd.s32 $0xFFFFFC00  }
0xb6: {  	[tilespmem:s15], [sflag:$0x1] =	stream.indirect.gather [hbm4b:s5+s14], $0x80, s4, s14, $0xb8;
	[tilespmem:$0x1C800] =	vst v63  }
0xb7: {  	_ = 	snop  }
0xb8: {  	[tilespmem:s16], [sflag:$0x2] =	stream.indirect.gather [hbm4b:s5+s14], $0x80, s14, s14, $0xb8;
	[tilespmem:$0x1C800] =	vst v63  }
0xb9: {  	_ =	swait.ge [sflag:s17], $0x4000  }
0xba: {  	[sflag:s17] =	ssyncset.done $0x0  }
0xbb: {  	[sflag:s17] =	ssyncadd.s32 $0xFFFFC000  }
0xbc: {  	[spmem:s2] =	stream.indirect.scatter.add.f32 [tilespmem:s15], [sflag:$0x3], $0x80, s13, s14, $0xb8;
	[tilespmem:$0x1C800] =	vst v63  }
0xbd: {  	_ =	swait.ge [sflag:s12], $0x4000  }
0xbe: {  	[sflag:s12] =	ssyncset.done $0x0  }
0xbf: {  	[sflag:s12] =	ssyncadd.s32 $0xFFFFC000  }
0xc0: {  	[tilespmem:s15], [sflag:$0x1] =	stream.indirect.gather [hbm4b:s5+s14], $0x80, s18, s14, $0xb8;
	[tilespmem:$0x1C800] =	vst v63  }
0xc1: {  	_ =	swait.ge [sflag:s19], $0x4000  }
0xc2: {  	[sflag:s19] =	ssyncset.done $0x0  }
0xc3: {  	[sflag:s19] =	ssyncadd.s32 $0xFFFFC000  }
0xc4: {  	[spmem:s2] =	stream.indirect.scatter.add.f32 [tilespmem:s16], [sflag:$0x3], $0x80, s20, s14, $0xb8;
	[tilespmem:$0x1C800] =	vst v63  }
0xc5: {  	_ =	swait.ge [sflag:s12], $0x4000  }
0xc6: {  	[sflag:s12] =	ssyncset.done $0x0  }
0xc7: {  	[sflag:s12] =	ssyncadd.s32 $0xFFFFC000  }
0xc8: {  	[tilespmem:s16], [sflag:$0x2] =	stream.indirect.gather [hbm4b:s5+s14], $0x80, s21, s14, $0xb8;
	[tilespmem:$0x1C800] =	vst v63  }
0xc9: {  	_ =	swait.ge [sflag:s17], $0x4000  }
0xca: {  	[sflag:s17] =	ssyncset.done $0x0  }
0xcb: {  	[sflag:s17] =	ssyncadd.s32 $0xFFFFC000  }
0xcc: {  	[spmem:s2] =	stream.indirect.scatter.add.f32 [tilespmem:s15], [sflag:$0x3], $0x80, s22, s14, $0xb8;
	[tilespmem:$0x1C800] =	vst v63  }
0xcd: {  	_ =	swait.ge [sflag:s12], $0x4000  }
0xce: {  	[sflag:s12] =	ssyncset.done $0x0  }
0xcf: {  	[sflag:s12] =	ssyncadd.s32 $0xFFFFC000  }
0xd0: {  	[tilespmem:s15], [sflag:$0x1] =	stream.indirect.gather [hbm4b:s5+s14], $0x80, s23, s14, $0xb8;
	[tilespmem:$0x1C800] =	vst v63  }
0xd1: {  	_ =	swait.ge [sflag:s19], $0x4000  }
0xd2: {  	[sflag:s19] =	ssyncset.done $0x0  }
0xd3: {  	[sflag:s19] =	ssyncadd.s32 $0xFFFFC000  }
0xd4: {  	[spmem:s2] =	stream.indirect.scatter.add.f32 [tilespmem:s16], [sflag:$0x3], $0x80, s24, s14, $0xb8;
	[tilespmem:$0x1C800] =	vst v63  }
0xd5: {  	_ =	swait.ge [sflag:s12], $0x4000  }
0xd6: {  	[sflag:s12] =	ssyncset.done $0x0  }
0xd7: {  	[sflag:s12] =	ssyncadd.s32 $0xFFFFC000  }
0xd8: {  	[tilespmem:s16], [sflag:$0x2] =	stream.indirect.gather [hbm4b:s5+s14], $0x80, s25, s14, $0xb8;
	[tilespmem:$0x1C800] =	vst v63  }
0xd9: {  	_ =	swait.ge [sflag:s17], $0x4000  }
0xda: {  	[sflag:s17] =	ssyncset.done $0x0  }
0xdb: {  	[sflag:s17] =	ssyncadd.s32 $0xFFFFC000  }
0xdc: {  	[spmem:s2] =	stream.indirect.scatter.add.f32 [tilespmem:s15], [sflag:$0x3], $0x80, s26, s14, $0xb8;
	[tilespmem:$0x1C800] =	vst v63  }
0xdd: {  	_ =	swait.ge [sflag:s12], $0x4000  }
0xde: {  	[sflag:s12] =	ssyncset.done $0x0  }
0xdf: {  	[sflag:s12] =	ssyncadd.s32 $0xFFFFC000  }
0xe0: {  	[tilespmem:s15], [sflag:$0x1] =	stream.indirect.gather [hbm4b:s5+s14], $0x80, s28, s14, $0xb8;
	[tilespmem:$0x1C800] =	vst v63  }
0xe1: {  	_ =	swait.ge [sflag:s19], $0x4000  }
0xe2: {  	[sflag:s19] =	ssyncset.done $0x0  }
0xe3: {  	[sflag:s19] =	ssyncadd.s32 $0xFFFFC000  }
0xe4: {  	[spmem:s2] =	stream.indirect.scatter.add.f32 [tilespmem:s16], [sflag:$0x3], $0x80, s29, s14, $0xb8;
	[tilespmem:$0x1C800] =	vst v63  }
0xe5: {  	_ =	swait.ge [sflag:s12], $0x4000  }
0xe6: {  	[sflag:s12] =	ssyncset.done $0x0  }
0xe7: {  	[sflag:s12] =	ssyncadd.s32 $0xFFFFC000  }
0xe8: {  	[tilespmem:s16], [sflag:$0x2] =	stream.indirect.gather [hbm4b:s5+s14], $0x80, s30, s14, $0xb8;
	[tilespmem:$0x1C800] =	vst v63  }
0xe9: {  	_ =	swait.ge [sflag:s17], $0x4000  }
0xea: {  	[sflag:s17] =	ssyncset.done $0x0  }
0xeb: {  	[sflag:s17] =	ssyncadd.s32 $0xFFFFC000  }
0xec: {  	[spmem:s2] =	stream.indirect.scatter.add.f32 [tilespmem:s15], [sflag:$0x3], $0x80, s31, s14, $0xb8;
	[tilespmem:$0x1C800] =	vst v63  }
0xed: {  	_ =	swait.ge [sflag:s12], $0x4000  }
0xee: {  	[sflag:s12] =	ssyncset.done $0x0  }
0xef: {  	[sflag:s12] =	ssyncadd.s32 $0xFFFFC000  }
0xf0: {  	_ =	swait.ge [sflag:s19], $0x4000  }
0xf1: {  	[sflag:s19] =	ssyncset.done $0x0  }
0xf2: {  	[sflag:s19] =	ssyncadd.s32 $0xFFFFC000  }
0xf3: {  	[spmem:s2] =	stream.indirect.scatter.add.f32 [tilespmem:s16], [sflag:$0x3], $0x80, s0, s14, $0xb8;
	[tilespmem:$0x1C800] =	vst v63  }
0xf4: {  	_ =	swait.ge [sflag:s12], $0x4000  }
0xf5: {  	[sflag:s12] =	ssyncset.done $0x0  }
0xf6: {  	[sflag:s12] =	ssyncadd.s32 $0xFFFFC000  }
0xf7: {  	[bflag:$0x0] =	sbarrier.arrive $0xFFFF  }
0xf8: {  	s6 =	rddreg [dreg:$0x4]  }
0xf9: {  	s8 =	rddreg [dreg:$0x5]  }
0xfa: {  	s7 =	rddreg [dreg:$0x7]  }
0xfb: {  	[hbm:s8], [sflag:s6] =	dma.local [spmem:s7], $0x2800  }
0xfc: {  	_ =	swait.ge [sflag:s12], $0x2800  }
0xfd: {  	s3 =	sadd.s32 $0x1, s3;
	s11 =	rddreg [dreg:$0x6]  }
0xfe: {  	p0 =	sne.s32 s3, s11  }
.Ltmp1:
0xff: {  	_ = 	snop;
	(pc) =	sbr.rel @p0 .LBB2_1-.Ltmp1, $3  }
0x100: {  	_ =	sdelay $0x1  }
0x101: {  	[sflag:s12] =	ssyncset.done $0x0  }
0x102: {  	[sflag:s12] =	ssyncadd.s32 $0xFFFFD800  }
0x103: {  	_ =	sfence.sel $0x180000  }
0x104: {  	[bflag:$0x0] =	sbarrier.arrive $0xFFFF  }
0x105: {  	_ =	strace $0x90000050  }
0x106: {  	s0 =	stileid.u32;
	[bflag:$0x2] =	sbarrier.arrive $0xFFFF  }
0x107: {  	p0 =	sne.s32 s0, $0x0;
	s0 =	rddreg [dreg:$0x3]  }
0x108: {  	s0 =	sadd.s32 @!p0 $0x100000, s0  }
0x109: {  	[sflag:s0] =	ssyncadd.tile.s32 @!p0 $0x1;
	_ =	shalt  }
.Lfunc_end2:
_tile_overlayer_lowered:
.L_overlay_start_2:
0x10a: {  	(tag) =	ssettag $0x2  }
0x10b: {  	s0 =	rddreg [dreg:$0x0];
	s2 =	stileid.u32  }
0x10c: {  	s1 =	rddreg [dreg:$0x1];
	p0 =	sne.s32 s2, $0x0  }
0x10d: {  	s3 =	rddreg [dreg:$0x2];
	[bflag:$0x3] =	sbarrier.arrive $0xFFFF;
	s2 =	simm.s32 @!p0 $0x1C03  }
0x10e: {  	[timem:s3], [sflag:s2] =	dma.local @!p0 [hbm:s0], s1  }
0x10f: {  	s0 =	simm.s32 @!p0 $0x3  }
0x110: {  	_ =	swait.ge @!p0 [sflag:s0], s1  }
0x111: {  	s1 =	ssub.s32 @!p0 $0x0, s1;
	[sflag:s0] =	ssyncset.done @!p0 $0x0  }
0x112: {  	[sflag:s0] =	ssyncadd.s32 @!p0 s1  }
0x113: {  	[bflag:$0x3] =	sbarrier.arrive $0xFFFF  }
0x114: {  	_ =	shalt  }

</sc_bundles>
